<compile_context>
chip_gen: v7x
topology: tpu7x:2x2x1
jax: 0.10.2.dev20260603
libtpu: 0.0.44.dev20260713+nightly
codegen_flags: <defaults>
</compile_context>

<pallas_src>
import functools

import jax
import jax.numpy as jnp
import numpy as np
from jax import lax
from jax.experimental import pallas as pl
from jax.experimental.pallas import tpu as pltpu
from jax.experimental.pallas import tpu_sc as plsc

N_LEVELS = 16
N_CHANNELS = 2
LOG2_TABLE = 19
N_VOLUMES = 64
LOCAL_SIZE = 1 << LOG2_TABLE
POOL_SIZE = LOCAL_SIZE * N_LEVELS
RES_BASE_POW2 = 3.0
RES_FINE_POW2 = 10.0
N_POINTS = 131072

_rng = np.random.RandomState(123)
_PRIMES_NP = (
    _rng.randint(1 << 20, 1 << 30, size=(N_LEVELS, 3)).astype(np.uint32)
    * np.uint32(2)
    + np.uint32(1)
).astype(np.int64).astype(np.int32)

_NC = 2
_NS = 16
_NW = _NC * _NS
_CHUNK = N_POINTS // _NW
_G = 16
_NGROUPS = _CHUNK // _G
_MASK = LOCAL_SIZE - 1
_OUT_W = N_LEVELS * N_CHANNELS

_NPAR_I = 6
_PARAMS_I_NP = np.zeros((N_LEVELS, _NPAR_I, 16), np.int32)
for _l in range(N_LEVELS):
    _PARAMS_I_NP[_l, 0, :] = _PRIMES_NP[_l, 0]
    _PARAMS_I_NP[_l, 1, :] = _PRIMES_NP[_l, 1]
    _PARAMS_I_NP[_l, 2, :] = _PRIMES_NP[_l, 2]
    _PARAMS_I_NP[_l, 3, :] = _l * LOCAL_SIZE
    _PARAMS_I_NP[_l, 4, :] = 3 * _l
    _PARAMS_I_NP[_l, 5, :] = 2 * _l
_PARAMS_I_NP = _PARAMS_I_NP.reshape(-1)


def _body(points_hbm, anchors_hbm, ch0_hbm, ch1_hbm, bias_hbm, res_hbm,
          pari_hbm,
          out_hbm,
          pts_v, anch_v, bias_v, res_v, pari_v,
          idx_buf, w_buf, f0_buf, f1_buf, out_buf, sem_a, sem_b, outsem):
    wid = lax.axis_index("s") * _NC + lax.axis_index("c")
    base = wid * _CHUNK

    pltpu.sync_copy(points_hbm.at[pl.ds(base * 3, _CHUNK * 3)], pts_v)
    pltpu.sync_copy(anchors_hbm.at[pl.ds(base, _CHUNK)], anch_v)
    pltpu.sync_copy(bias_hbm, bias_v)
    pltpu.sync_copy(res_hbm, res_v)
    pltpu.sync_copy(pari_hbm, pari_v)

    p_iota = lax.iota(jnp.int32, 16)
    p3 = p_iota * 3
    pout = p_iota * _OUT_W

    _B = N_LEVELS * 128

    def fire(g, ob, sem):
        prow = g * (_G * 3) + p3
        x = plsc.load_gather(pts_v, [prow])
        y = plsc.load_gather(pts_v, [prow + 1])
        z = plsc.load_gather(pts_v, [prow + 2])
        anch = anch_v[pl.ds(g * _G, _G)]
        brow = anch * (N_LEVELS * 3)

        def level_body(l, c):
            pb = l * (_NPAR_I * 16)
            pxv = pari_v[pl.ds(pb, 16)]
            pyv = pari_v[pl.ds(pb + 16, 16)]
            pzv = pari_v[pl.ds(pb + 32, 16)]
            loff = pari_v[pl.ds(pb + 48, 16)]
            l3v = pari_v[pl.ds(pb + 64, 16)]
            res = res_v[pl.ds(l * 16, 16)]
            bx = plsc.load_gather(bias_v, [brow + l3v])
            by = plsc.load_gather(bias_v, [brow + (l3v + 1)])
            bz = plsc.load_gather(bias_v, [brow + (l3v + 2)])
            ptx = x * res + bx
            pty = y * res + by
            ptz = z * res + bz
            ix = ptx.astype(jnp.int32)
            iy = pty.astype(jnp.int32)
            iz = ptz.astype(jnp.int32)
            fx = ptx - ix.astype(jnp.float32)
            fy = pty - iy.astype(jnp.float32)
            fz = ptz - iz.astype(jnp.float32)
            hx0 = ix * pxv
            hx1 = hx0 + pxv
            hy0 = iy * pyv
            hy1 = hy0 + pyv
            hz0 = iz * pzv
            hz1 = hz0 + pzv
            hx = (hx0, hx1)
            hy = (hy0, hy1)
            hz = (hz0, hz1)
            wx = (1.0 - fx, fx)
            wy = (1.0 - fy, fy)
            wz = (1.0 - fz, fz)
            ibase = ob + l * 128
            for k in range(8):
                bxk, byk, bzk = (k >> 2) & 1, (k >> 1) & 1, k & 1
                hm = (hx[bxk] ^ hy[byk] ^ hz[bzk]) & _MASK
                idx_buf[pl.ds(ibase + k * 16, 16)] = hm + loff
                w_buf[pl.ds(ibase + k * 16, 16)] = wx[bxk] * wy[byk] * wz[bzk]
            sl = pl.ds(ibase, 128)
            pltpu.async_copy(ch0_hbm.at[idx_buf.at[sl]], f0_buf.at[sl], sem)
            pltpu.async_copy(ch1_hbm.at[idx_buf.at[sl]], f1_buf.at[sl], sem)
            return c

        lax.fori_loop(0, N_LEVELS, level_body, 0, unroll=2)

    def drain(ob, sem):
        def drain_body(l, c):
            sl = pl.ds(ob + l * 128, 128)
            pltpu.make_async_copy(ch0_hbm.at[idx_buf.at[sl]],
                                  f0_buf.at[sl], sem).wait()
            pltpu.make_async_copy(ch1_hbm.at[idx_buf.at[sl]],
                                  f1_buf.at[sl], sem).wait()
            return c

        lax.fori_loop(0, N_LEVELS, drain_body, 0)

    def accout(g, ob):
        @pl.when(g > 0)
        def _wait_prev():
            gp = g - 1
            pltpu.make_async_copy(
                out_buf.at[pl.ds((gp % 2) * (_G * _OUT_W), _G * _OUT_W)],
                out_hbm.at[pl.ds((base + gp * _G) * _OUT_W, _G * _OUT_W)],
                outsem).wait()

        obase = (g % 2) * (_G * _OUT_W)

        def acc_body(l, c):
            pb = l * (_NPAR_I * 16)
            l2v = pari_v[pl.ds(pb + 80, 16)]
            ibase = ob + l * 128
            acc0 = jnp.zeros((16,), jnp.float32)
            acc1 = jnp.zeros((16,), jnp.float32)
            for k in range(8):
                sl = pl.ds(ibase + k * 16, 16)
                w = w_buf[sl]
                acc0 = acc0 + w * f0_buf[sl]
                acc1 = acc1 + w * f1_buf[sl]
            plsc.store_scatter(out_buf, [obase + (pout + l2v)], acc0)
            plsc.store_scatter(out_buf, [obase + (pout + (l2v + 1))], acc1)
            return c

        lax.fori_loop(0, N_LEVELS, acc_body, 0, unroll=2)

        pltpu.async_copy(
            out_buf.at[pl.ds(obase, _G * _OUT_W)],
            out_hbm.at[pl.ds((base + g * _G) * _OUT_W, _G * _OUT_W)],
            outsem)

    def pair_body(i, carry):
        j0 = 2 * i
        j1 = j0 + 1
        fire(j0, 0, sem_a)

        @pl.when(i > 0)
        def _finish_prev_odd():
            drain(_B, sem_b)
            accout(j0 - 1, _B)

        fire(j1, _B, sem_b)
        drain(0, sem_a)
        accout(j0, 0)
        return carry

    lax.fori_loop(0, _NGROUPS // 2, pair_body, 0)
    jl = _NGROUPS - 1
    drain(_B, sem_b)
    accout(jl, _B)
    pltpu.make_async_copy(
        out_buf.at[pl.ds((jl % 2) * (_G * _OUT_W), _G * _OUT_W)],
        out_hbm.at[pl.ds((base + jl * _G) * _OUT_W, _G * _OUT_W)],
        outsem).wait()


@jax.jit
def _run(points, anchors, ch0, ch1, bias_pool, res, pari):
    mesh = plsc.VectorSubcoreMesh(core_axis_name="c", subcore_axis_name="s")
    f = functools.partial(
        pl.kernel,
        out_type=jax.ShapeDtypeStruct((N_POINTS * _OUT_W,), jnp.float32),
        mesh=mesh,
        scratch_types=[
            pltpu.VMEM((_CHUNK * 3,), jnp.float32),
            pltpu.VMEM((_CHUNK,), jnp.int32),
            pltpu.VMEM((N_VOLUMES * N_LEVELS * 3,), jnp.float32),
            pltpu.VMEM((N_LEVELS * 16,), jnp.float32),
            pltpu.VMEM((N_LEVELS * _NPAR_I * 16,), jnp.int32),
            pltpu.VMEM((2 * N_LEVELS * 128,), jnp.int32),
            pltpu.VMEM((2 * N_LEVELS * 128,), jnp.float32),
            pltpu.VMEM((2 * N_LEVELS * 128,), jnp.float32),
            pltpu.VMEM((2 * N_LEVELS * 128,), jnp.float32),
            pltpu.VMEM((2 * _G * _OUT_W,), jnp.float32),
            pltpu.SemaphoreType.DMA,
            pltpu.SemaphoreType.DMA,
            pltpu.SemaphoreType.DMA,
        ],
        compiler_params=pltpu.CompilerParams(needs_layout_passes=False),
    )(_body)
    return f(points, anchors, ch0, ch1, bias_pool, res, pari)


def kernel(points, anchors, feat_pool, bias_pool):
    levels = jnp.arange(N_LEVELS, dtype=jnp.float32)
    res = jnp.exp2(RES_BASE_POW2
                   + (RES_FINE_POW2 - RES_BASE_POW2) * levels / (N_LEVELS - 1))
    res_rep = jnp.broadcast_to(res[:, None], (N_LEVELS, 16)).reshape(-1)
    pari = jnp.asarray(_PARAMS_I_NP)
    ch0 = feat_pool[:, 0]
    ch1 = feat_pool[:, 1]
    out = _run(points.reshape(-1), anchors, ch0, ch1,
               bias_pool.reshape(-1), res_rep, pari)
    return out.reshape(N_POINTS, _OUT_W)

# --- scband reference (transcript-rebuilt; emitter-appended) ---
"""Pipeline reference for scband-hash3-danchored-87376814670189 (READ-ONLY COPY).

The authoritative reference and input builder live on the scoring server;
editing this copy changes nothing except your own understanding.
"""

import jax, jax.numpy as jnp
import numpy as np

N_LEVELS = 16
N_CHANNELS = 2
LOG2_TABLE = 19
N_VOLUMES = 64
LOCAL_SIZE = 1 << LOG2_TABLE
POOL_SIZE = LOCAL_SIZE * N_LEVELS
RES_BASE_POW2 = 3.0
RES_FINE_POW2 = 10.0
N_POINTS = 131072

_rng = np.random.RandomState(123)
PRIMES = (_rng.randint(1 << 20, 1 << 30, size=(N_LEVELS, 3)).astype(np.uint32) * np.uint32(2) + np.uint32(1))


def setup_inputs(seed: int = 0) -> dict:
    key = jax.random.key(seed)
    k1, k2, k3, k4 = jax.random.split(key, 4)
    points = jax.random.uniform(k1, (N_POINTS, 3), dtype=jnp.float32)
    anchors = jax.random.randint(k2, (N_POINTS,), 0, N_VOLUMES, dtype=jnp.int32)
    feat_pool = jax.random.normal(k3, (POOL_SIZE, N_CHANNELS), dtype=jnp.float32) * 0.1
    bias_pool = jax.random.uniform(k4, (N_VOLUMES * N_LEVELS, 3), dtype=jnp.float32) * 100.0
    return {"points": points, "anchors": anchors, "feat_pool": feat_pool, "bias_pool": bias_pool}


def _hash_encode(points, anchors, feat_pool, bias_pool):
    n = points.shape[0]
    levels = jnp.arange(N_LEVELS, dtype=jnp.float32)
    res = jnp.exp2(RES_BASE_POW2 + (RES_FINE_POW2 - RES_BASE_POW2) * levels / (N_LEVELS - 1))
    bias = bias_pool.reshape(N_VOLUMES, N_LEVELS, 3)[anchors]  # [N, L, 3] per-anchor per-level offset
    pt = points[:, None, :] * res[None, :, None] + bias  # [N, L, 3]
    pt_floor = jnp.floor(pt)
    frac = pt - pt_floor
    base = pt_floor.astype(jnp.int32).astype(jnp.uint32)  # [N, L, 3]
    primes = jnp.asarray(PRIMES)  # [L, 3] uint32
    offsets = jnp.asarray([[0, 0, 0], [0, 0, 1], [0, 1, 0], [0, 1, 1],
                           [1, 0, 0], [1, 0, 1], [1, 1, 0], [1, 1, 1]], dtype=jnp.uint32)  # [8, 3]
    corner = base[:, :, None, :] + offsets[None, None, :, :]  # [N, L, 8, 3]
    h = corner * primes[None, :, None, :]  # uint32 wraparound multiply
    idx = (h[..., 0] ^ h[..., 1] ^ h[..., 2]) & jnp.uint32(LOCAL_SIZE - 1)  # [N, L, 8]
    idx = idx.astype(jnp.int32) + (jnp.arange(N_LEVELS, dtype=jnp.int32) * LOCAL_SIZE)[None, :, None]
    feats = feat_pool[idx]  # gather -> [N, L, 8, C]
    off_f = offsets.astype(jnp.float32)
    w = jnp.prod(off_f[None, None, :, :] * frac[:, :, None, :]
                 + (1.0 - off_f[None, None, :, :]) * (1.0 - frac[:, :, None, :]), axis=-1)  # [N, L, 8]
    out = jnp.sum(feats * w[..., None], axis=2)  # [N, L, C]
    return out.reshape(n, N_LEVELS * N_CHANNELS)


def reference(points, anchors, feat_pool, bias_pool):
    return _hash_encode(points, anchors, feat_pool, bias_pool)

if __name__ == "__main__":
    import jax
    _d = setup_inputs()
    print(jax.jit(kernel)(*tuple(_d.values())))

</pallas_src>

<mosaic_0001>
#map = affine_map<(d0, d1) -> (0)>
module attributes {stable_mosaic.version = 14 : i64} {
  func.func @_body(%arg0: i32, %arg1: i32, %arg2: memref<393216xf32, #tpu.memory_space<hbm>>, %arg3: memref<131072xi32, #tpu.memory_space<hbm>>, %arg4: memref<8388608xf32, #tpu.memory_space<hbm>>, %arg5: memref<8388608xf32, #tpu.memory_space<hbm>>, %arg6: memref<3072xf32, #tpu.memory_space<hbm>>, %arg7: memref<256xf32, #tpu.memory_space<hbm>>, %arg8: memref<1536xi32, #tpu.memory_space<hbm>>, %arg9: memref<4194304xf32, #tpu.memory_space<hbm>>, %arg10: memref<12288xf32, #tpu.memory_space<vmem>>, %arg11: memref<4096xi32, #tpu.memory_space<vmem>>, %arg12: memref<3072xf32, #tpu.memory_space<vmem>>, %arg13: memref<256xf32, #tpu.memory_space<vmem>>, %arg14: memref<1536xi32, #tpu.memory_space<vmem>>, %arg15: memref<4096xi32, #tpu.memory_space<vmem>>, %arg16: memref<4096xf32, #tpu.memory_space<vmem>>, %arg17: memref<4096xf32, #tpu.memory_space<vmem>>, %arg18: memref<4096xf32, #tpu.memory_space<vmem>>, %arg19: memref<1024xf32, #tpu.memory_space<vmem>>, %arg20: memref<!tpu.dma_semaphore, #tpu.memory_space<semaphore_mem>>, %arg21: memref<!tpu.dma_semaphore, #tpu.memory_space<semaphore_mem>>, %arg22: memref<!tpu.dma_semaphore, #tpu.memory_space<semaphore_mem>>) attributes {dimension_semantics = [#tpu.dimension_semantics<core_parallel>, #tpu.dimension_semantics<subcore_parallel>], iteration_bounds = array<i64: 2, 16>, scalar_prefetch = 0 : i64, scratch_operands = 13 : i64, tpu.core_type = #tpu.core_type<sc_vector_subcore>, window_params = [{transform_indices = #map}, {transform_indices = #map}, {transform_indices = #map}, {transform_indices = #map}, {transform_indices = #map}, {transform_indices = #map}, {transform_indices = #map}, {transform_indices = #map}]} {
    %mul3A = arith.constant 2 : i32
    %mul3A_0 = arith.muli %arg1, %mul3A : i32
    %add3A = arith.addi %mul3A_0, %arg0 : i32
    %mul3A_1 = arith.constant 4096 : i32
    %mul3A_2 = arith.muli %add3A, %mul3A_1 : i32
    %mul3A_3 = arith.constant 3 : i32
    %mul3A_4 = arith.muli %mul3A_2, %mul3A_3 : i32
    "tpu.region"() ({
      %run_scoped3A = tpu.sem_alloc : memref<!tpu.dma_semaphore, #tpu.memory_space<semaphore_mem>>
      %dma_start3A_56 = tpu.memref_slice %arg2[%mul3A_4] : memref<393216xf32, #tpu.memory_space<hbm>> -> memref<12288xf32, #tpu.memory_space<hbm>>
      %dma_start3A_57 = tpu.memref_slice %arg2[%mul3A_4] : memref<393216xf32, #tpu.memory_space<hbm>> -> memref<12288xf32, #tpu.memory_space<hbm>>
      tpu.enqueue_dma source(%dma_start3A_57 : memref<12288xf32, #tpu.memory_space<hbm>>) target(%arg10 : memref<12288xf32, #tpu.memory_space<vmem>>) target_semaphore(%run_scoped3A : memref<!tpu.dma_semaphore, #tpu.memory_space<semaphore_mem>>)
      %dma_wait3A_58 = tpu.memref_slice %arg2[%mul3A_4] : memref<393216xf32, #tpu.memory_space<hbm>> -> memref<12288xf32, #tpu.memory_space<hbm>>
      %dma_wait3A_59 = tpu.memref_slice %arg2[%mul3A_4] : memref<393216xf32, #tpu.memory_space<hbm>> -> memref<12288xf32, #tpu.memory_space<hbm>>
      tpu.wait_dma2 semaphore(%run_scoped3A : memref<!tpu.dma_semaphore, #tpu.memory_space<semaphore_mem>>) src(%dma_wait3A_59 : memref<12288xf32, #tpu.memory_space<hbm>>) dst(%arg10 : memref<12288xf32, #tpu.memory_space<vmem>>)
      tpu.yield
    }) : () -> ()
    "tpu.region"() ({
      %run_scoped3A = tpu.sem_alloc : memref<!tpu.dma_semaphore, #tpu.memory_space<semaphore_mem>>
      %dma_start3A_56 = tpu.memref_slice %arg3[%mul3A_2] : memref<131072xi32, #tpu.memory_space<hbm>> -> memref<4096xi32, #tpu.memory_space<hbm>>
      %dma_start3A_57 = tpu.memref_slice %arg3[%mul3A_2] : memref<131072xi32, #tpu.memory_space<hbm>> -> memref<4096xi32, #tpu.memory_space<hbm>>
      tpu.enqueue_dma source(%dma_start3A_57 : memref<4096xi32, #tpu.memory_space<hbm>>) target(%arg11 : memref<4096xi32, #tpu.memory_space<vmem>>) target_semaphore(%run_scoped3A : memref<!tpu.dma_semaphore, #tpu.memory_space<semaphore_mem>>)
      %dma_wait3A_58 = tpu.memref_slice %arg3[%mul3A_2] : memref<131072xi32, #tpu.memory_space<hbm>> -> memref<4096xi32, #tpu.memory_space<hbm>>
      %dma_wait3A_59 = tpu.memref_slice %arg3[%mul3A_2] : memref<131072xi32, #tpu.memory_space<hbm>> -> memref<4096xi32, #tpu.memory_space<hbm>>
      tpu.wait_dma2 semaphore(%run_scoped3A : memref<!tpu.dma_semaphore, #tpu.memory_space<semaphore_mem>>) src(%dma_wait3A_59 : memref<4096xi32, #tpu.memory_space<hbm>>) dst(%arg11 : memref<4096xi32, #tpu.memory_space<vmem>>)
      tpu.yield
    }) : () -> ()
    "tpu.region"() ({
      %run_scoped3A = tpu.sem_alloc : memref<!tpu.dma_semaphore, #tpu.memory_space<semaphore_mem>>
      tpu.enqueue_dma source(%arg6 : memref<3072xf32, #tpu.memory_space<hbm>>) target(%arg12 : memref<3072xf32, #tpu.memory_space<vmem>>) target_semaphore(%run_scoped3A : memref<!tpu.dma_semaphore, #tpu.memory_space<semaphore_mem>>)
      tpu.wait_dma2 semaphore(%run_scoped3A : memref<!tpu.dma_semaphore, #tpu.memory_space<semaphore_mem>>) src(%arg6 : memref<3072xf32, #tpu.memory_space<hbm>>) dst(%arg12 : memref<3072xf32, #tpu.memory_space<vmem>>)
      tpu.yield
    }) : () -> ()
    "tpu.region"() ({
      %run_scoped3A = tpu.sem_alloc : memref<!tpu.dma_semaphore, #tpu.memory_space<semaphore_mem>>
      tpu.enqueue_dma source(%arg7 : memref<256xf32, #tpu.memory_space<hbm>>) target(%arg13 : memref<256xf32, #tpu.memory_space<vmem>>) target_semaphore(%run_scoped3A : memref<!tpu.dma_semaphore, #tpu.memory_space<semaphore_mem>>)
      tpu.wait_dma2 semaphore(%run_scoped3A : memref<!tpu.dma_semaphore, #tpu.memory_space<semaphore_mem>>) src(%arg7 : memref<256xf32, #tpu.memory_space<hbm>>) dst(%arg13 : memref<256xf32, #tpu.memory_space<vmem>>)
      tpu.yield
    }) : () -> ()
    "tpu.region"() ({
      %run_scoped3A = tpu.sem_alloc : memref<!tpu.dma_semaphore, #tpu.memory_space<semaphore_mem>>
      tpu.enqueue_dma source(%arg8 : memref<1536xi32, #tpu.memory_space<hbm>>) target(%arg14 : memref<1536xi32, #tpu.memory_space<vmem>>) target_semaphore(%run_scoped3A : memref<!tpu.dma_semaphore, #tpu.memory_space<semaphore_mem>>)
      tpu.wait_dma2 semaphore(%run_scoped3A : memref<!tpu.dma_semaphore, #tpu.memory_space<semaphore_mem>>) src(%arg8 : memref<1536xi32, #tpu.memory_space<hbm>>) dst(%arg14 : memref<1536xi32, #tpu.memory_space<vmem>>)
      tpu.yield
    }) : () -> ()
    %iota3A = tpu.iota {dimensions = array<i32: 0>} : vector<16xi32>
    %mul3A_5 = arith.constant 3 : i32
    %mul3A_6 = vector.broadcast %mul3A_5 : i32 to vector<16xi32>
    %mul3A_7 = arith.muli %iota3A, %mul3A_6 : vector<16xi32>
    %mul3A_8 = arith.constant 32 : i32
    %mul3A_9 = vector.broadcast %mul3A_8 : i32 to vector<16xi32>
    %mul3A_10 = arith.muli %iota3A, %mul3A_9 : vector<16xi32>
    %scan3A = arith.constant 0 : i32
    %scan3A_11 = arith.constant 0 : i32
    %scan3A_12 = arith.constant 128 : i32
    %scan3A_13 = arith.addi %scan3A_11, %scan3A_12 : i32
    %scan3A_14 = arith.constant 1 : i32
    scf.for %scan3A_56 = %scan3A_11 to %scan3A_13 step %scan3A_14  : i32 {
      %mul3A_57 = arith.constant 2 : i32
      %mul3A_58 = arith.muli %mul3A_57, %scan3A_56 : i32
      %add3A_59 = arith.constant 1 : i32
      %add3A_60 = arith.addi %mul3A_58, %add3A_59 : i32
      %mul3A_61 = arith.constant 48 : i32
      %mul3A_62 = arith.muli %mul3A_58, %mul3A_61 : i32
      %add3A_63 = vector.broadcast %mul3A_62 : i32 to vector<16xi32>
      %add3A_64 = arith.addi %add3A_63, %mul3A_7 : vector<16xi32>
      %gather3A = tpu.vector_load_idx %arg10[%add3A_64] : memref<12288xf32, #tpu.memory_space<vmem>>[vector<16xi32>], vector<16xf32>,
      %add3A_65 = arith.constant 1 : i32
      %add3A_66 = vector.broadcast %add3A_65 : i32 to vector<16xi32>
      %add3A_67 = arith.addi %add3A_64, %add3A_66 : vector<16xi32>
      %gather3A_68 = tpu.vector_load_idx %arg10[%add3A_67] : memref<12288xf32, #tpu.memory_space<vmem>>[vector<16xi32>], vector<16xf32>,
      %add3A_69 = arith.constant 2 : i32
      %add3A_70 = vector.broadcast %add3A_69 : i32 to vector<16xi32>
      %add3A_71 = arith.addi %add3A_64, %add3A_70 : vector<16xi32>
      %gather3A_72 = tpu.vector_load_idx %arg10[%add3A_71] : memref<12288xf32, #tpu.memory_space<vmem>>[vector<16xi32>], vector<16xf32>,
      %mul3A_73 = arith.constant 16 : i32
      %mul3A_74 = arith.muli %mul3A_58, %mul3A_73 : i32
      %get3A = arith.index_cast %mul3A_74 : i32 to index
      %get3A_75 = tpu.vector_load %arg11[%get3A] {strides = array<i32>} : memref<4096xi32, #tpu.memory_space<vmem>>, vector<16xi32>,
      %mul3A_76 = arith.constant 48 : i32
      %mul3A_77 = vector.broadcast %mul3A_76 : i32 to vector<16xi32>
      %mul3A_78 = arith.muli %get3A_75, %mul3A_77 : vector<16xi32>
      %scan3A_79 = arith.constant 0 : i32
      %scan3A_80 = arith.constant 0 : i32
      %scan3A_81 = arith.constant 16 : i32
      %scan3A_82 = arith.addi %scan3A_80, %scan3A_81 : i32
      %scan3A_83 = arith.constant 2 : i32
      scf.for %scan3A_150 = %scan3A_80 to %scan3A_82 step %scan3A_83  : i32 {
        %mul3A_151 = arith.constant 96 : i32
        %mul3A_152 = arith.muli %scan3A_150, %mul3A_151 : i32
        %get3A_153 = arith.index_cast %mul3A_152 : i32 to index
        %get3A_154 = tpu.vector_load %arg14[%get3A_153] {strides = array<i32>} : memref<1536xi32, #tpu.memory_space<vmem>>, vector<16xi32>,
        %add3A_155 = arith.constant 16 : i32
        %add3A_156 = arith.addi %mul3A_152, %add3A_155 : i32
        %get3A_157 = arith.index_cast %add3A_156 : i32 to index
        %get3A_158 = tpu.vector_load %arg14[%get3A_157] {strides = array<i32>} : memref<1536xi32, #tpu.memory_space<vmem>>, vector<16xi32>,
        %add3A_159 = arith.constant 32 : i32
        %add3A_160 = arith.addi %mul3A_152, %add3A_159 : i32
        %get3A_161 = arith.index_cast %add3A_160 : i32 to index
        %get3A_162 = tpu.vector_load %arg14[%get3A_161] {strides = array<i32>} : memref<1536xi32, #tpu.memory_space<vmem>>, vector<16xi32>,
        %add3A_163 = arith.constant 48 : i32
        %add3A_164 = arith.addi %mul3A_152, %add3A_163 : i32
        %get3A_165 = arith.index_cast %add3A_164 : i32 to index
        %get3A_166 = tpu.vector_load %arg14[%get3A_165] {strides = array<i32>} : memref<1536xi32, #tpu.memory_space<vmem>>, vector<16xi32>,
        %add3A_167 = arith.constant 64 : i32
        %add3A_168 = arith.addi %mul3A_152, %add3A_167 : i32
        %get3A_169 = arith.index_cast %add3A_168 : i32 to index
        %get3A_170 = tpu.vector_load %arg14[%get3A_169] {strides = array<i32>} : memref<1536xi32, #tpu.memory_space<vmem>>, vector<16xi32>,
        %mul3A_171 = arith.constant 16 : i32
        %mul3A_172 = arith.muli %scan3A_150, %mul3A_171 : i32
        %get3A_173 = arith.index_cast %mul3A_172 : i32 to index
        %get3A_174 = tpu.vector_load %arg13[%get3A_173] {strides = array<i32>} : memref<256xf32, #tpu.memory_space<vmem>>, vector<16xf32>,
        %add3A_175 = arith.addi %mul3A_78, %get3A_170 : vector<16xi32>
        %gather3A_176 = tpu.vector_load_idx %arg12[%add3A_175] : memref<3072xf32, #tpu.memory_space<vmem>>[vector<16xi32>], vector<16xf32>,
        %add3A_177 = arith.constant 1 : i32
        %add3A_178 = vector.broadcast %add3A_177 : i32 to vector<16xi32>
        %add3A_179 = arith.addi %get3A_170, %add3A_178 : vector<16xi32>
        %add3A_180 = arith.addi %mul3A_78, %add3A_179 : vector<16xi32>
        %gather3A_181 = tpu.vector_load_idx %arg12[%add3A_180] : memref<3072xf32, #tpu.memory_space<vmem>>[vector<16xi32>], vector<16xf32>,
        %add3A_182 = arith.constant 2 : i32
        %add3A_183 = vector.broadcast %add3A_182 : i32 to vector<16xi32>
        %add3A_184 = arith.addi %get3A_170, %add3A_183 : vector<16xi32>
        %add3A_185 = arith.addi %mul3A_78, %add3A_184 : vector<16xi32>
        %gather3A_186 = tpu.vector_load_idx %arg12[%add3A_185] : memref<3072xf32, #tpu.memory_space<vmem>>[vector<16xi32>], vector<16xf32>,
        %mul3A_187 = arith.mulf %gather3A, %get3A_174 : vector<16xf32>
        %add3A_188 = arith.addf %mul3A_187, %gather3A_176 : vector<16xf32>
        %mul3A_189 = arith.mulf %gather3A_68, %get3A_174 : vector<16xf32>
        %add3A_190 = arith.addf %mul3A_189, %gather3A_181 : vector<16xf32>
        %mul3A_191 = arith.mulf %gather3A_72, %get3A_174 : vector<16xf32>
        %add3A_192 = arith.addf %mul3A_191, %gather3A_186 : vector<16xf32>
        %convert_element_type3A_193 = arith.fptosi %add3A_188 : vector<16xf32> to vector<16xi32>
        %convert_element_type3A_194 = arith.fptosi %add3A_190 : vector<16xf32> to vector<16xi32>
        %convert_element_type3A_195 = arith.fptosi %add3A_192 : vector<16xf32> to vector<16xi32>
        %convert_element_type3A_196 = arith.sitofp %convert_element_type3A_193 : vector<16xi32> to vector<16xf32>
        %sub3A = arith.subf %add3A_188, %convert_element_type3A_196 : vector<16xf32>
        %convert_element_type3A_197 = arith.sitofp %convert_element_type3A_194 : vector<16xi32> to vector<16xf32>
        %sub3A_198 = arith.subf %add3A_190, %convert_element_type3A_197 : vector<16xf32>
        %convert_element_type3A_199 = arith.sitofp %convert_element_type3A_195 : vector<16xi32> to vector<16xf32>
        %sub3A_200 = arith.subf %add3A_192, %convert_element_type3A_199 : vector<16xf32>
        %mul3A_201 = arith.muli %convert_element_type3A_193, %get3A_154 : vector<16xi32>
        %add3A_202 = arith.addi %mul3A_201, %get3A_154 : vector<16xi32>
        %mul3A_203 = arith.muli %convert_element_type3A_194, %get3A_158 : vector<16xi32>
        %add3A_204 = arith.addi %mul3A_203, %get3A_158 : vector<16xi32>
        %mul3A_205 = arith.muli %convert_element_type3A_195, %get3A_162 : vector<16xi32>
        %add3A_206 = arith.addi %mul3A_205, %get3A_162 : vector<16xi32>
        %sub3A_207 = arith.constant 1.000000e+00 : f32
        %sub3A_208 = vector.broadcast %sub3A_207 : f32 to vector<16xf32>
        %sub3A_209 = arith.subf %sub3A_208, %sub3A : vector<16xf32>
        %sub3A_210 = arith.constant 1.000000e+00 : f32
        %sub3A_211 = vector.broadcast %sub3A_210 : f32 to vector<16xf32>
        %sub3A_212 = arith.subf %sub3A_211, %sub3A_198 : vector<16xf32>
        %sub3A_213 = arith.constant 1.000000e+00 : f32
        %sub3A_214 = vector.broadcast %sub3A_213 : f32 to vector<16xf32>
        %sub3A_215 = arith.subf %sub3A_214, %sub3A_200 : vector<16xf32>
        %mul3A_216 = arith.constant 128 : i32
        %mul3A_217 = arith.muli %scan3A_150, %mul3A_216 : i32
        %add3A_218 = arith.constant 0 : i32
        %add3A_219 = arith.addi %add3A_218, %mul3A_217 : i32
        %xor3A = arith.xori %mul3A_201, %mul3A_203 : vector<16xi32>
        %xor3A_220 = arith.xori %xor3A, %mul3A_205 : vector<16xi32>
        %and3A_221 = arith.constant 524287 : i32
        %and3A_222 = vector.broadcast %and3A_221 : i32 to vector<16xi32>
        %and3A_223 = arith.andi %xor3A_220, %and3A_222 : vector<16xi32>
        %add3A_224 = arith.addi %and3A_223, %get3A_166 : vector<16xi32>
        %add3A_225 = arith.constant 0 : i32
        %add3A_226 = arith.addi %add3A_219, %add3A_225 : i32
        %swap3A = arith.index_cast %add3A_226 : i32 to index
        %swap3A_227 = tpu.vector_load %arg15[%swap3A] {strides = array<i32>} : memref<4096xi32, #tpu.memory_space<vmem>>, vector<16xi32>,
        tpu.vector_store %arg15[%swap3A], %add3A_224 {strides = array<i32>} : memref<4096xi32, #tpu.memory_space<vmem>>, vector<16xi32>,
        %mul3A_228 = arith.mulf %sub3A_209, %sub3A_212 : vector<16xf32>
        %mul3A_229 = arith.mulf %mul3A_228, %sub3A_215 : vector<16xf32>
        %add3A_230 = arith.constant 0 : i32
        %add3A_231 = arith.addi %add3A_219, %add3A_230 : i32
        %swap3A_232 = arith.index_cast %add3A_231 : i32 to index
        %swap3A_233 = tpu.vector_load %arg16[%swap3A_232] {strides = array<i32>} : memref<4096xf32, #tpu.memory_space<vmem>>, vector<16xf32>,
        tpu.vector_store %arg16[%swap3A_232], %mul3A_229 {strides = array<i32>} : memref<4096xf32, #tpu.memory_space<vmem>>, vector<16xf32>,
        %xor3A_234 = arith.xori %mul3A_201, %mul3A_203 : vector<16xi32>
        %xor3A_235 = arith.xori %xor3A_234, %add3A_206 : vector<16xi32>
        %and3A_236 = arith.constant 524287 : i32
        %and3A_237 = vector.broadcast %and3A_236 : i32 to vector<16xi32>
        %and3A_238 = arith.andi %xor3A_235, %and3A_237 : vector<16xi32>
        %add3A_239 = arith.addi %and3A_238, %get3A_166 : vector<16xi32>
        %add3A_240 = arith.constant 16 : i32
        %add3A_241 = arith.addi %add3A_219, %add3A_240 : i32
        %swap3A_242 = arith.index_cast %add3A_241 : i32 to index
        %swap3A_243 = tpu.vector_load %arg15[%swap3A_242] {strides = array<i32>} : memref<4096xi32, #tpu.memory_space<vmem>>, vector<16xi32>,
        tpu.vector_store %arg15[%swap3A_242], %add3A_239 {strides = array<i32>} : memref<4096xi32, #tpu.memory_space<vmem>>, vector<16xi32>,
        %mul3A_244 = arith.mulf %sub3A_209, %sub3A_212 : vector<16xf32>
        %mul3A_245 = arith.mulf %mul3A_244, %sub3A_200 : vector<16xf32>
        %add3A_246 = arith.constant 16 : i32
        %add3A_247 = arith.addi %add3A_219, %add3A_246 : i32
        %swap3A_248 = arith.index_cast %add3A_247 : i32 to index
        %swap3A_249 = tpu.vector_load %arg16[%swap3A_248] {strides = array<i32>} : memref<4096xf32, #tpu.memory_space<vmem>>, vector<16xf32>,
        tpu.vector_store %arg16[%swap3A_248], %mul3A_245 {strides = array<i32>} : memref<4096xf32, #tpu.memory_space<vmem>>, vector<16xf32>,
        %xor3A_250 = arith.xori %mul3A_201, %add3A_204 : vector<16xi32>
        %xor3A_251 = arith.xori %xor3A_250, %mul3A_205 : vector<16xi32>
        %and3A_252 = arith.constant 524287 : i32
        %and3A_253 = vector.broadcast %and3A_252 : i32 to vector<16xi32>
        %and3A_254 = arith.andi %xor3A_251, %and3A_253 : vector<16xi32>
        %add3A_255 = arith.addi %and3A_254, %get3A_166 : vector<16xi32>
        %add3A_256 = arith.constant 32 : i32
        %add3A_257 = arith.addi %add3A_219, %add3A_256 : i32
        %swap3A_258 = arith.index_cast %add3A_257 : i32 to index
        %swap3A_259 = tpu.vector_load %arg15[%swap3A_258] {strides = array<i32>} : memref<4096xi32, #tpu.memory_space<vmem>>, vector<16xi32>,
        tpu.vector_store %arg15[%swap3A_258], %add3A_255 {strides = array<i32>} : memref<4096xi32, #tpu.memory_space<vmem>>, vector<16xi32>,
        %mul3A_260 = arith.mulf %sub3A_209, %sub3A_198 : vector<16xf32>
        %mul3A_261 = arith.mulf %mul3A_260, %sub3A_215 : vector<16xf32>
        %add3A_262 = arith.constant 32 : i32
        %add3A_263 = arith.addi %add3A_219, %add3A_262 : i32
        %swap3A_264 = arith.index_cast %add3A_263 : i32 to index
        %swap3A_265 = tpu.vector_load %arg16[%swap3A_264] {strides = array<i32>} : memref<4096xf32, #tpu.memory_space<vmem>>, vector<16xf32>,
        tpu.vector_store %arg16[%swap3A_264], %mul3A_261 {strides = array<i32>} : memref<4096xf32, #tpu.memory_space<vmem>>, vector<16xf32>,
        %xor3A_266 = arith.xori %mul3A_201, %add3A_204 : vector<16xi32>
        %xor3A_267 = arith.xori %xor3A_266, %add3A_206 : vector<16xi32>
        %and3A_268 = arith.constant 524287 : i32
        %and3A_269 = vector.broadcast %and3A_268 : i32 to vector<16xi32>
        %and3A_270 = arith.andi %xor3A_267, %and3A_269 : vector<16xi32>
        %add3A_271 = arith.addi %and3A_270, %get3A_166 : vector<16xi32>
        %add3A_272 = arith.constant 48 : i32
        %add3A_273 = arith.addi %add3A_219, %add3A_272 : i32
        %swap3A_274 = arith.index_cast %add3A_273 : i32 to index
        %swap3A_275 = tpu.vector_load %arg15[%swap3A_274] {strides = array<i32>} : memref<4096xi32, #tpu.memory_space<vmem>>, vector<16xi32>,
        tpu.vector_store %arg15[%swap3A_274], %add3A_271 {strides = array<i32>} : memref<4096xi32, #tpu.memory_space<vmem>>, vector<16xi32>,
        %mul3A_276 = arith.mulf %sub3A_209, %sub3A_198 : vector<16xf32>
        %mul3A_277 = arith.mulf %mul3A_276, %sub3A_200 : vector<16xf32>
        %add3A_278 = arith.constant 48 : i32
        %add3A_279 = arith.addi %add3A_219, %add3A_278 : i32
        %swap3A_280 = arith.index_cast %add3A_279 : i32 to index
        %swap3A_281 = tpu.vector_load %arg16[%swap3A_280] {strides = array<i32>} : memref<4096xf32, #tpu.memory_space<vmem>>, vector<16xf32>,
        tpu.vector_store %arg16[%swap3A_280], %mul3A_277 {strides = array<i32>} : memref<4096xf32, #tpu.memory_space<vmem>>, vector<16xf32>,
        %xor3A_282 = arith.xori %add3A_202, %mul3A_203 : vector<16xi32>
        %xor3A_283 = arith.xori %xor3A_282, %mul3A_205 : vector<16xi32>
        %and3A_284 = arith.constant 524287 : i32
        %and3A_285 = vector.broadcast %and3A_284 : i32 to vector<16xi32>
        %and3A_286 = arith.andi %xor3A_283, %and3A_285 : vector<16xi32>
        %add3A_287 = arith.addi %and3A_286, %get3A_166 : vector<16xi32>
        %add3A_288 = arith.constant 64 : i32
        %add3A_289 = arith.addi %add3A_219, %add3A_288 : i32
        %swap3A_290 = arith.index_cast %add3A_289 : i32 to index
        %swap3A_291 = tpu.vector_load %arg15[%swap3A_290] {strides = array<i32>} : memref<4096xi32, #tpu.memory_space<vmem>>, vector<16xi32>,
        tpu.vector_store %arg15[%swap3A_290], %add3A_287 {strides = array<i32>} : memref<4096xi32, #tpu.memory_space<vmem>>, vector<16xi32>,
        %mul3A_292 = arith.mulf %sub3A, %sub3A_212 : vector<16xf32>
        %mul3A_293 = arith.mulf %mul3A_292, %sub3A_215 : vector<16xf32>
        %add3A_294 = arith.constant 64 : i32
        %add3A_295 = arith.addi %add3A_219, %add3A_294 : i32
        %swap3A_296 = arith.index_cast %add3A_295 : i32 to index
        %swap3A_297 = tpu.vector_load %arg16[%swap3A_296] {strides = array<i32>} : memref<4096xf32, #tpu.memory_space<vmem>>, vector<16xf32>,
        tpu.vector_store %arg16[%swap3A_296], %mul3A_293 {strides = array<i32>} : memref<4096xf32, #tpu.memory_space<vmem>>, vector<16xf32>,
        %xor3A_298 = arith.xori %add3A_202, %mul3A_203 : vector<16xi32>
        %xor3A_299 = arith.xori %xor3A_298, %add3A_206 : vector<16xi32>
        %and3A_300 = arith.constant 524287 : i32
        %and3A_301 = vector.broadcast %and3A_300 : i32 to vector<16xi32>
        %and3A_302 = arith.andi %xor3A_299, %and3A_301 : vector<16xi32>
        %add3A_303 = arith.addi %and3A_302, %get3A_166 : vector<16xi32>
        %add3A_304 = arith.constant 80 : i32
        %add3A_305 = arith.addi %add3A_219, %add3A_304 : i32
        %swap3A_306 = arith.index_cast %add3A_305 : i32 to index
        %swap3A_307 = tpu.vector_load %arg15[%swap3A_306] {strides = array<i32>} : memref<4096xi32, #tpu.memory_space<vmem>>, vector<16xi32>,
        tpu.vector_store %arg15[%swap3A_306], %add3A_303 {strides = array<i32>} : memref<4096xi32, #tpu.memory_space<vmem>>, vector<16xi32>,
        %mul3A_308 = arith.mulf %sub3A, %sub3A_212 : vector<16xf32>
        %mul3A_309 = arith.mulf %mul3A_308, %sub3A_200 : vector<16xf32>
        %add3A_310 = arith.constant 80 : i32
        %add3A_311 = arith.addi %add3A_219, %add3A_310 : i32
        %swap3A_312 = arith.index_cast %add3A_311 : i32 to index
        %swap3A_313 = tpu.vector_load %arg16[%swap3A_312] {strides = array<i32>} : memref<4096xf32, #tpu.memory_space<vmem>>, vector<16xf32>,
        tpu.vector_store %arg16[%swap3A_312], %mul3A_309 {strides = array<i32>} : memref<4096xf32, #tpu.memory_space<vmem>>, vector<16xf32>,
        %xor3A_314 = arith.xori %add3A_202, %add3A_204 : vector<16xi32>
        %xor3A_315 = arith.xori %xor3A_314, %mul3A_205 : vector<16xi32>
        %and3A_316 = arith.constant 524287 : i32
        %and3A_317 = vector.broadcast %and3A_316 : i32 to vector<16xi32>
        %and3A_318 = arith.andi %xor3A_315, %and3A_317 : vector<16xi32>
        %add3A_319 = arith.addi %and3A_318, %get3A_166 : vector<16xi32>
        %add3A_320 = arith.constant 96 : i32
        %add3A_321 = arith.addi %add3A_219, %add3A_320 : i32
        %swap3A_322 = arith.index_cast %add3A_321 : i32 to index
        %swap3A_323 = tpu.vector_load %arg15[%swap3A_322] {strides = array<i32>} : memref<4096xi32, #tpu.memory_space<vmem>>, vector<16xi32>,
        tpu.vector_store %arg15[%swap3A_322], %add3A_319 {strides = array<i32>} : memref<4096xi32, #tpu.memory_space<vmem>>, vector<16xi32>,
        %mul3A_324 = arith.mulf %sub3A, %sub3A_198 : vector<16xf32>
        %mul3A_325 = arith.mulf %mul3A_324, %sub3A_215 : vector<16xf32>
        %add3A_326 = arith.constant 96 : i32
        %add3A_327 = arith.addi %add3A_219, %add3A_326 : i32
        %swap3A_328 = arith.index_cast %add3A_327 : i32 to index
        %swap3A_329 = tpu.vector_load %arg16[%swap3A_328] {strides = array<i32>} : memref<4096xf32, #tpu.memory_space<vmem>>, vector<16xf32>,
        tpu.vector_store %arg16[%swap3A_328], %mul3A_325 {strides = array<i32>} : memref<4096xf32, #tpu.memory_space<vmem>>, vector<16xf32>,
        %xor3A_330 = arith.xori %add3A_202, %add3A_204 : vector<16xi32>
        %xor3A_331 = arith.xori %xor3A_330, %add3A_206 : vector<16xi32>
        %and3A_332 = arith.constant 524287 : i32
        %and3A_333 = vector.broadcast %and3A_332 : i32 to vector<16xi32>
        %and3A_334 = arith.andi %xor3A_331, %and3A_333 : vector<16xi32>
        %add3A_335 = arith.addi %and3A_334, %get3A_166 : vector<16xi32>
        %add3A_336 = arith.constant 112 : i32
        %add3A_337 = arith.addi %add3A_219, %add3A_336 : i32
        %swap3A_338 = arith.index_cast %add3A_337 : i32 to index
        %swap3A_339 = tpu.vector_load %arg15[%swap3A_338] {strides = array<i32>} : memref<4096xi32, #tpu.memory_space<vmem>>, vector<16xi32>,
        tpu.vector_store %arg15[%swap3A_338], %add3A_335 {strides = array<i32>} : memref<4096xi32, #tpu.memory_space<vmem>>, vector<16xi32>,
        %mul3A_340 = arith.mulf %sub3A, %sub3A_198 : vector<16xf32>
        %mul3A_341 = arith.mulf %mul3A_340, %sub3A_200 : vector<16xf32>
        %add3A_342 = arith.constant 112 : i32
        %add3A_343 = arith.addi %add3A_219, %add3A_342 : i32
        %swap3A_344 = arith.index_cast %add3A_343 : i32 to index
        %swap3A_345 = tpu.vector_load %arg16[%swap3A_344] {strides = array<i32>} : memref<4096xf32, #tpu.memory_space<vmem>>, vector<16xf32>,
        tpu.vector_store %arg16[%swap3A_344], %mul3A_341 {strides = array<i32>} : memref<4096xf32, #tpu.memory_space<vmem>>, vector<16xf32>,
        %dma_start3A_346 = tpu.memref_slice %arg17[%add3A_219] : memref<4096xf32, #tpu.memory_space<vmem>> -> memref<128xf32, #tpu.memory_space<vmem>>
        %dma_start3A_347 = tpu.memref_slice %arg15[%add3A_219] : memref<4096xi32, #tpu.memory_space<vmem>> -> memref<128xi32, #tpu.memory_space<vmem>>
        %dma_start3A_348 = arith.constant 0 : i32
        %dma_start3A_349 = tpu.memref_slice %arg4[%dma_start3A_348] : memref<8388608xf32, #tpu.memory_space<hbm>> -> memref<8388608xf32, #tpu.memory_space<hbm>>
        tpu.enqueue_indirect_dma source(%dma_start3A_349 : memref<8388608xf32, #tpu.memory_space<hbm>>) target(%dma_start3A_346 : memref<128xf32, #tpu.memory_space<vmem>>) offsets(%dma_start3A_347 : memref<128xi32, #tpu.memory_space<vmem>>) semaphore(%arg20 : memref<!tpu.dma_semaphore, #tpu.memory_space<semaphore_mem>>)
        %dma_start3A_350 = tpu.memref_slice %arg18[%add3A_219] : memref<4096xf32, #tpu.memory_space<vmem>> -> memref<128xf32, #tpu.memory_space<vmem>>
        %dma_start3A_351 = tpu.memref_slice %arg15[%add3A_219] : memref<4096xi32, #tpu.memory_space<vmem>> -> memref<128xi32, #tpu.memory_space<vmem>>
        %dma_start3A_352 = arith.constant 0 : i32
        %dma_start3A_353 = tpu.memref_slice %arg5[%dma_start3A_352] : memref<8388608xf32, #tpu.memory_space<hbm>> -> memref<8388608xf32, #tpu.memory_space<hbm>>
        tpu.enqueue_indirect_dma source(%dma_start3A_353 : memref<8388608xf32, #tpu.memory_space<hbm>>) target(%dma_start3A_350 : memref<128xf32, #tpu.memory_space<vmem>>) offsets(%dma_start3A_351 : memref<128xi32, #tpu.memory_space<vmem>>) semaphore(%arg20 : memref<!tpu.dma_semaphore, #tpu.memory_space<semaphore_mem>>)
        %scan3A_354 = arith.constant 1 : i32
        %scan3A_355 = arith.addi %scan3A_150, %scan3A_354 : i32
        %mul3A_356 = arith.constant 96 : i32
        %mul3A_357 = arith.muli %scan3A_355, %mul3A_356 : i32
        %get3A_358 = arith.index_cast %mul3A_357 : i32 to index
        %get3A_359 = tpu.vector_load %arg14[%get3A_358] {strides = array<i32>} : memref<1536xi32, #tpu.memory_space<vmem>>, vector<16xi32>,
        %add3A_360 = arith.constant 16 : i32
        %add3A_361 = arith.addi %mul3A_357, %add3A_360 : i32
        %get3A_362 = arith.index_cast %add3A_361 : i32 to index
        %get3A_363 = tpu.vector_load %arg14[%get3A_362] {strides = array<i32>} : memref<1536xi32, #tpu.memory_space<vmem>>, vector<16xi32>,
        %add3A_364 = arith.constant 32 : i32
        %add3A_365 = arith.addi %mul3A_357, %add3A_364 : i32
        %get3A_366 = arith.index_cast %add3A_365 : i32 to index
        %get3A_367 = tpu.vector_load %arg14[%get3A_366] {strides = array<i32>} : memref<1536xi32, #tpu.memory_space<vmem>>, vector<16xi32>,
        %add3A_368 = arith.constant 48 : i32
        %add3A_369 = arith.addi %mul3A_357, %add3A_368 : i32
        %get3A_370 = arith.index_cast %add3A_369 : i32 to index
        %get3A_371 = tpu.vector_load %arg14[%get3A_370] {strides = array<i32>} : memref<1536xi32, #tpu.memory_space<vmem>>, vector<16xi32>,
        %add3A_372 = arith.constant 64 : i32
        %add3A_373 = arith.addi %mul3A_357, %add3A_372 : i32
        %get3A_374 = arith.index_cast %add3A_373 : i32 to index
        %get3A_375 = tpu.vector_load %arg14[%get3A_374] {strides = array<i32>} : memref<1536xi32, #tpu.memory_space<vmem>>, vector<16xi32>,
        %mul3A_376 = arith.constant 16 : i32
        %mul3A_377 = arith.muli %scan3A_355, %mul3A_376 : i32
        %get3A_378 = arith.index_cast %mul3A_377 : i32 to index
        %get3A_379 = tpu.vector_load %arg13[%get3A_378] {strides = array<i32>} : memref<256xf32, #tpu.memory_space<vmem>>, vector<16xf32>,
        %add3A_380 = arith.addi %mul3A_78, %get3A_375 : vector<16xi32>
        %gather3A_381 = tpu.vector_load_idx %arg12[%add3A_380] : memref<3072xf32, #tpu.memory_space<vmem>>[vector<16xi32>], vector<16xf32>,
        %add3A_382 = arith.constant 1 : i32
        %add3A_383 = vector.broadcast %add3A_382 : i32 to vector<16xi32>
        %add3A_384 = arith.addi %get3A_375, %add3A_383 : vector<16xi32>
        %add3A_385 = arith.addi %mul3A_78, %add3A_384 : vector<16xi32>
        %gather3A_386 = tpu.vector_load_idx %arg12[%add3A_385] : memref<3072xf32, #tpu.memory_space<vmem>>[vector<16xi32>], vector<16xf32>,
        %add3A_387 = arith.constant 2 : i32
        %add3A_388 = vector.broadcast %add3A_387 : i32 to vector<16xi32>
        %add3A_389 = arith.addi %get3A_375, %add3A_388 : vector<16xi32>
        %add3A_390 = arith.addi %mul3A_78, %add3A_389 : vector<16xi32>
        %gather3A_391 = tpu.vector_load_idx %arg12[%add3A_390] : memref<3072xf32, #tpu.memory_space<vmem>>[vector<16xi32>], vector<16xf32>,
        %mul3A_392 = arith.mulf %gather3A, %get3A_379 : vector<16xf32>
        %add3A_393 = arith.addf %mul3A_392, %gather3A_381 : vector<16xf32>
        %mul3A_394 = arith.mulf %gather3A_68, %get3A_379 : vector<16xf32>
        %add3A_395 = arith.addf %mul3A_394, %gather3A_386 : vector<16xf32>
        %mul3A_396 = arith.mulf %gather3A_72, %get3A_379 : vector<16xf32>
        %add3A_397 = arith.addf %mul3A_396, %gather3A_391 : vector<16xf32>
        %convert_element_type3A_398 = arith.fptosi %add3A_393 : vector<16xf32> to vector<16xi32>
        %convert_element_type3A_399 = arith.fptosi %add3A_395 : vector<16xf32> to vector<16xi32>
        %convert_element_type3A_400 = arith.fptosi %add3A_397 : vector<16xf32> to vector<16xi32>
        %convert_element_type3A_401 = arith.sitofp %convert_element_type3A_398 : vector<16xi32> to vector<16xf32>
        %sub3A_402 = arith.subf %add3A_393, %convert_element_type3A_401 : vector<16xf32>
        %convert_element_type3A_403 = arith.sitofp %convert_element_type3A_399 : vector<16xi32> to vector<16xf32>
        %sub3A_404 = arith.subf %add3A_395, %convert_element_type3A_403 : vector<16xf32>
        %convert_element_type3A_405 = arith.sitofp %convert_element_type3A_400 : vector<16xi32> to vector<16xf32>
        %sub3A_406 = arith.subf %add3A_397, %convert_element_type3A_405 : vector<16xf32>
        %mul3A_407 = arith.muli %convert_element_type3A_398, %get3A_359 : vector<16xi32>
        %add3A_408 = arith.addi %mul3A_407, %get3A_359 : vector<16xi32>
        %mul3A_409 = arith.muli %convert_element_type3A_399, %get3A_363 : vector<16xi32>
        %add3A_410 = arith.addi %mul3A_409, %get3A_363 : vector<16xi32>
        %mul3A_411 = arith.muli %convert_element_type3A_400, %get3A_367 : vector<16xi32>
        %add3A_412 = arith.addi %mul3A_411, %get3A_367 : vector<16xi32>
        %sub3A_413 = arith.constant 1.000000e+00 : f32
        %sub3A_414 = vector.broadcast %sub3A_413 : f32 to vector<16xf32>
        %sub3A_415 = arith.subf %sub3A_414, %sub3A_402 : vector<16xf32>
        %sub3A_416 = arith.constant 1.000000e+00 : f32
        %sub3A_417 = vector.broadcast %sub3A_416 : f32 to vector<16xf32>
        %sub3A_418 = arith.subf %sub3A_417, %sub3A_404 : vector<16xf32>
        %sub3A_419 = arith.constant 1.000000e+00 : f32
        %sub3A_420 = vector.broadcast %sub3A_419 : f32 to vector<16xf32>
        %sub3A_421 = arith.subf %sub3A_420, %sub3A_406 : vector<16xf32>
        %mul3A_422 = arith.constant 128 : i32
        %mul3A_423 = arith.muli %scan3A_355, %mul3A_422 : i32
        %add3A_424 = arith.constant 0 : i32
        %add3A_425 = arith.addi %add3A_424, %mul3A_423 : i32
        %xor3A_426 = arith.xori %mul3A_407, %mul3A_409 : vector<16xi32>
        %xor3A_427 = arith.xori %xor3A_426, %mul3A_411 : vector<16xi32>
        %and3A_428 = arith.constant 524287 : i32
        %and3A_429 = vector.broadcast %and3A_428 : i32 to vector<16xi32>
        %and3A_430 = arith.andi %xor3A_427, %and3A_429 : vector<16xi32>
        %add3A_431 = arith.addi %and3A_430, %get3A_371 : vector<16xi32>
        %add3A_432 = arith.constant 0 : i32
        %add3A_433 = arith.addi %add3A_425, %add3A_432 : i32
        %swap3A_434 = arith.index_cast %add3A_433 : i32 to index
        %swap3A_435 = tpu.vector_load %arg15[%swap3A_434] {strides = array<i32>} : memref<4096xi32, #tpu.memory_space<vmem>>, vector<16xi32>,
        tpu.vector_store %arg15[%swap3A_434], %add3A_431 {strides = array<i32>} : memref<4096xi32, #tpu.memory_space<vmem>>, vector<16xi32>,
        %mul3A_436 = arith.mulf %sub3A_415, %sub3A_418 : vector<16xf32>
        %mul3A_437 = arith.mulf %mul3A_436, %sub3A_421 : vector<16xf32>
        %add3A_438 = arith.constant 0 : i32
        %add3A_439 = arith.addi %add3A_425, %add3A_438 : i32
        %swap3A_440 = arith.index_cast %add3A_439 : i32 to index
        %swap3A_441 = tpu.vector_load %arg16[%swap3A_440] {strides = array<i32>} : memref<4096xf32, #tpu.memory_space<vmem>>, vector<16xf32>,
        tpu.vector_store %arg16[%swap3A_440], %mul3A_437 {strides = array<i32>} : memref<4096xf32, #tpu.memory_space<vmem>>, vector<16xf32>,
        %xor3A_442 = arith.xori %mul3A_407, %mul3A_409 : vector<16xi32>
        %xor3A_443 = arith.xori %xor3A_442, %add3A_412 : vector<16xi32>
        %and3A_444 = arith.constant 524287 : i32
        %and3A_445 = vector.broadcast %and3A_444 : i32 to vector<16xi32>
        %and3A_446 = arith.andi %xor3A_443, %and3A_445 : vector<16xi32>
        %add3A_447 = arith.addi %and3A_446, %get3A_371 : vector<16xi32>
        %add3A_448 = arith.constant 16 : i32
        %add3A_449 = arith.addi %add3A_425, %add3A_448 : i32
        %swap3A_450 = arith.index_cast %add3A_449 : i32 to index
        %swap3A_451 = tpu.vector_load %arg15[%swap3A_450] {strides = array<i32>} : memref<4096xi32, #tpu.memory_space<vmem>>, vector<16xi32>,
        tpu.vector_store %arg15[%swap3A_450], %add3A_447 {strides = array<i32>} : memref<4096xi32, #tpu.memory_space<vmem>>, vector<16xi32>,
        %mul3A_452 = arith.mulf %sub3A_415, %sub3A_418 : vector<16xf32>
        %mul3A_453 = arith.mulf %mul3A_452, %sub3A_406 : vector<16xf32>
        %add3A_454 = arith.constant 16 : i32
        %add3A_455 = arith.addi %add3A_425, %add3A_454 : i32
        %swap3A_456 = arith.index_cast %add3A_455 : i32 to index
        %swap3A_457 = tpu.vector_load %arg16[%swap3A_456] {strides = array<i32>} : memref<4096xf32, #tpu.memory_space<vmem>>, vector<16xf32>,
        tpu.vector_store %arg16[%swap3A_456], %mul3A_453 {strides = array<i32>} : memref<4096xf32, #tpu.memory_space<vmem>>, vector<16xf32>,
        %xor3A_458 = arith.xori %mul3A_407, %add3A_410 : vector<16xi32>
        %xor3A_459 = arith.xori %xor3A_458, %mul3A_411 : vector<16xi32>
        %and3A_460 = arith.constant 524287 : i32
        %and3A_461 = vector.broadcast %and3A_460 : i32 to vector<16xi32>
        %and3A_462 = arith.andi %xor3A_459, %and3A_461 : vector<16xi32>
        %add3A_463 = arith.addi %and3A_462, %get3A_371 : vector<16xi32>
        %add3A_464 = arith.constant 32 : i32
        %add3A_465 = arith.addi %add3A_425, %add3A_464 : i32
        %swap3A_466 = arith.index_cast %add3A_465 : i32 to index
        %swap3A_467 = tpu.vector_load %arg15[%swap3A_466] {strides = array<i32>} : memref<4096xi32, #tpu.memory_space<vmem>>, vector<16xi32>,
        tpu.vector_store %arg15[%swap3A_466], %add3A_463 {strides = array<i32>} : memref<4096xi32, #tpu.memory_space<vmem>>, vector<16xi32>,
        %mul3A_468 = arith.mulf %sub3A_415, %sub3A_404 : vector<16xf32>
        %mul3A_469 = arith.mulf %mul3A_468, %sub3A_421 : vector<16xf32>
        %add3A_470 = arith.constant 32 : i32
        %add3A_471 = arith.addi %add3A_425, %add3A_470 : i32
        %swap3A_472 = arith.index_cast %add3A_471 : i32 to index
        %swap3A_473 = tpu.vector_load %arg16[%swap3A_472] {strides = array<i32>} : memref<4096xf32, #tpu.memory_space<vmem>>, vector<16xf32>,
        tpu.vector_store %arg16[%swap3A_472], %mul3A_469 {strides = array<i32>} : memref<4096xf32, #tpu.memory_space<vmem>>, vector<16xf32>,
        %xor3A_474 = arith.xori %mul3A_407, %add3A_410 : vector<16xi32>
        %xor3A_475 = arith.xori %xor3A_474, %add3A_412 : vector<16xi32>
        %and3A_476 = arith.constant 524287 : i32
        %and3A_477 = vector.broadcast %and3A_476 : i32 to vector<16xi32>
        %and3A_478 = arith.andi %xor3A_475, %and3A_477 : vector<16xi32>
        %add3A_479 = arith.addi %and3A_478, %get3A_371 : vector<16xi32>
        %add3A_480 = arith.constant 48 : i32
        %add3A_481 = arith.addi %add3A_425, %add3A_480 : i32
        %swap3A_482 = arith.index_cast %add3A_481 : i32 to index
        %swap3A_483 = tpu.vector_load %arg15[%swap3A_482] {strides = array<i32>} : memref<4096xi32, #tpu.memory_space<vmem>>, vector<16xi32>,
        tpu.vector_store %arg15[%swap3A_482], %add3A_479 {strides = array<i32>} : memref<4096xi32, #tpu.memory_space<vmem>>, vector<16xi32>,
        %mul3A_484 = arith.mulf %sub3A_415, %sub3A_404 : vector<16xf32>
        %mul3A_485 = arith.mulf %mul3A_484, %sub3A_406 : vector<16xf32>
        %add3A_486 = arith.constant 48 : i32
        %add3A_487 = arith.addi %add3A_425, %add3A_486 : i32
        %swap3A_488 = arith.index_cast %add3A_487 : i32 to index
        %swap3A_489 = tpu.vector_load %arg16[%swap3A_488] {strides = array<i32>} : memref<4096xf32, #tpu.memory_space<vmem>>, vector<16xf32>,
        tpu.vector_store %arg16[%swap3A_488], %mul3A_485 {strides = array<i32>} : memref<4096xf32, #tpu.memory_space<vmem>>, vector<16xf32>,
        %xor3A_490 = arith.xori %add3A_408, %mul3A_409 : vector<16xi32>
        %xor3A_491 = arith.xori %xor3A_490, %mul3A_411 : vector<16xi32>
        %and3A_492 = arith.constant 524287 : i32
        %and3A_493 = vector.broadcast %and3A_492 : i32 to vector<16xi32>
        %and3A_494 = arith.andi %xor3A_491, %and3A_493 : vector<16xi32>
        %add3A_495 = arith.addi %and3A_494, %get3A_371 : vector<16xi32>
        %add3A_496 = arith.constant 64 : i32
        %add3A_497 = arith.addi %add3A_425, %add3A_496 : i32
        %swap3A_498 = arith.index_cast %add3A_497 : i32 to index
        %swap3A_499 = tpu.vector_load %arg15[%swap3A_498] {strides = array<i32>} : memref<4096xi32, #tpu.memory_space<vmem>>, vector<16xi32>,
        tpu.vector_store %arg15[%swap3A_498], %add3A_495 {strides = array<i32>} : memref<4096xi32, #tpu.memory_space<vmem>>, vector<16xi32>,
        %mul3A_500 = arith.mulf %sub3A_402, %sub3A_418 : vector<16xf32>
        %mul3A_501 = arith.mulf %mul3A_500, %sub3A_421 : vector<16xf32>
        %add3A_502 = arith.constant 64 : i32
        %add3A_503 = arith.addi %add3A_425, %add3A_502 : i32
        %swap3A_504 = arith.index_cast %add3A_503 : i32 to index
        %swap3A_505 = tpu.vector_load %arg16[%swap3A_504] {strides = array<i32>} : memref<4096xf32, #tpu.memory_space<vmem>>, vector<16xf32>,
        tpu.vector_store %arg16[%swap3A_504], %mul3A_501 {strides = array<i32>} : memref<4096xf32, #tpu.memory_space<vmem>>, vector<16xf32>,
        %xor3A_506 = arith.xori %add3A_408, %mul3A_409 : vector<16xi32>
        %xor3A_507 = arith.xori %xor3A_506, %add3A_412 : vector<16xi32>
        %and3A_508 = arith.constant 524287 : i32
        %and3A_509 = vector.broadcast %and3A_508 : i32 to vector<16xi32>
        %and3A_510 = arith.andi %xor3A_507, %and3A_509 : vector<16xi32>
        %add3A_511 = arith.addi %and3A_510, %get3A_371 : vector<16xi32>
        %add3A_512 = arith.constant 80 : i32
        %add3A_513 = arith.addi %add3A_425, %add3A_512 : i32
        %swap3A_514 = arith.index_cast %add3A_513 : i32 to index
        %swap3A_515 = tpu.vector_load %arg15[%swap3A_514] {strides = array<i32>} : memref<4096xi32, #tpu.memory_space<vmem>>, vector<16xi32>,
        tpu.vector_store %arg15[%swap3A_514], %add3A_511 {strides = array<i32>} : memref<4096xi32, #tpu.memory_space<vmem>>, vector<16xi32>,
        %mul3A_516 = arith.mulf %sub3A_402, %sub3A_418 : vector<16xf32>
        %mul3A_517 = arith.mulf %mul3A_516, %sub3A_406 : vector<16xf32>
        %add3A_518 = arith.constant 80 : i32
        %add3A_519 = arith.addi %add3A_425, %add3A_518 : i32
        %swap3A_520 = arith.index_cast %add3A_519 : i32 to index
        %swap3A_521 = tpu.vector_load %arg16[%swap3A_520] {strides = array<i32>} : memref<4096xf32, #tpu.memory_space<vmem>>, vector<16xf32>,
        tpu.vector_store %arg16[%swap3A_520], %mul3A_517 {strides = array<i32>} : memref<4096xf32, #tpu.memory_space<vmem>>, vector<16xf32>,
        %xor3A_522 = arith.xori %add3A_408, %add3A_410 : vector<16xi32>
        %xor3A_523 = arith.xori %xor3A_522, %mul3A_411 : vector<16xi32>
        %and3A_524 = arith.constant 524287 : i32
        %and3A_525 = vector.broadcast %and3A_524 : i32 to vector<16xi32>
        %and3A_526 = arith.andi %xor3A_523, %and3A_525 : vector<16xi32>
        %add3A_527 = arith.addi %and3A_526, %get3A_371 : vector<16xi32>
        %add3A_528 = arith.constant 96 : i32
        %add3A_529 = arith.addi %add3A_425, %add3A_528 : i32
        %swap3A_530 = arith.index_cast %add3A_529 : i32 to index
        %swap3A_531 = tpu.vector_load %arg15[%swap3A_530] {strides = array<i32>} : memref<4096xi32, #tpu.memory_space<vmem>>, vector<16xi32>,
        tpu.vector_store %arg15[%swap3A_530], %add3A_527 {strides = array<i32>} : memref<4096xi32, #tpu.memory_space<vmem>>, vector<16xi32>,
        %mul3A_532 = arith.mulf %sub3A_402, %sub3A_404 : vector<16xf32>
        %mul3A_533 = arith.mulf %mul3A_532, %sub3A_421 : vector<16xf32>
        %add3A_534 = arith.constant 96 : i32
        %add3A_535 = arith.addi %add3A_425, %add3A_534 : i32
        %swap3A_536 = arith.index_cast %add3A_535 : i32 to index
        %swap3A_537 = tpu.vector_load %arg16[%swap3A_536] {strides = array<i32>} : memref<4096xf32, #tpu.memory_space<vmem>>, vector<16xf32>,
        tpu.vector_store %arg16[%swap3A_536], %mul3A_533 {strides = array<i32>} : memref<4096xf32, #tpu.memory_space<vmem>>, vector<16xf32>,
        %xor3A_538 = arith.xori %add3A_408, %add3A_410 : vector<16xi32>
        %xor3A_539 = arith.xori %xor3A_538, %add3A_412 : vector<16xi32>
        %and3A_540 = arith.constant 524287 : i32
        %and3A_541 = vector.broadcast %and3A_540 : i32 to vector<16xi32>
        %and3A_542 = arith.andi %xor3A_539, %and3A_541 : vector<16xi32>
        %add3A_543 = arith.addi %and3A_542, %get3A_371 : vector<16xi32>
        %add3A_544 = arith.constant 112 : i32
        %add3A_545 = arith.addi %add3A_425, %add3A_544 : i32
        %swap3A_546 = arith.index_cast %add3A_545 : i32 to index
        %swap3A_547 = tpu.vector_load %arg15[%swap3A_546] {strides = array<i32>} : memref<4096xi32, #tpu.memory_space<vmem>>, vector<16xi32>,
        tpu.vector_store %arg15[%swap3A_546], %add3A_543 {strides = array<i32>} : memref<4096xi32, #tpu.memory_space<vmem>>, vector<16xi32>,
        %mul3A_548 = arith.mulf %sub3A_402, %sub3A_404 : vector<16xf32>
        %mul3A_549 = arith.mulf %mul3A_548, %sub3A_406 : vector<16xf32>
        %add3A_550 = arith.constant 112 : i32
        %add3A_551 = arith.addi %add3A_425, %add3A_550 : i32
        %swap3A_552 = arith.index_cast %add3A_551 : i32 to index
        %swap3A_553 = tpu.vector_load %arg16[%swap3A_552] {strides = array<i32>} : memref<4096xf32, #tpu.memory_space<vmem>>, vector<16xf32>,
        tpu.vector_store %arg16[%swap3A_552], %mul3A_549 {strides = array<i32>} : memref<4096xf32, #tpu.memory_space<vmem>>, vector<16xf32>,
        %dma_start3A_554 = tpu.memref_slice %arg17[%add3A_425] : memref<4096xf32, #tpu.memory_space<vmem>> -> memref<128xf32, #tpu.memory_space<vmem>>
        %dma_start3A_555 = tpu.memref_slice %arg15[%add3A_425] : memref<4096xi32, #tpu.memory_space<vmem>> -> memref<128xi32, #tpu.memory_space<vmem>>
        %dma_start3A_556 = arith.constant 0 : i32
        %dma_start3A_557 = tpu.memref_slice %arg4[%dma_start3A_556] : memref<8388608xf32, #tpu.memory_space<hbm>> -> memref<8388608xf32, #tpu.memory_space<hbm>>
        tpu.enqueue_indirect_dma source(%dma_start3A_557 : memref<8388608xf32, #tpu.memory_space<hbm>>) target(%dma_start3A_554 : memref<128xf32, #tpu.memory_space<vmem>>) offsets(%dma_start3A_555 : memref<128xi32, #tpu.memory_space<vmem>>) semaphore(%arg20 : memref<!tpu.dma_semaphore, #tpu.memory_space<semaphore_mem>>)
        %dma_start3A_558 = tpu.memref_slice %arg18[%add3A_425] : memref<4096xf32, #tpu.memory_space<vmem>> -> memref<128xf32, #tpu.memory_space<vmem>>
        %dma_start3A_559 = tpu.memref_slice %arg15[%add3A_425] : memref<4096xi32, #tpu.memory_space<vmem>> -> memref<128xi32, #tpu.memory_space<vmem>>
        %dma_start3A_560 = arith.constant 0 : i32
        %dma_start3A_561 = tpu.memref_slice %arg5[%dma_start3A_560] : memref<8388608xf32, #tpu.memory_space<hbm>> -> memref<8388608xf32, #tpu.memory_space<hbm>>
        tpu.enqueue_indirect_dma source(%dma_start3A_561 : memref<8388608xf32, #tpu.memory_space<hbm>>) target(%dma_start3A_558 : memref<128xf32, #tpu.memory_space<vmem>>) offsets(%dma_start3A_559 : memref<128xi32, #tpu.memory_space<vmem>>) semaphore(%arg20 : memref<!tpu.dma_semaphore, #tpu.memory_space<semaphore_mem>>)
      }
      %scan3A_84 = arith.constant 16 : i32
      %gt3A = arith.constant 0 : i32
      %gt3A_85 = arith.cmpi sgt, %scan3A_56, %gt3A : i32
      %convert_element_type3A = arith.extui %gt3A_85 : i1 to i32
      %cond3A = arith.constant 0 : i32
      %cond3A_86 = arith.cmpi ne, %convert_element_type3A, %cond3A : i32
      scf.if %cond3A_86 {
        %scan3A_150 = arith.constant 0 : i32
        %scan3A_151 = arith.constant 0 : i32
        %scan3A_152 = arith.constant 16 : i32
        %scan3A_153 = arith.addi %scan3A_151, %scan3A_152 : i32
        %scan3A_154 = arith.constant 1 : i32
        scf.for %scan3A_195 = %scan3A_151 to %scan3A_153 step %scan3A_154  : i32 {
          %mul3A_196 = arith.constant 128 : i32
          %mul3A_197 = arith.muli %scan3A_195, %mul3A_196 : i32
          %add3A_198 = arith.constant 2048 : i32
          %add3A_199 = arith.addi %add3A_198, %mul3A_197 : i32
          %dma_wait3A_200 = tpu.memref_slice %arg17[%add3A_199] : memref<4096xf32, #tpu.memory_space<vmem>> -> memref<128xf32, #tpu.memory_space<vmem>>
          %dma_wait3A_201 = tpu.memref_slice %arg15[%add3A_199] : memref<4096xi32, #tpu.memory_space<vmem>> -> memref<128xi32, #tpu.memory_space<vmem>>
          %dma_wait3A_202 = arith.constant 0 : i32
          %dma_wait3A_203 = tpu.memref_slice %arg4[%dma_wait3A_202] : memref<8388608xf32, #tpu.memory_space<hbm>> -> memref<8388608xf32, #tpu.memory_space<hbm>>
          tpu.wait_indirect_dma semaphore(%arg21 : memref<!tpu.dma_semaphore, #tpu.memory_space<semaphore_mem>>) src(%dma_wait3A_203 : memref<8388608xf32, #tpu.memory_space<hbm>>) dst(%dma_wait3A_200 : memref<128xf32, #tpu.memory_space<vmem>>)
          %dma_wait3A_204 = tpu.memref_slice %arg18[%add3A_199] : memref<4096xf32, #tpu.memory_space<vmem>> -> memref<128xf32, #tpu.memory_space<vmem>>
          %dma_wait3A_205 = tpu.memref_slice %arg15[%add3A_199] : memref<4096xi32, #tpu.memory_space<vmem>> -> memref<128xi32, #tpu.memory_space<vmem>>
          %dma_wait3A_206 = arith.constant 0 : i32
          %dma_wait3A_207 = tpu.memref_slice %arg5[%dma_wait3A_206] : memref<8388608xf32, #tpu.memory_space<hbm>> -> memref<8388608xf32, #tpu.memory_space<hbm>>
          tpu.wait_indirect_dma semaphore(%arg21 : memref<!tpu.dma_semaphore, #tpu.memory_space<semaphore_mem>>) src(%dma_wait3A_207 : memref<8388608xf32, #tpu.memory_space<hbm>>) dst(%dma_wait3A_204 : memref<128xf32, #tpu.memory_space<vmem>>)
        }
        %scan3A_155 = arith.constant 16 : i32
        %sub3A = arith.constant 1 : i32
        %sub3A_156 = arith.subi %mul3A_58, %sub3A : i32
        %gt3A_157 = arith.constant 0 : i32
        %gt3A_158 = arith.cmpi sgt, %sub3A_156, %gt3A_157 : i32
        %convert_element_type3A_159 = arith.extui %gt3A_158 : i1 to i32
        %cond3A_160 = arith.constant 0 : i32
        %cond3A_161 = arith.cmpi ne, %convert_element_type3A_159, %cond3A_160 : i32
        scf.if %cond3A_161 {
          %sub3A_195 = arith.constant 1 : i32
          %sub3A_196 = arith.subi %sub3A_156, %sub3A_195 : i32
          %jit3A_197 = arith.constant 2 : i32
          %eq3A_198 = arith.constant 0 : i32
          %eq3A_199 = arith.cmpi eq, %jit3A_197, %eq3A_198 : i32
          %jit3A_200 = arith.constant 1 : i32
          %select_n3A_201 = arith.select %eq3A_199, %jit3A_200, %jit3A_197 : i32
          %rem3A_202 = arith.remsi %sub3A_196, %select_n3A_201 : i32
          %ne3A_203 = arith.constant 0 : i32
          %ne3A_204 = arith.cmpi ne, %rem3A_202, %ne3A_203 : i32
          %lt3A_205 = arith.constant 0 : i32
          %lt3A_206 = arith.cmpi slt, %rem3A_202, %lt3A_205 : i32
          %lt3A_207 = arith.constant 0 : i32
          %lt3A_208 = arith.cmpi slt, %select_n3A_201, %lt3A_207 : i32
          %ne3A_209 = arith.xori %lt3A_206, %lt3A_208 : i1
          %and3A_210 = arith.andi %ne3A_209, %ne3A_204 : i1
          %add3A_211 = arith.addi %rem3A_202, %select_n3A_201 : i32
          %select_n3A_212 = arith.select %and3A_210, %add3A_211, %rem3A_202 : i32
          %mul3A_213 = arith.constant 512 : i32
          %mul3A_214 = arith.muli %select_n3A_212, %mul3A_213 : i32
          %mul3A_215 = arith.constant 16 : i32
          %mul3A_216 = arith.muli %sub3A_196, %mul3A_215 : i32
          %add3A_217 = arith.addi %mul3A_2, %mul3A_216 : i32
          %mul3A_218 = arith.constant 32 : i32
          %mul3A_219 = arith.muli %add3A_217, %mul3A_218 : i32
          %dma_wait3A_220 = tpu.memref_slice %arg19[%mul3A_214] : memref<1024xf32, #tpu.memory_space<vmem>> -> memref<512xf32, #tpu.memory_space<vmem>>
          %dma_wait3A_221 = tpu.memref_slice %arg9[%mul3A_219] : memref<4194304xf32, #tpu.memory_space<hbm>> -> memref<512xf32, #tpu.memory_space<hbm>>
          %dma_wait3A_222 = tpu.memref_slice %arg9[%mul3A_219] : memref<4194304xf32, #tpu.memory_space<hbm>> -> memref<512xf32, #tpu.memory_space<hbm>>
          %dma_wait3A_223 = tpu.memref_slice %arg19[%mul3A_214] : memref<1024xf32, #tpu.memory_space<vmem>> -> memref<512xf32, #tpu.memory_space<vmem>>
          tpu.wait_dma2 semaphore(%arg22 : memref<!tpu.dma_semaphore, #tpu.memory_space<semaphore_mem>>) src(%dma_wait3A_223 : memref<512xf32, #tpu.memory_space<vmem>>) dst(%dma_wait3A_222 : memref<512xf32, #tpu.memory_space<hbm>>)
        } else {
        }
        %jit3A_162 = arith.constant 2 : i32
        %eq3A_163 = arith.constant 0 : i32
        %eq3A_164 = arith.cmpi eq, %jit3A_162, %eq3A_163 : i32
        %jit3A_165 = arith.constant 1 : i32
        %select_n3A_166 = arith.select %eq3A_164, %jit3A_165, %jit3A_162 : i32
        %rem3A_167 = arith.remsi %sub3A_156, %select_n3A_166 : i32
        %ne3A_168 = arith.constant 0 : i32
        %ne3A_169 = arith.cmpi ne, %rem3A_167, %ne3A_168 : i32
        %lt3A_170 = arith.constant 0 : i32
        %lt3A_171 = arith.cmpi slt, %rem3A_167, %lt3A_170 : i32
        %lt3A_172 = arith.constant 0 : i32
        %lt3A_173 = arith.cmpi slt, %select_n3A_166, %lt3A_172 : i32
        %ne3A_174 = arith.xori %lt3A_171, %lt3A_173 : i1
        %and3A_175 = arith.andi %ne3A_174, %ne3A_169 : i1
        %add3A_176 = arith.addi %rem3A_167, %select_n3A_166 : i32
        %select_n3A_177 = arith.select %and3A_175, %add3A_176, %rem3A_167 : i32
        %mul3A_178 = arith.constant 512 : i32
        %mul3A_179 = arith.muli %select_n3A_177, %mul3A_178 : i32
        %scan3A_180 = arith.constant 0 : i32
        %scan3A_181 = arith.constant 0 : i32
        %scan3A_182 = arith.constant 16 : i32
        %scan3A_183 = arith.addi %scan3A_181, %scan3A_182 : i32
        %scan3A_184 = arith.constant 2 : i32
        scf.for %scan3A_195 = %scan3A_181 to %scan3A_183 step %scan3A_184  : i32 {
          %mul3A_196 = arith.constant 96 : i32
          %mul3A_197 = arith.muli %scan3A_195, %mul3A_196 : i32
          %add3A_198 = arith.constant 80 : i32
          %add3A_199 = arith.addi %mul3A_197, %add3A_198 : i32
          %get3A_200 = arith.index_cast %add3A_199 : i32 to index
          %get3A_201 = tpu.vector_load %arg14[%get3A_200] {strides = array<i32>} : memref<1536xi32, #tpu.memory_space<vmem>>, vector<16xi32>,
          %mul3A_202 = arith.constant 128 : i32
          %mul3A_203 = arith.muli %scan3A_195, %mul3A_202 : i32
          %add3A_204 = arith.constant 2048 : i32
          %add3A_205 = arith.addi %add3A_204, %mul3A_203 : i32
          %broadcast_in_dim3A = arith.constant 0.000000e+00 : f32
          %broadcast_in_dim3A_206 = vector.broadcast %broadcast_in_dim3A : f32 to vector<16xf32>
          %broadcast_in_dim3A_207 = arith.constant 0.000000e+00 : f32
          %broadcast_in_dim3A_208 = vector.broadcast %broadcast_in_dim3A_207 : f32 to vector<16xf32>
          %add3A_209 = arith.constant 0 : i32
          %add3A_210 = arith.addi %add3A_205, %add3A_209 : i32
          %get3A_211 = arith.index_cast %add3A_210 : i32 to index
          %get3A_212 = tpu.vector_load %arg16[%get3A_211] {strides = array<i32>} : memref<4096xf32, #tpu.memory_space<vmem>>, vector<16xf32>,
          %get3A_213 = arith.index_cast %add3A_210 : i32 to index
          %get3A_214 = tpu.vector_load %arg17[%get3A_213] {strides = array<i32>} : memref<4096xf32, #tpu.memory_space<vmem>>, vector<16xf32>,
          %mul3A_215 = arith.mulf %get3A_212, %get3A_214 : vector<16xf32>
          %add3A_216 = arith.addf %broadcast_in_dim3A_206, %mul3A_215 : vector<16xf32>
          %get3A_217 = arith.index_cast %add3A_210 : i32 to index
          %get3A_218 = tpu.vector_load %arg18[%get3A_217] {strides = array<i32>} : memref<4096xf32, #tpu.memory_space<vmem>>, vector<16xf32>,
          %mul3A_219 = arith.mulf %get3A_212, %get3A_218 : vector<16xf32>
          %add3A_220 = arith.addf %broadcast_in_dim3A_208, %mul3A_219 : vector<16xf32>
          %add3A_221 = arith.constant 16 : i32
          %add3A_222 = arith.addi %add3A_205, %add3A_221 : i32
          %get3A_223 = arith.index_cast %add3A_222 : i32 to index
          %get3A_224 = tpu.vector_load %arg16[%get3A_223] {strides = array<i32>} : memref<4096xf32, #tpu.memory_space<vmem>>, vector<16xf32>,
          %get3A_225 = arith.index_cast %add3A_222 : i32 to index
          %get3A_226 = tpu.vector_load %arg17[%get3A_225] {strides = array<i32>} : memref<4096xf32, #tpu.memory_space<vmem>>, vector<16xf32>,
          %mul3A_227 = arith.mulf %get3A_224, %get3A_226 : vector<16xf32>
          %add3A_228 = arith.addf %add3A_216, %mul3A_227 : vector<16xf32>
          %get3A_229 = arith.index_cast %add3A_222 : i32 to index
          %get3A_230 = tpu.vector_load %arg18[%get3A_229] {strides = array<i32>} : memref<4096xf32, #tpu.memory_space<vmem>>, vector<16xf32>,
          %mul3A_231 = arith.mulf %get3A_224, %get3A_230 : vector<16xf32>
          %add3A_232 = arith.addf %add3A_220, %mul3A_231 : vector<16xf32>
          %add3A_233 = arith.constant 32 : i32
          %add3A_234 = arith.addi %add3A_205, %add3A_233 : i32
          %get3A_235 = arith.index_cast %add3A_234 : i32 to index
          %get3A_236 = tpu.vector_load %arg16[%get3A_235] {strides = array<i32>} : memref<4096xf32, #tpu.memory_space<vmem>>, vector<16xf32>,
          %get3A_237 = arith.index_cast %add3A_234 : i32 to index
          %get3A_238 = tpu.vector_load %arg17[%get3A_237] {strides = array<i32>} : memref<4096xf32, #tpu.memory_space<vmem>>, vector<16xf32>,
          %mul3A_239 = arith.mulf %get3A_236, %get3A_238 : vector<16xf32>
          %add3A_240 = arith.addf %add3A_228, %mul3A_239 : vector<16xf32>
          %get3A_241 = arith.index_cast %add3A_234 : i32 to index
          %get3A_242 = tpu.vector_load %arg18[%get3A_241] {strides = array<i32>} : memref<4096xf32, #tpu.memory_space<vmem>>, vector<16xf32>,
          %mul3A_243 = arith.mulf %get3A_236, %get3A_242 : vector<16xf32>
          %add3A_244 = arith.addf %add3A_232, %mul3A_243 : vector<16xf32>
          %add3A_245 = arith.constant 48 : i32
          %add3A_246 = arith.addi %add3A_205, %add3A_245 : i32
          %get3A_247 = arith.index_cast %add3A_246 : i32 to index
          %get3A_248 = tpu.vector_load %arg16[%get3A_247] {strides = array<i32>} : memref<4096xf32, #tpu.memory_space<vmem>>, vector<16xf32>,
          %get3A_249 = arith.index_cast %add3A_246 : i32 to index
          %get3A_250 = tpu.vector_load %arg17[%get3A_249] {strides = array<i32>} : memref<4096xf32, #tpu.memory_space<vmem>>, vector<16xf32>,
          %mul3A_251 = arith.mulf %get3A_248, %get3A_250 : vector<16xf32>
          %add3A_252 = arith.addf %add3A_240, %mul3A_251 : vector<16xf32>
          %get3A_253 = arith.index_cast %add3A_246 : i32 to index
          %get3A_254 = tpu.vector_load %arg18[%get3A_253] {strides = array<i32>} : memref<4096xf32, #tpu.memory_space<vmem>>, vector<16xf32>,
          %mul3A_255 = arith.mulf %get3A_248, %get3A_254 : vector<16xf32>
          %add3A_256 = arith.addf %add3A_244, %mul3A_255 : vector<16xf32>
          %add3A_257 = arith.constant 64 : i32
          %add3A_258 = arith.addi %add3A_205, %add3A_257 : i32
          %get3A_259 = arith.index_cast %add3A_258 : i32 to index
          %get3A_260 = tpu.vector_load %arg16[%get3A_259] {strides = array<i32>} : memref<4096xf32, #tpu.memory_space<vmem>>, vector<16xf32>,
          %get3A_261 = arith.index_cast %add3A_258 : i32 to index
          %get3A_262 = tpu.vector_load %arg17[%get3A_261] {strides = array<i32>} : memref<4096xf32, #tpu.memory_space<vmem>>, vector<16xf32>,
          %mul3A_263 = arith.mulf %get3A_260, %get3A_262 : vector<16xf32>
          %add3A_264 = arith.addf %add3A_252, %mul3A_263 : vector<16xf32>
          %get3A_265 = arith.index_cast %add3A_258 : i32 to index
          %get3A_266 = tpu.vector_load %arg18[%get3A_265] {strides = array<i32>} : memref<4096xf32, #tpu.memory_space<vmem>>, vector<16xf32>,
          %mul3A_267 = arith.mulf %get3A_260, %get3A_266 : vector<16xf32>
          %add3A_268 = arith.addf %add3A_256, %mul3A_267 : vector<16xf32>
          %add3A_269 = arith.constant 80 : i32
          %add3A_270 = arith.addi %add3A_205, %add3A_269 : i32
          %get3A_271 = arith.index_cast %add3A_270 : i32 to index
          %get3A_272 = tpu.vector_load %arg16[%get3A_271] {strides = array<i32>} : memref<4096xf32, #tpu.memory_space<vmem>>, vector<16xf32>,
          %get3A_273 = arith.index_cast %add3A_270 : i32 to index
          %get3A_274 = tpu.vector_load %arg17[%get3A_273] {strides = array<i32>} : memref<4096xf32, #tpu.memory_space<vmem>>, vector<16xf32>,
          %mul3A_275 = arith.mulf %get3A_272, %get3A_274 : vector<16xf32>
          %add3A_276 = arith.addf %add3A_264, %mul3A_275 : vector<16xf32>
          %get3A_277 = arith.index_cast %add3A_270 : i32 to index
          %get3A_278 = tpu.vector_load %arg18[%get3A_277] {strides = array<i32>} : memref<4096xf32, #tpu.memory_space<vmem>>, vector<16xf32>,
          %mul3A_279 = arith.mulf %get3A_272, %get3A_278 : vector<16xf32>
          %add3A_280 = arith.addf %add3A_268, %mul3A_279 : vector<16xf32>
          %add3A_281 = arith.constant 96 : i32
          %add3A_282 = arith.addi %add3A_205, %add3A_281 : i32
          %get3A_283 = arith.index_cast %add3A_282 : i32 to index
          %get3A_284 = tpu.vector_load %arg16[%get3A_283] {strides = array<i32>} : memref<4096xf32, #tpu.memory_space<vmem>>, vector<16xf32>,
          %get3A_285 = arith.index_cast %add3A_282 : i32 to index
          %get3A_286 = tpu.vector_load %arg17[%get3A_285] {strides = array<i32>} : memref<4096xf32, #tpu.memory_space<vmem>>, vector<16xf32>,
          %mul3A_287 = arith.mulf %get3A_284, %get3A_286 : vector<16xf32>
          %add3A_288 = arith.addf %add3A_276, %mul3A_287 : vector<16xf32>
          %get3A_289 = arith.index_cast %add3A_282 : i32 to index
          %get3A_290 = tpu.vector_load %arg18[%get3A_289] {strides = array<i32>} : memref<4096xf32, #tpu.memory_space<vmem>>, vector<16xf32>,
          %mul3A_291 = arith.mulf %get3A_284, %get3A_290 : vector<16xf32>
          %add3A_292 = arith.addf %add3A_280, %mul3A_291 : vector<16xf32>
          %add3A_293 = arith.constant 112 : i32
          %add3A_294 = arith.addi %add3A_205, %add3A_293 : i32
          %get3A_295 = arith.index_cast %add3A_294 : i32 to index
          %get3A_296 = tpu.vector_load %arg16[%get3A_295] {strides = array<i32>} : memref<4096xf32, #tpu.memory_space<vmem>>, vector<16xf32>,
          %get3A_297 = arith.index_cast %add3A_294 : i32 to index
          %get3A_298 = tpu.vector_load %arg17[%get3A_297] {strides = array<i32>} : memref<4096xf32, #tpu.memory_space<vmem>>, vector<16xf32>,
          %mul3A_299 = arith.mulf %get3A_296, %get3A_298 : vector<16xf32>
          %add3A_300 = arith.addf %add3A_288, %mul3A_299 : vector<16xf32>
          %get3A_301 = arith.index_cast %add3A_294 : i32 to index
          %get3A_302 = tpu.vector_load %arg18[%get3A_301] {strides = array<i32>} : memref<4096xf32, #tpu.memory_space<vmem>>, vector<16xf32>,
          %mul3A_303 = arith.mulf %get3A_296, %get3A_302 : vector<16xf32>
          %add3A_304 = arith.addf %add3A_292, %mul3A_303 : vector<16xf32>
          %add3A_305 = arith.addi %mul3A_10, %get3A_201 : vector<16xi32>
          %add3A_306 = vector.broadcast %mul3A_179 : i32 to vector<16xi32>
          %add3A_307 = arith.addi %add3A_306, %add3A_305 : vector<16xi32>
          tpu.vector_store_idx %arg19[%add3A_307], %add3A_300 : memref<1024xf32, #tpu.memory_space<vmem>>[vector<16xi32>], vector<16xf32>,
          %add3A_308 = arith.constant 1 : i32
          %add3A_309 = vector.broadcast %add3A_308 : i32 to vector<16xi32>
          %add3A_310 = arith.addi %get3A_201, %add3A_309 : vector<16xi32>
          %add3A_311 = arith.addi %mul3A_10, %add3A_310 : vector<16xi32>
          %add3A_312 = vector.broadcast %mul3A_179 : i32 to vector<16xi32>
          %add3A_313 = arith.addi %add3A_312, %add3A_311 : vector<16xi32>
          tpu.vector_store_idx %arg19[%add3A_313], %add3A_304 : memref<1024xf32, #tpu.memory_space<vmem>>[vector<16xi32>], vector<16xf32>,
          %scan3A_314 = arith.constant 1 : i32
          %scan3A_315 = arith.addi %scan3A_195, %scan3A_314 : i32
          %mul3A_316 = arith.constant 96 : i32
          %mul3A_317 = arith.muli %scan3A_315, %mul3A_316 : i32
          %add3A_318 = arith.constant 80 : i32
          %add3A_319 = arith.addi %mul3A_317, %add3A_318 : i32
          %get3A_320 = arith.index_cast %add3A_319 : i32 to index
          %get3A_321 = tpu.vector_load %arg14[%get3A_320] {strides = array<i32>} : memref<1536xi32, #tpu.memory_space<vmem>>, vector<16xi32>,
          %mul3A_322 = arith.constant 128 : i32
          %mul3A_323 = arith.muli %scan3A_315, %mul3A_322 : i32
          %add3A_324 = arith.constant 2048 : i32
          %add3A_325 = arith.addi %add3A_324, %mul3A_323 : i32
          %broadcast_in_dim3A_326 = arith.constant 0.000000e+00 : f32
          %broadcast_in_dim3A_327 = vector.broadcast %broadcast_in_dim3A_326 : f32 to vector<16xf32>
          %broadcast_in_dim3A_328 = arith.constant 0.000000e+00 : f32
          %broadcast_in_dim3A_329 = vector.broadcast %broadcast_in_dim3A_328 : f32 to vector<16xf32>
          %add3A_330 = arith.constant 0 : i32
          %add3A_331 = arith.addi %add3A_325, %add3A_330 : i32
          %get3A_332 = arith.index_cast %add3A_331 : i32 to index
          %get3A_333 = tpu.vector_load %arg16[%get3A_332] {strides = array<i32>} : memref<4096xf32, #tpu.memory_space<vmem>>, vector<16xf32>,
          %get3A_334 = arith.index_cast %add3A_331 : i32 to index
          %get3A_335 = tpu.vector_load %arg17[%get3A_334] {strides = array<i32>} : memref<4096xf32, #tpu.memory_space<vmem>>, vector<16xf32>,
          %mul3A_336 = arith.mulf %get3A_333, %get3A_335 : vector<16xf32>
          %add3A_337 = arith.addf %broadcast_in_dim3A_327, %mul3A_336 : vector<16xf32>
          %get3A_338 = arith.index_cast %add3A_331 : i32 to index
          %get3A_339 = tpu.vector_load %arg18[%get3A_338] {strides = array<i32>} : memref<4096xf32, #tpu.memory_space<vmem>>, vector<16xf32>,
          %mul3A_340 = arith.mulf %get3A_333, %get3A_339 : vector<16xf32>
          %add3A_341 = arith.addf %broadcast_in_dim3A_329, %mul3A_340 : vector<16xf32>
          %add3A_342 = arith.constant 16 : i32
          %add3A_343 = arith.addi %add3A_325, %add3A_342 : i32
          %get3A_344 = arith.index_cast %add3A_343 : i32 to index
          %get3A_345 = tpu.vector_load %arg16[%get3A_344] {strides = array<i32>} : memref<4096xf32, #tpu.memory_space<vmem>>, vector<16xf32>,
          %get3A_346 = arith.index_cast %add3A_343 : i32 to index
          %get3A_347 = tpu.vector_load %arg17[%get3A_346] {strides = array<i32>} : memref<4096xf32, #tpu.memory_space<vmem>>, vector<16xf32>,
          %mul3A_348 = arith.mulf %get3A_345, %get3A_347 : vector<16xf32>
          %add3A_349 = arith.addf %add3A_337, %mul3A_348 : vector<16xf32>
          %get3A_350 = arith.index_cast %add3A_343 : i32 to index
          %get3A_351 = tpu.vector_load %arg18[%get3A_350] {strides = array<i32>} : memref<4096xf32, #tpu.memory_space<vmem>>, vector<16xf32>,
          %mul3A_352 = arith.mulf %get3A_345, %get3A_351 : vector<16xf32>
          %add3A_353 = arith.addf %add3A_341, %mul3A_352 : vector<16xf32>
          %add3A_354 = arith.constant 32 : i32
          %add3A_355 = arith.addi %add3A_325, %add3A_354 : i32
          %get3A_356 = arith.index_cast %add3A_355 : i32 to index
          %get3A_357 = tpu.vector_load %arg16[%get3A_356] {strides = array<i32>} : memref<4096xf32, #tpu.memory_space<vmem>>, vector<16xf32>,
          %get3A_358 = arith.index_cast %add3A_355 : i32 to index
          %get3A_359 = tpu.vector_load %arg17[%get3A_358] {strides = array<i32>} : memref<4096xf32, #tpu.memory_space<vmem>>, vector<16xf32>,
          %mul3A_360 = arith.mulf %get3A_357, %get3A_359 : vector<16xf32>
          %add3A_361 = arith.addf %add3A_349, %mul3A_360 : vector<16xf32>
          %get3A_362 = arith.index_cast %add3A_355 : i32 to index
          %get3A_363 = tpu.vector_load %arg18[%get3A_362] {strides = array<i32>} : memref<4096xf32, #tpu.memory_space<vmem>>, vector<16xf32>,
          %mul3A_364 = arith.mulf %get3A_357, %get3A_363 : vector<16xf32>
          %add3A_365 = arith.addf %add3A_353, %mul3A_364 : vector<16xf32>
          %add3A_366 = arith.constant 48 : i32
          %add3A_367 = arith.addi %add3A_325, %add3A_366 : i32
          %get3A_368 = arith.index_cast %add3A_367 : i32 to index
          %get3A_369 = tpu.vector_load %arg16[%get3A_368] {strides = array<i32>} : memref<4096xf32, #tpu.memory_space<vmem>>, vector<16xf32>,
          %get3A_370 = arith.index_cast %add3A_367 : i32 to index
          %get3A_371 = tpu.vector_load %arg17[%get3A_370] {strides = array<i32>} : memref<4096xf32, #tpu.memory_space<vmem>>, vector<16xf32>,
          %mul3A_372 = arith.mulf %get3A_369, %get3A_371 : vector<16xf32>
          %add3A_373 = arith.addf %add3A_361, %mul3A_372 : vector<16xf32>
          %get3A_374 = arith.index_cast %add3A_367 : i32 to index
          %get3A_375 = tpu.vector_load %arg18[%get3A_374] {strides = array<i32>} : memref<4096xf32, #tpu.memory_space<vmem>>, vector<16xf32>,
          %mul3A_376 = arith.mulf %get3A_369, %get3A_375 : vector<16xf32>
          %add3A_377 = arith.addf %add3A_365, %mul3A_376 : vector<16xf32>
          %add3A_378 = arith.constant 64 : i32
          %add3A_379 = arith.addi %add3A_325, %add3A_378 : i32
          %get3A_380 = arith.index_cast %add3A_379 : i32 to index
          %get3A_381 = tpu.vector_load %arg16[%get3A_380] {strides = array<i32>} : memref<4096xf32, #tpu.memory_space<vmem>>, vector<16xf32>,
          %get3A_382 = arith.index_cast %add3A_379 : i32 to index
          %get3A_383 = tpu.vector_load %arg17[%get3A_382] {strides = array<i32>} : memref<4096xf32, #tpu.memory_space<vmem>>, vector<16xf32>,
          %mul3A_384 = arith.mulf %get3A_381, %get3A_383 : vector<16xf32>
          %add3A_385 = arith.addf %add3A_373, %mul3A_384 : vector<16xf32>
          %get3A_386 = arith.index_cast %add3A_379 : i32 to index
          %get3A_387 = tpu.vector_load %arg18[%get3A_386] {strides = array<i32>} : memref<4096xf32, #tpu.memory_space<vmem>>, vector<16xf32>,
          %mul3A_388 = arith.mulf %get3A_381, %get3A_387 : vector<16xf32>
          %add3A_389 = arith.addf %add3A_377, %mul3A_388 : vector<16xf32>
          %add3A_390 = arith.constant 80 : i32
          %add3A_391 = arith.addi %add3A_325, %add3A_390 : i32
          %get3A_392 = arith.index_cast %add3A_391 : i32 to index
          %get3A_393 = tpu.vector_load %arg16[%get3A_392] {strides = array<i32>} : memref<4096xf32, #tpu.memory_space<vmem>>, vector<16xf32>,
          %get3A_394 = arith.index_cast %add3A_391 : i32 to index
          %get3A_395 = tpu.vector_load %arg17[%get3A_394] {strides = array<i32>} : memref<4096xf32, #tpu.memory_space<vmem>>, vector<16xf32>,
          %mul3A_396 = arith.mulf %get3A_393, %get3A_395 : vector<16xf32>
          %add3A_397 = arith.addf %add3A_385, %mul3A_396 : vector<16xf32>
          %get3A_398 = arith.index_cast %add3A_391 : i32 to index
          %get3A_399 = tpu.vector_load %arg18[%get3A_398] {strides = array<i32>} : memref<4096xf32, #tpu.memory_space<vmem>>, vector<16xf32>,
          %mul3A_400 = arith.mulf %get3A_393, %get3A_399 : vector<16xf32>
          %add3A_401 = arith.addf %add3A_389, %mul3A_400 : vector<16xf32>
          %add3A_402 = arith.constant 96 : i32
          %add3A_403 = arith.addi %add3A_325, %add3A_402 : i32
          %get3A_404 = arith.index_cast %add3A_403 : i32 to index
          %get3A_405 = tpu.vector_load %arg16[%get3A_404] {strides = array<i32>} : memref<4096xf32, #tpu.memory_space<vmem>>, vector<16xf32>,
          %get3A_406 = arith.index_cast %add3A_403 : i32 to index
          %get3A_407 = tpu.vector_load %arg17[%get3A_406] {strides = array<i32>} : memref<4096xf32, #tpu.memory_space<vmem>>, vector<16xf32>,
          %mul3A_408 = arith.mulf %get3A_405, %get3A_407 : vector<16xf32>
          %add3A_409 = arith.addf %add3A_397, %mul3A_408 : vector<16xf32>
          %get3A_410 = arith.index_cast %add3A_403 : i32 to index
          %get3A_411 = tpu.vector_load %arg18[%get3A_410] {strides = array<i32>} : memref<4096xf32, #tpu.memory_space<vmem>>, vector<16xf32>,
          %mul3A_412 = arith.mulf %get3A_405, %get3A_411 : vector<16xf32>
          %add3A_413 = arith.addf %add3A_401, %mul3A_412 : vector<16xf32>
          %add3A_414 = arith.constant 112 : i32
          %add3A_415 = arith.addi %add3A_325, %add3A_414 : i32
          %get3A_416 = arith.index_cast %add3A_415 : i32 to index
          %get3A_417 = tpu.vector_load %arg16[%get3A_416] {strides = array<i32>} : memref<4096xf32, #tpu.memory_space<vmem>>, vector<16xf32>,
          %get3A_418 = arith.index_cast %add3A_415 : i32 to index
          %get3A_419 = tpu.vector_load %arg17[%get3A_418] {strides = array<i32>} : memref<4096xf32, #tpu.memory_space<vmem>>, vector<16xf32>,
          %mul3A_420 = arith.mulf %get3A_417, %get3A_419 : vector<16xf32>
          %add3A_421 = arith.addf %add3A_409, %mul3A_420 : vector<16xf32>
          %get3A_422 = arith.index_cast %add3A_415 : i32 to index
          %get3A_423 = tpu.vector_load %arg18[%get3A_422] {strides = array<i32>} : memref<4096xf32, #tpu.memory_space<vmem>>, vector<16xf32>,
          %mul3A_424 = arith.mulf %get3A_417, %get3A_423 : vector<16xf32>
          %add3A_425 = arith.addf %add3A_413, %mul3A_424 : vector<16xf32>
          %add3A_426 = arith.addi %mul3A_10, %get3A_321 : vector<16xi32>
          %add3A_427 = vector.broadcast %mul3A_179 : i32 to vector<16xi32>
          %add3A_428 = arith.addi %add3A_427, %add3A_426 : vector<16xi32>
          tpu.vector_store_idx %arg19[%add3A_428], %add3A_421 : memref<1024xf32, #tpu.memory_space<vmem>>[vector<16xi32>], vector<16xf32>,
          %add3A_429 = arith.constant 1 : i32
          %add3A_430 = vector.broadcast %add3A_429 : i32 to vector<16xi32>
          %add3A_431 = arith.addi %get3A_321, %add3A_430 : vector<16xi32>
          %add3A_432 = arith.addi %mul3A_10, %add3A_431 : vector<16xi32>
          %add3A_433 = vector.broadcast %mul3A_179 : i32 to vector<16xi32>
          %add3A_434 = arith.addi %add3A_433, %add3A_432 : vector<16xi32>
          tpu.vector_store_idx %arg19[%add3A_434], %add3A_425 : memref<1024xf32, #tpu.memory_space<vmem>>[vector<16xi32>], vector<16xf32>,
        }
        %scan3A_185 = arith.constant 16 : i32
        %mul3A_186 = arith.constant 16 : i32
        %mul3A_187 = arith.muli %sub3A_156, %mul3A_186 : i32
        %add3A_188 = arith.addi %mul3A_2, %mul3A_187 : i32
        %mul3A_189 = arith.constant 32 : i32
        %mul3A_190 = arith.muli %add3A_188, %mul3A_189 : i32
        %dma_start3A_191 = tpu.memref_slice %arg19[%mul3A_179] : memref<1024xf32, #tpu.memory_space<vmem>> -> memref<512xf32, #tpu.memory_space<vmem>>
        %dma_start3A_192 = tpu.memref_slice %arg9[%mul3A_190] : memref<4194304xf32, #tpu.memory_space<hbm>> -> memref<512xf32, #tpu.memory_space<hbm>>
        %dma_start3A_193 = tpu.memref_slice %arg9[%mul3A_190] : memref<4194304xf32, #tpu.memory_space<hbm>> -> memref<512xf32, #tpu.memory_space<hbm>>
        %dma_start3A_194 = tpu.memref_slice %arg19[%mul3A_179] : memref<1024xf32, #tpu.memory_space<vmem>> -> memref<512xf32, #tpu.memory_space<vmem>>
        tpu.enqueue_dma source(%dma_start3A_194 : memref<512xf32, #tpu.memory_space<vmem>>) target(%dma_start3A_193 : memref<512xf32, #tpu.memory_space<hbm>>) target_semaphore(%arg22 : memref<!tpu.dma_semaphore, #tpu.memory_space<semaphore_mem>>)
      } else {
      }
      %mul3A_87 = arith.constant 48 : i32
      %mul3A_88 = arith.muli %add3A_60, %mul3A_87 : i32
      %add3A_89 = vector.broadcast %mul3A_88 : i32 to vector<16xi32>
      %add3A_90 = arith.addi %add3A_89, %mul3A_7 : vector<16xi32>
      %gather3A_91 = tpu.vector_load_idx %arg10[%add3A_90] : memref<12288xf32, #tpu.memory_space<vmem>>[vector<16xi32>], vector<16xf32>,
      %add3A_92 = arith.constant 1 : i32
      %add3A_93 = vector.broadcast %add3A_92 : i32 to vector<16xi32>
      %add3A_94 = arith.addi %add3A_90, %add3A_93 : vector<16xi32>
      %gather3A_95 = tpu.vector_load_idx %arg10[%add3A_94] : memref<12288xf32, #tpu.memory_space<vmem>>[vector<16xi32>], vector<16xf32>,
      %add3A_96 = arith.constant 2 : i32
      %add3A_97 = vector.broadcast %add3A_96 : i32 to vector<16xi32>
      %add3A_98 = arith.addi %add3A_90, %add3A_97 : vector<16xi32>
      %gather3A_99 = tpu.vector_load_idx %arg10[%add3A_98] : memref<12288xf32, #tpu.memory_space<vmem>>[vector<16xi32>], vector<16xf32>,
      %mul3A_100 = arith.constant 16 : i32
      %mul3A_101 = arith.muli %add3A_60, %mul3A_100 : i32
      %get3A_102 = arith.index_cast %mul3A_101 : i32 to index
      %get3A_103 = tpu.vector_load %arg11[%get3A_102] {strides = array<i32>} : memref<4096xi32, #tpu.memory_space<vmem>>, vector<16xi32>,
      %mul3A_104 = arith.constant 48 : i32
      %mul3A_105 = vector.broadcast %mul3A_104 : i32 to vector<16xi32>
      %mul3A_106 = arith.muli %get3A_103, %mul3A_105 : vector<16xi32>
      %scan3A_107 = arith.constant 0 : i32
      %scan3A_108 = arith.constant 0 : i32
      %scan3A_109 = arith.constant 16 : i32
      %scan3A_110 = arith.addi %scan3A_108, %scan3A_109 : i32
      %scan3A_111 = arith.constant 2 : i32
      scf.for %scan3A_150 = %scan3A_108 to %scan3A_110 step %scan3A_111  : i32 {
        %mul3A_151 = arith.constant 96 : i32
        %mul3A_152 = arith.muli %scan3A_150, %mul3A_151 : i32
        %get3A_153 = arith.index_cast %mul3A_152 : i32 to index
        %get3A_154 = tpu.vector_load %arg14[%get3A_153] {strides = array<i32>} : memref<1536xi32, #tpu.memory_space<vmem>>, vector<16xi32>,
        %add3A_155 = arith.constant 16 : i32
        %add3A_156 = arith.addi %mul3A_152, %add3A_155 : i32
        %get3A_157 = arith.index_cast %add3A_156 : i32 to index
        %get3A_158 = tpu.vector_load %arg14[%get3A_157] {strides = array<i32>} : memref<1536xi32, #tpu.memory_space<vmem>>, vector<16xi32>,
        %add3A_159 = arith.constant 32 : i32
        %add3A_160 = arith.addi %mul3A_152, %add3A_159 : i32
        %get3A_161 = arith.index_cast %add3A_160 : i32 to index
        %get3A_162 = tpu.vector_load %arg14[%get3A_161] {strides = array<i32>} : memref<1536xi32, #tpu.memory_space<vmem>>, vector<16xi32>,
        %add3A_163 = arith.constant 48 : i32
        %add3A_164 = arith.addi %mul3A_152, %add3A_163 : i32
        %get3A_165 = arith.index_cast %add3A_164 : i32 to index
        %get3A_166 = tpu.vector_load %arg14[%get3A_165] {strides = array<i32>} : memref<1536xi32, #tpu.memory_space<vmem>>, vector<16xi32>,
        %add3A_167 = arith.constant 64 : i32
        %add3A_168 = arith.addi %mul3A_152, %add3A_167 : i32
        %get3A_169 = arith.index_cast %add3A_168 : i32 to index
        %get3A_170 = tpu.vector_load %arg14[%get3A_169] {strides = array<i32>} : memref<1536xi32, #tpu.memory_space<vmem>>, vector<16xi32>,
        %mul3A_171 = arith.constant 16 : i32
        %mul3A_172 = arith.muli %scan3A_150, %mul3A_171 : i32
        %get3A_173 = arith.index_cast %mul3A_172 : i32 to index
        %get3A_174 = tpu.vector_load %arg13[%get3A_173] {strides = array<i32>} : memref<256xf32, #tpu.memory_space<vmem>>, vector<16xf32>,
        %add3A_175 = arith.addi %mul3A_106, %get3A_170 : vector<16xi32>
        %gather3A_176 = tpu.vector_load_idx %arg12[%add3A_175] : memref<3072xf32, #tpu.memory_space<vmem>>[vector<16xi32>], vector<16xf32>,
        %add3A_177 = arith.constant 1 : i32
        %add3A_178 = vector.broadcast %add3A_177 : i32 to vector<16xi32>
        %add3A_179 = arith.addi %get3A_170, %add3A_178 : vector<16xi32>
        %add3A_180 = arith.addi %mul3A_106, %add3A_179 : vector<16xi32>
        %gather3A_181 = tpu.vector_load_idx %arg12[%add3A_180] : memref<3072xf32, #tpu.memory_space<vmem>>[vector<16xi32>], vector<16xf32>,
        %add3A_182 = arith.constant 2 : i32
        %add3A_183 = vector.broadcast %add3A_182 : i32 to vector<16xi32>
        %add3A_184 = arith.addi %get3A_170, %add3A_183 : vector<16xi32>
        %add3A_185 = arith.addi %mul3A_106, %add3A_184 : vector<16xi32>
        %gather3A_186 = tpu.vector_load_idx %arg12[%add3A_185] : memref<3072xf32, #tpu.memory_space<vmem>>[vector<16xi32>], vector<16xf32>,
        %mul3A_187 = arith.mulf %gather3A_91, %get3A_174 : vector<16xf32>
        %add3A_188 = arith.addf %mul3A_187, %gather3A_176 : vector<16xf32>
        %mul3A_189 = arith.mulf %gather3A_95, %get3A_174 : vector<16xf32>
        %add3A_190 = arith.addf %mul3A_189, %gather3A_181 : vector<16xf32>
        %mul3A_191 = arith.mulf %gather3A_99, %get3A_174 : vector<16xf32>
        %add3A_192 = arith.addf %mul3A_191, %gather3A_186 : vector<16xf32>
        %convert_element_type3A_193 = arith.fptosi %add3A_188 : vector<16xf32> to vector<16xi32>
        %convert_element_type3A_194 = arith.fptosi %add3A_190 : vector<16xf32> to vector<16xi32>
        %convert_element_type3A_195 = arith.fptosi %add3A_192 : vector<16xf32> to vector<16xi32>
        %convert_element_type3A_196 = arith.sitofp %convert_element_type3A_193 : vector<16xi32> to vector<16xf32>
        %sub3A = arith.subf %add3A_188, %convert_element_type3A_196 : vector<16xf32>
        %convert_element_type3A_197 = arith.sitofp %convert_element_type3A_194 : vector<16xi32> to vector<16xf32>
        %sub3A_198 = arith.subf %add3A_190, %convert_element_type3A_197 : vector<16xf32>
        %convert_element_type3A_199 = arith.sitofp %convert_element_type3A_195 : vector<16xi32> to vector<16xf32>
        %sub3A_200 = arith.subf %add3A_192, %convert_element_type3A_199 : vector<16xf32>
        %mul3A_201 = arith.muli %convert_element_type3A_193, %get3A_154 : vector<16xi32>
        %add3A_202 = arith.addi %mul3A_201, %get3A_154 : vector<16xi32>
        %mul3A_203 = arith.muli %convert_element_type3A_194, %get3A_158 : vector<16xi32>
        %add3A_204 = arith.addi %mul3A_203, %get3A_158 : vector<16xi32>
        %mul3A_205 = arith.muli %convert_element_type3A_195, %get3A_162 : vector<16xi32>
        %add3A_206 = arith.addi %mul3A_205, %get3A_162 : vector<16xi32>
        %sub3A_207 = arith.constant 1.000000e+00 : f32
        %sub3A_208 = vector.broadcast %sub3A_207 : f32 to vector<16xf32>
        %sub3A_209 = arith.subf %sub3A_208, %sub3A : vector<16xf32>
        %sub3A_210 = arith.constant 1.000000e+00 : f32
        %sub3A_211 = vector.broadcast %sub3A_210 : f32 to vector<16xf32>
        %sub3A_212 = arith.subf %sub3A_211, %sub3A_198 : vector<16xf32>
        %sub3A_213 = arith.constant 1.000000e+00 : f32
        %sub3A_214 = vector.broadcast %sub3A_213 : f32 to vector<16xf32>
        %sub3A_215 = arith.subf %sub3A_214, %sub3A_200 : vector<16xf32>
        %mul3A_216 = arith.constant 128 : i32
        %mul3A_217 = arith.muli %scan3A_150, %mul3A_216 : i32
        %add3A_218 = arith.constant 2048 : i32
        %add3A_219 = arith.addi %add3A_218, %mul3A_217 : i32
        %xor3A = arith.xori %mul3A_201, %mul3A_203 : vector<16xi32>
        %xor3A_220 = arith.xori %xor3A, %mul3A_205 : vector<16xi32>
        %and3A_221 = arith.constant 524287 : i32
        %and3A_222 = vector.broadcast %and3A_221 : i32 to vector<16xi32>
        %and3A_223 = arith.andi %xor3A_220, %and3A_222 : vector<16xi32>
        %add3A_224 = arith.addi %and3A_223, %get3A_166 : vector<16xi32>
        %add3A_225 = arith.constant 0 : i32
        %add3A_226 = arith.addi %add3A_219, %add3A_225 : i32
        %swap3A = arith.index_cast %add3A_226 : i32 to index
        %swap3A_227 = tpu.vector_load %arg15[%swap3A] {strides = array<i32>} : memref<4096xi32, #tpu.memory_space<vmem>>, vector<16xi32>,
        tpu.vector_store %arg15[%swap3A], %add3A_224 {strides = array<i32>} : memref<4096xi32, #tpu.memory_space<vmem>>, vector<16xi32>,
        %mul3A_228 = arith.mulf %sub3A_209, %sub3A_212 : vector<16xf32>
        %mul3A_229 = arith.mulf %mul3A_228, %sub3A_215 : vector<16xf32>
        %add3A_230 = arith.constant 0 : i32
        %add3A_231 = arith.addi %add3A_219, %add3A_230 : i32
        %swap3A_232 = arith.index_cast %add3A_231 : i32 to index
        %swap3A_233 = tpu.vector_load %arg16[%swap3A_232] {strides = array<i32>} : memref<4096xf32, #tpu.memory_space<vmem>>, vector<16xf32>,
        tpu.vector_store %arg16[%swap3A_232], %mul3A_229 {strides = array<i32>} : memref<4096xf32, #tpu.memory_space<vmem>>, vector<16xf32>,
        %xor3A_234 = arith.xori %mul3A_201, %mul3A_203 : vector<16xi32>
        %xor3A_235 = arith.xori %xor3A_234, %add3A_206 : vector<16xi32>
        %and3A_236 = arith.constant 524287 : i32
        %and3A_237 = vector.broadcast %and3A_236 : i32 to vector<16xi32>
        %and3A_238 = arith.andi %xor3A_235, %and3A_237 : vector<16xi32>
        %add3A_239 = arith.addi %and3A_238, %get3A_166 : vector<16xi32>
        %add3A_240 = arith.constant 16 : i32
        %add3A_241 = arith.addi %add3A_219, %add3A_240 : i32
        %swap3A_242 = arith.index_cast %add3A_241 : i32 to index
        %swap3A_243 = tpu.vector_load %arg15[%swap3A_242] {strides = array<i32>} : memref<4096xi32, #tpu.memory_space<vmem>>, vector<16xi32>,
        tpu.vector_store %arg15[%swap3A_242], %add3A_239 {strides = array<i32>} : memref<4096xi32, #tpu.memory_space<vmem>>, vector<16xi32>,
        %mul3A_244 = arith.mulf %sub3A_209, %sub3A_212 : vector<16xf32>
        %mul3A_245 = arith.mulf %mul3A_244, %sub3A_200 : vector<16xf32>
        %add3A_246 = arith.constant 16 : i32
        %add3A_247 = arith.addi %add3A_219, %add3A_246 : i32
        %swap3A_248 = arith.index_cast %add3A_247 : i32 to index
        %swap3A_249 = tpu.vector_load %arg16[%swap3A_248] {strides = array<i32>} : memref<4096xf32, #tpu.memory_space<vmem>>, vector<16xf32>,
        tpu.vector_store %arg16[%swap3A_248], %mul3A_245 {strides = array<i32>} : memref<4096xf32, #tpu.memory_space<vmem>>, vector<16xf32>,
        %xor3A_250 = arith.xori %mul3A_201, %add3A_204 : vector<16xi32>
        %xor3A_251 = arith.xori %xor3A_250, %mul3A_205 : vector<16xi32>
        %and3A_252 = arith.constant 524287 : i32
        %and3A_253 = vector.broadcast %and3A_252 : i32 to vector<16xi32>
        %and3A_254 = arith.andi %xor3A_251, %and3A_253 : vector<16xi32>
        %add3A_255 = arith.addi %and3A_254, %get3A_166 : vector<16xi32>
        %add3A_256 = arith.constant 32 : i32
        %add3A_257 = arith.addi %add3A_219, %add3A_256 : i32
        %swap3A_258 = arith.index_cast %add3A_257 : i32 to index
        %swap3A_259 = tpu.vector_load %arg15[%swap3A_258] {strides = array<i32>} : memref<4096xi32, #tpu.memory_space<vmem>>, vector<16xi32>,
        tpu.vector_store %arg15[%swap3A_258], %add3A_255 {strides = array<i32>} : memref<4096xi32, #tpu.memory_space<vmem>>, vector<16xi32>,
        %mul3A_260 = arith.mulf %sub3A_209, %sub3A_198 : vector<16xf32>
        %mul3A_261 = arith.mulf %mul3A_260, %sub3A_215 : vector<16xf32>
        %add3A_262 = arith.constant 32 : i32
        %add3A_263 = arith.addi %add3A_219, %add3A_262 : i32
        %swap3A_264 = arith.index_cast %add3A_263 : i32 to index
        %swap3A_265 = tpu.vector_load %arg16[%swap3A_264] {strides = array<i32>} : memref<4096xf32, #tpu.memory_space<vmem>>, vector<16xf32>,
        tpu.vector_store %arg16[%swap3A_264], %mul3A_261 {strides = array<i32>} : memref<4096xf32, #tpu.memory_space<vmem>>, vector<16xf32>,
        %xor3A_266 = arith.xori %mul3A_201, %add3A_204 : vector<16xi32>
        %xor3A_267 = arith.xori %xor3A_266, %add3A_206 : vector<16xi32>
        %and3A_268 = arith.constant 524287 : i32
        %and3A_269 = vector.broadcast %and3A_268 : i32 to vector<16xi32>
        %and3A_270 = arith.andi %xor3A_267, %and3A_269 : vector<16xi32>
        %add3A_271 = arith.addi %and3A_270, %get3A_166 : vector<16xi32>
        %add3A_272 = arith.constant 48 : i32
        %add3A_273 = arith.addi %add3A_219, %add3A_272 : i32
        %swap3A_274 = arith.index_cast %add3A_273 : i32 to index
        %swap3A_275 = tpu.vector_load %arg15[%swap3A_274] {strides = array<i32>} : memref<4096xi32, #tpu.memory_space<vmem>>, vector<16xi32>,
        tpu.vector_store %arg15[%swap3A_274], %add3A_271 {strides = array<i32>} : memref<4096xi32, #tpu.memory_space<vmem>>, vector<16xi32>,
        %mul3A_276 = arith.mulf %sub3A_209, %sub3A_198 : vector<16xf32>
        %mul3A_277 = arith.mulf %mul3A_276, %sub3A_200 : vector<16xf32>
        %add3A_278 = arith.constant 48 : i32
        %add3A_279 = arith.addi %add3A_219, %add3A_278 : i32
        %swap3A_280 = arith.index_cast %add3A_279 : i32 to index
        %swap3A_281 = tpu.vector_load %arg16[%swap3A_280] {strides = array<i32>} : memref<4096xf32, #tpu.memory_space<vmem>>, vector<16xf32>,
        tpu.vector_store %arg16[%swap3A_280], %mul3A_277 {strides = array<i32>} : memref<4096xf32, #tpu.memory_space<vmem>>, vector<16xf32>,
        %xor3A_282 = arith.xori %add3A_202, %mul3A_203 : vector<16xi32>
        %xor3A_283 = arith.xori %xor3A_282, %mul3A_205 : vector<16xi32>
        %and3A_284 = arith.constant 524287 : i32
        %and3A_285 = vector.broadcast %and3A_284 : i32 to vector<16xi32>
        %and3A_286 = arith.andi %xor3A_283, %and3A_285 : vector<16xi32>
        %add3A_287 = arith.addi %and3A_286, %get3A_166 : vector<16xi32>
        %add3A_288 = arith.constant 64 : i32
        %add3A_289 = arith.addi %add3A_219, %add3A_288 : i32
        %swap3A_290 = arith.index_cast %add3A_289 : i32 to index
        %swap3A_291 = tpu.vector_load %arg15[%swap3A_290] {strides = array<i32>} : memref<4096xi32, #tpu.memory_space<vmem>>, vector<16xi32>,
        tpu.vector_store %arg15[%swap3A_290], %add3A_287 {strides = array<i32>} : memref<4096xi32, #tpu.memory_space<vmem>>, vector<16xi32>,
        %mul3A_292 = arith.mulf %sub3A, %sub3A_212 : vector<16xf32>
        %mul3A_293 = arith.mulf %mul3A_292, %sub3A_215 : vector<16xf32>
        %add3A_294 = arith.constant 64 : i32
        %add3A_295 = arith.addi %add3A_219, %add3A_294 : i32
        %swap3A_296 = arith.index_cast %add3A_295 : i32 to index
        %swap3A_297 = tpu.vector_load %arg16[%swap3A_296] {strides = array<i32>} : memref<4096xf32, #tpu.memory_space<vmem>>, vector<16xf32>,
        tpu.vector_store %arg16[%swap3A_296], %mul3A_293 {strides = array<i32>} : memref<4096xf32, #tpu.memory_space<vmem>>, vector<16xf32>,
        %xor3A_298 = arith.xori %add3A_202, %mul3A_203 : vector<16xi32>
        %xor3A_299 = arith.xori %xor3A_298, %add3A_206 : vector<16xi32>
        %and3A_300 = arith.constant 524287 : i32
        %and3A_301 = vector.broadcast %and3A_300 : i32 to vector<16xi32>
        %and3A_302 = arith.andi %xor3A_299, %and3A_301 : vector<16xi32>
        %add3A_303 = arith.addi %and3A_302, %get3A_166 : vector<16xi32>
        %add3A_304 = arith.constant 80 : i32
        %add3A_305 = arith.addi %add3A_219, %add3A_304 : i32
        %swap3A_306 = arith.index_cast %add3A_305 : i32 to index
        %swap3A_307 = tpu.vector_load %arg15[%swap3A_306] {strides = array<i32>} : memref<4096xi32, #tpu.memory_space<vmem>>, vector<16xi32>,
        tpu.vector_store %arg15[%swap3A_306], %add3A_303 {strides = array<i32>} : memref<4096xi32, #tpu.memory_space<vmem>>, vector<16xi32>,
        %mul3A_308 = arith.mulf %sub3A, %sub3A_212 : vector<16xf32>
        %mul3A_309 = arith.mulf %mul3A_308, %sub3A_200 : vector<16xf32>
        %add3A_310 = arith.constant 80 : i32
        %add3A_311 = arith.addi %add3A_219, %add3A_310 : i32
        %swap3A_312 = arith.index_cast %add3A_311 : i32 to index
        %swap3A_313 = tpu.vector_load %arg16[%swap3A_312] {strides = array<i32>} : memref<4096xf32, #tpu.memory_space<vmem>>, vector<16xf32>,
        tpu.vector_store %arg16[%swap3A_312], %mul3A_309 {strides = array<i32>} : memref<4096xf32, #tpu.memory_space<vmem>>, vector<16xf32>,
        %xor3A_314 = arith.xori %add3A_202, %add3A_204 : vector<16xi32>
        %xor3A_315 = arith.xori %xor3A_314, %mul3A_205 : vector<16xi32>
        %and3A_316 = arith.constant 524287 : i32
        %and3A_317 = vector.broadcast %and3A_316 : i32 to vector<16xi32>
        %and3A_318 = arith.andi %xor3A_315, %and3A_317 : vector<16xi32>
        %add3A_319 = arith.addi %and3A_318, %get3A_166 : vector<16xi32>
        %add3A_320 = arith.constant 96 : i32
        %add3A_321 = arith.addi %add3A_219, %add3A_320 : i32
        %swap3A_322 = arith.index_cast %add3A_321 : i32 to index
        %swap3A_323 = tpu.vector_load %arg15[%swap3A_322] {strides = array<i32>} : memref<4096xi32, #tpu.memory_space<vmem>>, vector<16xi32>,
        tpu.vector_store %arg15[%swap3A_322], %add3A_319 {strides = array<i32>} : memref<4096xi32, #tpu.memory_space<vmem>>, vector<16xi32>,
        %mul3A_324 = arith.mulf %sub3A, %sub3A_198 : vector<16xf32>
        %mul3A_325 = arith.mulf %mul3A_324, %sub3A_215 : vector<16xf32>
        %add3A_326 = arith.constant 96 : i32
        %add3A_327 = arith.addi %add3A_219, %add3A_326 : i32
        %swap3A_328 = arith.index_cast %add3A_327 : i32 to index
        %swap3A_329 = tpu.vector_load %arg16[%swap3A_328] {strides = array<i32>} : memref<4096xf32, #tpu.memory_space<vmem>>, vector<16xf32>,
        tpu.vector_store %arg16[%swap3A_328], %mul3A_325 {strides = array<i32>} : memref<4096xf32, #tpu.memory_space<vmem>>, vector<16xf32>,
        %xor3A_330 = arith.xori %add3A_202, %add3A_204 : vector<16xi32>
        %xor3A_331 = arith.xori %xor3A_330, %add3A_206 : vector<16xi32>
        %and3A_332 = arith.constant 524287 : i32
        %and3A_333 = vector.broadcast %and3A_332 : i32 to vector<16xi32>
        %and3A_334 = arith.andi %xor3A_331, %and3A_333 : vector<16xi32>
        %add3A_335 = arith.addi %and3A_334, %get3A_166 : vector<16xi32>
        %add3A_336 = arith.constant 112 : i32
        %add3A_337 = arith.addi %add3A_219, %add3A_336 : i32
        %swap3A_338 = arith.index_cast %add3A_337 : i32 to index
        %swap3A_339 = tpu.vector_load %arg15[%swap3A_338] {strides = array<i32>} : memref<4096xi32, #tpu.memory_space<vmem>>, vector<16xi32>,
        tpu.vector_store %arg15[%swap3A_338], %add3A_335 {strides = array<i32>} : memref<4096xi32, #tpu.memory_space<vmem>>, vector<16xi32>,
        %mul3A_340 = arith.mulf %sub3A, %sub3A_198 : vector<16xf32>
        %mul3A_341 = arith.mulf %mul3A_340, %sub3A_200 : vector<16xf32>
        %add3A_342 = arith.constant 112 : i32
        %add3A_343 = arith.addi %add3A_219, %add3A_342 : i32
        %swap3A_344 = arith.index_cast %add3A_343 : i32 to index
        %swap3A_345 = tpu.vector_load %arg16[%swap3A_344] {strides = array<i32>} : memref<4096xf32, #tpu.memory_space<vmem>>, vector<16xf32>,
        tpu.vector_store %arg16[%swap3A_344], %mul3A_341 {strides = array<i32>} : memref<4096xf32, #tpu.memory_space<vmem>>, vector<16xf32>,
        %dma_start3A_346 = tpu.memref_slice %arg17[%add3A_219] : memref<4096xf32, #tpu.memory_space<vmem>> -> memref<128xf32, #tpu.memory_space<vmem>>
        %dma_start3A_347 = tpu.memref_slice %arg15[%add3A_219] : memref<4096xi32, #tpu.memory_space<vmem>> -> memref<128xi32, #tpu.memory_space<vmem>>
        %dma_start3A_348 = arith.constant 0 : i32
        %dma_start3A_349 = tpu.memref_slice %arg4[%dma_start3A_348] : memref<8388608xf32, #tpu.memory_space<hbm>> -> memref<8388608xf32, #tpu.memory_space<hbm>>
        tpu.enqueue_indirect_dma source(%dma_start3A_349 : memref<8388608xf32, #tpu.memory_space<hbm>>) target(%dma_start3A_346 : memref<128xf32, #tpu.memory_space<vmem>>) offsets(%dma_start3A_347 : memref<128xi32, #tpu.memory_space<vmem>>) semaphore(%arg21 : memref<!tpu.dma_semaphore, #tpu.memory_space<semaphore_mem>>)
        %dma_start3A_350 = tpu.memref_slice %arg18[%add3A_219] : memref<4096xf32, #tpu.memory_space<vmem>> -> memref<128xf32, #tpu.memory_space<vmem>>
        %dma_start3A_351 = tpu.memref_slice %arg15[%add3A_219] : memref<4096xi32, #tpu.memory_space<vmem>> -> memref<128xi32, #tpu.memory_space<vmem>>
        %dma_start3A_352 = arith.constant 0 : i32
        %dma_start3A_353 = tpu.memref_slice %arg5[%dma_start3A_352] : memref<8388608xf32, #tpu.memory_space<hbm>> -> memref<8388608xf32, #tpu.memory_space<hbm>>
        tpu.enqueue_indirect_dma source(%dma_start3A_353 : memref<8388608xf32, #tpu.memory_space<hbm>>) target(%dma_start3A_350 : memref<128xf32, #tpu.memory_space<vmem>>) offsets(%dma_start3A_351 : memref<128xi32, #tpu.memory_space<vmem>>) semaphore(%arg21 : memref<!tpu.dma_semaphore, #tpu.memory_space<semaphore_mem>>)
        %scan3A_354 = arith.constant 1 : i32
        %scan3A_355 = arith.addi %scan3A_150, %scan3A_354 : i32
        %mul3A_356 = arith.constant 96 : i32
        %mul3A_357 = arith.muli %scan3A_355, %mul3A_356 : i32
        %get3A_358 = arith.index_cast %mul3A_357 : i32 to index
        %get3A_359 = tpu.vector_load %arg14[%get3A_358] {strides = array<i32>} : memref<1536xi32, #tpu.memory_space<vmem>>, vector<16xi32>,
        %add3A_360 = arith.constant 16 : i32
        %add3A_361 = arith.addi %mul3A_357, %add3A_360 : i32
        %get3A_362 = arith.index_cast %add3A_361 : i32 to index
        %get3A_363 = tpu.vector_load %arg14[%get3A_362] {strides = array<i32>} : memref<1536xi32, #tpu.memory_space<vmem>>, vector<16xi32>,
        %add3A_364 = arith.constant 32 : i32
        %add3A_365 = arith.addi %mul3A_357, %add3A_364 : i32
        %get3A_366 = arith.index_cast %add3A_365 : i32 to index
        %get3A_367 = tpu.vector_load %arg14[%get3A_366] {strides = array<i32>} : memref<1536xi32, #tpu.memory_space<vmem>>, vector<16xi32>,
        %add3A_368 = arith.constant 48 : i32
        %add3A_369 = arith.addi %mul3A_357, %add3A_368 : i32
        %get3A_370 = arith.index_cast %add3A_369 : i32 to index
        %get3A_371 = tpu.vector_load %arg14[%get3A_370] {strides = array<i32>} : memref<1536xi32, #tpu.memory_space<vmem>>, vector<16xi32>,
        %add3A_372 = arith.constant 64 : i32
        %add3A_373 = arith.addi %mul3A_357, %add3A_372 : i32
        %get3A_374 = arith.index_cast %add3A_373 : i32 to index
        %get3A_375 = tpu.vector_load %arg14[%get3A_374] {strides = array<i32>} : memref<1536xi32, #tpu.memory_space<vmem>>, vector<16xi32>,
        %mul3A_376 = arith.constant 16 : i32
        %mul3A_377 = arith.muli %scan3A_355, %mul3A_376 : i32
        %get3A_378 = arith.index_cast %mul3A_377 : i32 to index
        %get3A_379 = tpu.vector_load %arg13[%get3A_378] {strides = array<i32>} : memref<256xf32, #tpu.memory_space<vmem>>, vector<16xf32>,
        %add3A_380 = arith.addi %mul3A_106, %get3A_375 : vector<16xi32>
        %gather3A_381 = tpu.vector_load_idx %arg12[%add3A_380] : memref<3072xf32, #tpu.memory_space<vmem>>[vector<16xi32>], vector<16xf32>,
        %add3A_382 = arith.constant 1 : i32
        %add3A_383 = vector.broadcast %add3A_382 : i32 to vector<16xi32>
        %add3A_384 = arith.addi %get3A_375, %add3A_383 : vector<16xi32>
        %add3A_385 = arith.addi %mul3A_106, %add3A_384 : vector<16xi32>
        %gather3A_386 = tpu.vector_load_idx %arg12[%add3A_385] : memref<3072xf32, #tpu.memory_space<vmem>>[vector<16xi32>], vector<16xf32>,
        %add3A_387 = arith.constant 2 : i32
        %add3A_388 = vector.broadcast %add3A_387 : i32 to vector<16xi32>
        %add3A_389 = arith.addi %get3A_375, %add3A_388 : vector<16xi32>
        %add3A_390 = arith.addi %mul3A_106, %add3A_389 : vector<16xi32>
        %gather3A_391 = tpu.vector_load_idx %arg12[%add3A_390] : memref<3072xf32, #tpu.memory_space<vmem>>[vector<16xi32>], vector<16xf32>,
        %mul3A_392 = arith.mulf %gather3A_91, %get3A_379 : vector<16xf32>
        %add3A_393 = arith.addf %mul3A_392, %gather3A_381 : vector<16xf32>
        %mul3A_394 = arith.mulf %gather3A_95, %get3A_379 : vector<16xf32>
        %add3A_395 = arith.addf %mul3A_394, %gather3A_386 : vector<16xf32>
        %mul3A_396 = arith.mulf %gather3A_99, %get3A_379 : vector<16xf32>
        %add3A_397 = arith.addf %mul3A_396, %gather3A_391 : vector<16xf32>
        %convert_element_type3A_398 = arith.fptosi %add3A_393 : vector<16xf32> to vector<16xi32>
        %convert_element_type3A_399 = arith.fptosi %add3A_395 : vector<16xf32> to vector<16xi32>
        %convert_element_type3A_400 = arith.fptosi %add3A_397 : vector<16xf32> to vector<16xi32>
        %convert_element_type3A_401 = arith.sitofp %convert_element_type3A_398 : vector<16xi32> to vector<16xf32>
        %sub3A_402 = arith.subf %add3A_393, %convert_element_type3A_401 : vector<16xf32>
        %convert_element_type3A_403 = arith.sitofp %convert_element_type3A_399 : vector<16xi32> to vector<16xf32>
        %sub3A_404 = arith.subf %add3A_395, %convert_element_type3A_403 : vector<16xf32>
        %convert_element_type3A_405 = arith.sitofp %convert_element_type3A_400 : vector<16xi32> to vector<16xf32>
        %sub3A_406 = arith.subf %add3A_397, %convert_element_type3A_405 : vector<16xf32>
        %mul3A_407 = arith.muli %convert_element_type3A_398, %get3A_359 : vector<16xi32>
        %add3A_408 = arith.addi %mul3A_407, %get3A_359 : vector<16xi32>
        %mul3A_409 = arith.muli %convert_element_type3A_399, %get3A_363 : vector<16xi32>
        %add3A_410 = arith.addi %mul3A_409, %get3A_363 : vector<16xi32>
        %mul3A_411 = arith.muli %convert_element_type3A_400, %get3A_367 : vector<16xi32>
        %add3A_412 = arith.addi %mul3A_411, %get3A_367 : vector<16xi32>
        %sub3A_413 = arith.constant 1.000000e+00 : f32
        %sub3A_414 = vector.broadcast %sub3A_413 : f32 to vector<16xf32>
        %sub3A_415 = arith.subf %sub3A_414, %sub3A_402 : vector<16xf32>
        %sub3A_416 = arith.constant 1.000000e+00 : f32
        %sub3A_417 = vector.broadcast %sub3A_416 : f32 to vector<16xf32>
        %sub3A_418 = arith.subf %sub3A_417, %sub3A_404 : vector<16xf32>
        %sub3A_419 = arith.constant 1.000000e+00 : f32
        %sub3A_420 = vector.broadcast %sub3A_419 : f32 to vector<16xf32>
        %sub3A_421 = arith.subf %sub3A_420, %sub3A_406 : vector<16xf32>
        %mul3A_422 = arith.constant 128 : i32
        %mul3A_423 = arith.muli %scan3A_355, %mul3A_422 : i32
        %add3A_424 = arith.constant 2048 : i32
        %add3A_425 = arith.addi %add3A_424, %mul3A_423 : i32
        %xor3A_426 = arith.xori %mul3A_407, %mul3A_409 : vector<16xi32>
        %xor3A_427 = arith.xori %xor3A_426, %mul3A_411 : vector<16xi32>
        %and3A_428 = arith.constant 524287 : i32
        %and3A_429 = vector.broadcast %and3A_428 : i32 to vector<16xi32>
        %and3A_430 = arith.andi %xor3A_427, %and3A_429 : vector<16xi32>
        %add3A_431 = arith.addi %and3A_430, %get3A_371 : vector<16xi32>
        %add3A_432 = arith.constant 0 : i32
        %add3A_433 = arith.addi %add3A_425, %add3A_432 : i32
        %swap3A_434 = arith.index_cast %add3A_433 : i32 to index
        %swap3A_435 = tpu.vector_load %arg15[%swap3A_434] {strides = array<i32>} : memref<4096xi32, #tpu.memory_space<vmem>>, vector<16xi32>,
        tpu.vector_store %arg15[%swap3A_434], %add3A_431 {strides = array<i32>} : memref<4096xi32, #tpu.memory_space<vmem>>, vector<16xi32>,
        %mul3A_436 = arith.mulf %sub3A_415, %sub3A_418 : vector<16xf32>
        %mul3A_437 = arith.mulf %mul3A_436, %sub3A_421 : vector<16xf32>
        %add3A_438 = arith.constant 0 : i32
        %add3A_439 = arith.addi %add3A_425, %add3A_438 : i32
        %swap3A_440 = arith.index_cast %add3A_439 : i32 to index
        %swap3A_441 = tpu.vector_load %arg16[%swap3A_440] {strides = array<i32>} : memref<4096xf32, #tpu.memory_space<vmem>>, vector<16xf32>,
        tpu.vector_store %arg16[%swap3A_440], %mul3A_437 {strides = array<i32>} : memref<4096xf32, #tpu.memory_space<vmem>>, vector<16xf32>,
        %xor3A_442 = arith.xori %mul3A_407, %mul3A_409 : vector<16xi32>
        %xor3A_443 = arith.xori %xor3A_442, %add3A_412 : vector<16xi32>
        %and3A_444 = arith.constant 524287 : i32
        %and3A_445 = vector.broadcast %and3A_444 : i32 to vector<16xi32>
        %and3A_446 = arith.andi %xor3A_443, %and3A_445 : vector<16xi32>
        %add3A_447 = arith.addi %and3A_446, %get3A_371 : vector<16xi32>
        %add3A_448 = arith.constant 16 : i32
        %add3A_449 = arith.addi %add3A_425, %add3A_448 : i32
        %swap3A_450 = arith.index_cast %add3A_449 : i32 to index
        %swap3A_451 = tpu.vector_load %arg15[%swap3A_450] {strides = array<i32>} : memref<4096xi32, #tpu.memory_space<vmem>>, vector<16xi32>,
        tpu.vector_store %arg15[%swap3A_450], %add3A_447 {strides = array<i32>} : memref<4096xi32, #tpu.memory_space<vmem>>, vector<16xi32>,
        %mul3A_452 = arith.mulf %sub3A_415, %sub3A_418 : vector<16xf32>
        %mul3A_453 = arith.mulf %mul3A_452, %sub3A_406 : vector<16xf32>
        %add3A_454 = arith.constant 16 : i32
        %add3A_455 = arith.addi %add3A_425, %add3A_454 : i32
        %swap3A_456 = arith.index_cast %add3A_455 : i32 to index
        %swap3A_457 = tpu.vector_load %arg16[%swap3A_456] {strides = array<i32>} : memref<4096xf32, #tpu.memory_space<vmem>>, vector<16xf32>,
        tpu.vector_store %arg16[%swap3A_456], %mul3A_453 {strides = array<i32>} : memref<4096xf32, #tpu.memory_space<vmem>>, vector<16xf32>,
        %xor3A_458 = arith.xori %mul3A_407, %add3A_410 : vector<16xi32>
        %xor3A_459 = arith.xori %xor3A_458, %mul3A_411 : vector<16xi32>
        %and3A_460 = arith.constant 524287 : i32
        %and3A_461 = vector.broadcast %and3A_460 : i32 to vector<16xi32>
        %and3A_462 = arith.andi %xor3A_459, %and3A_461 : vector<16xi32>
        %add3A_463 = arith.addi %and3A_462, %get3A_371 : vector<16xi32>
        %add3A_464 = arith.constant 32 : i32
        %add3A_465 = arith.addi %add3A_425, %add3A_464 : i32
        %swap3A_466 = arith.index_cast %add3A_465 : i32 to index
        %swap3A_467 = tpu.vector_load %arg15[%swap3A_466] {strides = array<i32>} : memref<4096xi32, #tpu.memory_space<vmem>>, vector<16xi32>,
        tpu.vector_store %arg15[%swap3A_466], %add3A_463 {strides = array<i32>} : memref<4096xi32, #tpu.memory_space<vmem>>, vector<16xi32>,
        %mul3A_468 = arith.mulf %sub3A_415, %sub3A_404 : vector<16xf32>
        %mul3A_469 = arith.mulf %mul3A_468, %sub3A_421 : vector<16xf32>
        %add3A_470 = arith.constant 32 : i32
        %add3A_471 = arith.addi %add3A_425, %add3A_470 : i32
        %swap3A_472 = arith.index_cast %add3A_471 : i32 to index
        %swap3A_473 = tpu.vector_load %arg16[%swap3A_472] {strides = array<i32>} : memref<4096xf32, #tpu.memory_space<vmem>>, vector<16xf32>,
        tpu.vector_store %arg16[%swap3A_472], %mul3A_469 {strides = array<i32>} : memref<4096xf32, #tpu.memory_space<vmem>>, vector<16xf32>,
        %xor3A_474 = arith.xori %mul3A_407, %add3A_410 : vector<16xi32>
        %xor3A_475 = arith.xori %xor3A_474, %add3A_412 : vector<16xi32>
        %and3A_476 = arith.constant 524287 : i32
        %and3A_477 = vector.broadcast %and3A_476 : i32 to vector<16xi32>
        %and3A_478 = arith.andi %xor3A_475, %and3A_477 : vector<16xi32>
        %add3A_479 = arith.addi %and3A_478, %get3A_371 : vector<16xi32>
        %add3A_480 = arith.constant 48 : i32
        %add3A_481 = arith.addi %add3A_425, %add3A_480 : i32
        %swap3A_482 = arith.index_cast %add3A_481 : i32 to index
        %swap3A_483 = tpu.vector_load %arg15[%swap3A_482] {strides = array<i32>} : memref<4096xi32, #tpu.memory_space<vmem>>, vector<16xi32>,
        tpu.vector_store %arg15[%swap3A_482], %add3A_479 {strides = array<i32>} : memref<4096xi32, #tpu.memory_space<vmem>>, vector<16xi32>,
        %mul3A_484 = arith.mulf %sub3A_415, %sub3A_404 : vector<16xf32>
        %mul3A_485 = arith.mulf %mul3A_484, %sub3A_406 : vector<16xf32>
        %add3A_486 = arith.constant 48 : i32
        %add3A_487 = arith.addi %add3A_425, %add3A_486 : i32
        %swap3A_488 = arith.index_cast %add3A_487 : i32 to index
        %swap3A_489 = tpu.vector_load %arg16[%swap3A_488] {strides = array<i32>} : memref<4096xf32, #tpu.memory_space<vmem>>, vector<16xf32>,
        tpu.vector_store %arg16[%swap3A_488], %mul3A_485 {strides = array<i32>} : memref<4096xf32, #tpu.memory_space<vmem>>, vector<16xf32>,
        %xor3A_490 = arith.xori %add3A_408, %mul3A_409 : vector<16xi32>
        %xor3A_491 = arith.xori %xor3A_490, %mul3A_411 : vector<16xi32>
        %and3A_492 = arith.constant 524287 : i32
        %and3A_493 = vector.broadcast %and3A_492 : i32 to vector<16xi32>
        %and3A_494 = arith.andi %xor3A_491, %and3A_493 : vector<16xi32>
        %add3A_495 = arith.addi %and3A_494, %get3A_371 : vector<16xi32>
        %add3A_496 = arith.constant 64 : i32
        %add3A_497 = arith.addi %add3A_425, %add3A_496 : i32
        %swap3A_498 = arith.index_cast %add3A_497 : i32 to index
        %swap3A_499 = tpu.vector_load %arg15[%swap3A_498] {strides = array<i32>} : memref<4096xi32, #tpu.memory_space<vmem>>, vector<16xi32>,
        tpu.vector_store %arg15[%swap3A_498], %add3A_495 {strides = array<i32>} : memref<4096xi32, #tpu.memory_space<vmem>>, vector<16xi32>,
        %mul3A_500 = arith.mulf %sub3A_402, %sub3A_418 : vector<16xf32>
        %mul3A_501 = arith.mulf %mul3A_500, %sub3A_421 : vector<16xf32>
        %add3A_502 = arith.constant 64 : i32
        %add3A_503 = arith.addi %add3A_425, %add3A_502 : i32
        %swap3A_504 = arith.index_cast %add3A_503 : i32 to index
        %swap3A_505 = tpu.vector_load %arg16[%swap3A_504] {strides = array<i32>} : memref<4096xf32, #tpu.memory_space<vmem>>, vector<16xf32>,
        tpu.vector_store %arg16[%swap3A_504], %mul3A_501 {strides = array<i32>} : memref<4096xf32, #tpu.memory_space<vmem>>, vector<16xf32>,
        %xor3A_506 = arith.xori %add3A_408, %mul3A_409 : vector<16xi32>
        %xor3A_507 = arith.xori %xor3A_506, %add3A_412 : vector<16xi32>
        %and3A_508 = arith.constant 524287 : i32
        %and3A_509 = vector.broadcast %and3A_508 : i32 to vector<16xi32>
        %and3A_510 = arith.andi %xor3A_507, %and3A_509 : vector<16xi32>
        %add3A_511 = arith.addi %and3A_510, %get3A_371 : vector<16xi32>
        %add3A_512 = arith.constant 80 : i32
        %add3A_513 = arith.addi %add3A_425, %add3A_512 : i32
        %swap3A_514 = arith.index_cast %add3A_513 : i32 to index
        %swap3A_515 = tpu.vector_load %arg15[%swap3A_514] {strides = array<i32>} : memref<4096xi32, #tpu.memory_space<vmem>>, vector<16xi32>,
        tpu.vector_store %arg15[%swap3A_514], %add3A_511 {strides = array<i32>} : memref<4096xi32, #tpu.memory_space<vmem>>, vector<16xi32>,
        %mul3A_516 = arith.mulf %sub3A_402, %sub3A_418 : vector<16xf32>
        %mul3A_517 = arith.mulf %mul3A_516, %sub3A_406 : vector<16xf32>
        %add3A_518 = arith.constant 80 : i32
        %add3A_519 = arith.addi %add3A_425, %add3A_518 : i32
        %swap3A_520 = arith.index_cast %add3A_519 : i32 to index
        %swap3A_521 = tpu.vector_load %arg16[%swap3A_520] {strides = array<i32>} : memref<4096xf32, #tpu.memory_space<vmem>>, vector<16xf32>,
        tpu.vector_store %arg16[%swap3A_520], %mul3A_517 {strides = array<i32>} : memref<4096xf32, #tpu.memory_space<vmem>>, vector<16xf32>,
        %xor3A_522 = arith.xori %add3A_408, %add3A_410 : vector<16xi32>
        %xor3A_523 = arith.xori %xor3A_522, %mul3A_411 : vector<16xi32>
        %and3A_524 = arith.constant 524287 : i32
        %and3A_525 = vector.broadcast %and3A_524 : i32 to vector<16xi32>
        %and3A_526 = arith.andi %xor3A_523, %and3A_525 : vector<16xi32>
        %add3A_527 = arith.addi %and3A_526, %get3A_371 : vector<16xi32>
        %add3A_528 = arith.constant 96 : i32
        %add3A_529 = arith.addi %add3A_425, %add3A_528 : i32
        %swap3A_530 = arith.index_cast %add3A_529 : i32 to index
        %swap3A_531 = tpu.vector_load %arg15[%swap3A_530] {strides = array<i32>} : memref<4096xi32, #tpu.memory_space<vmem>>, vector<16xi32>,
        tpu.vector_store %arg15[%swap3A_530], %add3A_527 {strides = array<i32>} : memref<4096xi32, #tpu.memory_space<vmem>>, vector<16xi32>,
        %mul3A_532 = arith.mulf %sub3A_402, %sub3A_404 : vector<16xf32>
        %mul3A_533 = arith.mulf %mul3A_532, %sub3A_421 : vector<16xf32>
        %add3A_534 = arith.constant 96 : i32
        %add3A_535 = arith.addi %add3A_425, %add3A_534 : i32
        %swap3A_536 = arith.index_cast %add3A_535 : i32 to index
        %swap3A_537 = tpu.vector_load %arg16[%swap3A_536] {strides = array<i32>} : memref<4096xf32, #tpu.memory_space<vmem>>, vector<16xf32>,
        tpu.vector_store %arg16[%swap3A_536], %mul3A_533 {strides = array<i32>} : memref<4096xf32, #tpu.memory_space<vmem>>, vector<16xf32>,
        %xor3A_538 = arith.xori %add3A_408, %add3A_410 : vector<16xi32>
        %xor3A_539 = arith.xori %xor3A_538, %add3A_412 : vector<16xi32>
        %and3A_540 = arith.constant 524287 : i32
        %and3A_541 = vector.broadcast %and3A_540 : i32 to vector<16xi32>
        %and3A_542 = arith.andi %xor3A_539, %and3A_541 : vector<16xi32>
        %add3A_543 = arith.addi %and3A_542, %get3A_371 : vector<16xi32>
        %add3A_544 = arith.constant 112 : i32
        %add3A_545 = arith.addi %add3A_425, %add3A_544 : i32
        %swap3A_546 = arith.index_cast %add3A_545 : i32 to index
        %swap3A_547 = tpu.vector_load %arg15[%swap3A_546] {strides = array<i32>} : memref<4096xi32, #tpu.memory_space<vmem>>, vector<16xi32>,
        tpu.vector_store %arg15[%swap3A_546], %add3A_543 {strides = array<i32>} : memref<4096xi32, #tpu.memory_space<vmem>>, vector<16xi32>,
        %mul3A_548 = arith.mulf %sub3A_402, %sub3A_404 : vector<16xf32>
        %mul3A_549 = arith.mulf %mul3A_548, %sub3A_406 : vector<16xf32>
        %add3A_550 = arith.constant 112 : i32
        %add3A_551 = arith.addi %add3A_425, %add3A_550 : i32
        %swap3A_552 = arith.index_cast %add3A_551 : i32 to index
        %swap3A_553 = tpu.vector_load %arg16[%swap3A_552] {strides = array<i32>} : memref<4096xf32, #tpu.memory_space<vmem>>, vector<16xf32>,
        tpu.vector_store %arg16[%swap3A_552], %mul3A_549 {strides = array<i32>} : memref<4096xf32, #tpu.memory_space<vmem>>, vector<16xf32>,
        %dma_start3A_554 = tpu.memref_slice %arg17[%add3A_425] : memref<4096xf32, #tpu.memory_space<vmem>> -> memref<128xf32, #tpu.memory_space<vmem>>
        %dma_start3A_555 = tpu.memref_slice %arg15[%add3A_425] : memref<4096xi32, #tpu.memory_space<vmem>> -> memref<128xi32, #tpu.memory_space<vmem>>
        %dma_start3A_556 = arith.constant 0 : i32
        %dma_start3A_557 = tpu.memref_slice %arg4[%dma_start3A_556] : memref<8388608xf32, #tpu.memory_space<hbm>> -> memref<8388608xf32, #tpu.memory_space<hbm>>
        tpu.enqueue_indirect_dma source(%dma_start3A_557 : memref<8388608xf32, #tpu.memory_space<hbm>>) target(%dma_start3A_554 : memref<128xf32, #tpu.memory_space<vmem>>) offsets(%dma_start3A_555 : memref<128xi32, #tpu.memory_space<vmem>>) semaphore(%arg21 : memref<!tpu.dma_semaphore, #tpu.memory_space<semaphore_mem>>)
        %dma_start3A_558 = tpu.memref_slice %arg18[%add3A_425] : memref<4096xf32, #tpu.memory_space<vmem>> -> memref<128xf32, #tpu.memory_space<vmem>>
        %dma_start3A_559 = tpu.memref_slice %arg15[%add3A_425] : memref<4096xi32, #tpu.memory_space<vmem>> -> memref<128xi32, #tpu.memory_space<vmem>>
        %dma_start3A_560 = arith.constant 0 : i32
        %dma_start3A_561 = tpu.memref_slice %arg5[%dma_start3A_560] : memref<8388608xf32, #tpu.memory_space<hbm>> -> memref<8388608xf32, #tpu.memory_space<hbm>>
        tpu.enqueue_indirect_dma source(%dma_start3A_561 : memref<8388608xf32, #tpu.memory_space<hbm>>) target(%dma_start3A_558 : memref<128xf32, #tpu.memory_space<vmem>>) offsets(%dma_start3A_559 : memref<128xi32, #tpu.memory_space<vmem>>) semaphore(%arg21 : memref<!tpu.dma_semaphore, #tpu.memory_space<semaphore_mem>>)
      }
      %scan3A_112 = arith.constant 16 : i32
      %scan3A_113 = arith.constant 0 : i32
      %scan3A_114 = arith.constant 0 : i32
      %scan3A_115 = arith.constant 16 : i32
      %scan3A_116 = arith.addi %scan3A_114, %scan3A_115 : i32
      %scan3A_117 = arith.constant 1 : i32
      scf.for %scan3A_150 = %scan3A_114 to %scan3A_116 step %scan3A_117  : i32 {
        %mul3A_151 = arith.constant 128 : i32
        %mul3A_152 = arith.muli %scan3A_150, %mul3A_151 : i32
        %add3A_153 = arith.constant 0 : i32
        %add3A_154 = arith.addi %add3A_153, %mul3A_152 : i32
        %dma_wait3A_155 = tpu.memref_slice %arg17[%add3A_154] : memref<4096xf32, #tpu.memory_space<vmem>> -> memref<128xf32, #tpu.memory_space<vmem>>
        %dma_wait3A_156 = tpu.memref_slice %arg15[%add3A_154] : memref<4096xi32, #tpu.memory_space<vmem>> -> memref<128xi32, #tpu.memory_space<vmem>>
        %dma_wait3A_157 = arith.constant 0 : i32
        %dma_wait3A_158 = tpu.memref_slice %arg4[%dma_wait3A_157] : memref<8388608xf32, #tpu.memory_space<hbm>> -> memref<8388608xf32, #tpu.memory_space<hbm>>
        tpu.wait_indirect_dma semaphore(%arg20 : memref<!tpu.dma_semaphore, #tpu.memory_space<semaphore_mem>>) src(%dma_wait3A_158 : memref<8388608xf32, #tpu.memory_space<hbm>>) dst(%dma_wait3A_155 : memref<128xf32, #tpu.memory_space<vmem>>)
        %dma_wait3A_159 = tpu.memref_slice %arg18[%add3A_154] : memref<4096xf32, #tpu.memory_space<vmem>> -> memref<128xf32, #tpu.memory_space<vmem>>
        %dma_wait3A_160 = tpu.memref_slice %arg15[%add3A_154] : memref<4096xi32, #tpu.memory_space<vmem>> -> memref<128xi32, #tpu.memory_space<vmem>>
        %dma_wait3A_161 = arith.constant 0 : i32
        %dma_wait3A_162 = tpu.memref_slice %arg5[%dma_wait3A_161] : memref<8388608xf32, #tpu.memory_space<hbm>> -> memref<8388608xf32, #tpu.memory_space<hbm>>
        tpu.wait_indirect_dma semaphore(%arg20 : memref<!tpu.dma_semaphore, #tpu.memory_space<semaphore_mem>>) src(%dma_wait3A_162 : memref<8388608xf32, #tpu.memory_space<hbm>>) dst(%dma_wait3A_159 : memref<128xf32, #tpu.memory_space<vmem>>)
      }
      %scan3A_118 = arith.constant 16 : i32
      %gt3A_119 = arith.constant 0 : i32
      %gt3A_120 = arith.cmpi sgt, %mul3A_58, %gt3A_119 : i32
      %convert_element_type3A_121 = arith.extui %gt3A_120 : i1 to i32
      %cond3A_122 = arith.constant 0 : i32
      %cond3A_123 = arith.cmpi ne, %convert_element_type3A_121, %cond3A_122 : i32
      scf.if %cond3A_123 {
        %sub3A = arith.constant 1 : i32
        %sub3A_150 = arith.subi %mul3A_58, %sub3A : i32
        %jit3A_151 = arith.constant 2 : i32
        %eq3A_152 = arith.constant 0 : i32
        %eq3A_153 = arith.cmpi eq, %jit3A_151, %eq3A_152 : i32
        %jit3A_154 = arith.constant 1 : i32
        %select_n3A_155 = arith.select %eq3A_153, %jit3A_154, %jit3A_151 : i32
        %rem3A_156 = arith.remsi %sub3A_150, %select_n3A_155 : i32
        %ne3A_157 = arith.constant 0 : i32
        %ne3A_158 = arith.cmpi ne, %rem3A_156, %ne3A_157 : i32
        %lt3A_159 = arith.constant 0 : i32
        %lt3A_160 = arith.cmpi slt, %rem3A_156, %lt3A_159 : i32
        %lt3A_161 = arith.constant 0 : i32
        %lt3A_162 = arith.cmpi slt, %select_n3A_155, %lt3A_161 : i32
        %ne3A_163 = arith.xori %lt3A_160, %lt3A_162 : i1
        %and3A_164 = arith.andi %ne3A_163, %ne3A_158 : i1
        %add3A_165 = arith.addi %rem3A_156, %select_n3A_155 : i32
        %select_n3A_166 = arith.select %and3A_164, %add3A_165, %rem3A_156 : i32
        %mul3A_167 = arith.constant 512 : i32
        %mul3A_168 = arith.muli %select_n3A_166, %mul3A_167 : i32
        %mul3A_169 = arith.constant 16 : i32
        %mul3A_170 = arith.muli %sub3A_150, %mul3A_169 : i32
        %add3A_171 = arith.addi %mul3A_2, %mul3A_170 : i32
        %mul3A_172 = arith.constant 32 : i32
        %mul3A_173 = arith.muli %add3A_171, %mul3A_172 : i32
        %dma_wait3A_174 = tpu.memref_slice %arg19[%mul3A_168] : memref<1024xf32, #tpu.memory_space<vmem>> -> memref<512xf32, #tpu.memory_space<vmem>>
        %dma_wait3A_175 = tpu.memref_slice %arg9[%mul3A_173] : memref<4194304xf32, #tpu.memory_space<hbm>> -> memref<512xf32, #tpu.memory_space<hbm>>
        %dma_wait3A_176 = tpu.memref_slice %arg9[%mul3A_173] : memref<4194304xf32, #tpu.memory_space<hbm>> -> memref<512xf32, #tpu.memory_space<hbm>>
        %dma_wait3A_177 = tpu.memref_slice %arg19[%mul3A_168] : memref<1024xf32, #tpu.memory_space<vmem>> -> memref<512xf32, #tpu.memory_space<vmem>>
        tpu.wait_dma2 semaphore(%arg22 : memref<!tpu.dma_semaphore, #tpu.memory_space<semaphore_mem>>) src(%dma_wait3A_177 : memref<512xf32, #tpu.memory_space<vmem>>) dst(%dma_wait3A_176 : memref<512xf32, #tpu.memory_space<hbm>>)
      } else {
      }
      %jit3A = arith.constant 2 : i32
      %eq3A = arith.constant 0 : i32
      %eq3A_124 = arith.cmpi eq, %jit3A, %eq3A : i32
      %jit3A_125 = arith.constant 1 : i32
      %select_n3A = arith.select %eq3A_124, %jit3A_125, %jit3A : i32
      %rem3A = arith.remsi %mul3A_58, %select_n3A : i32
      %ne3A = arith.constant 0 : i32
      %ne3A_126 = arith.cmpi ne, %rem3A, %ne3A : i32
      %lt3A = arith.constant 0 : i32
      %lt3A_127 = arith.cmpi slt, %rem3A, %lt3A : i32
      %lt3A_128 = arith.constant 0 : i32
      %lt3A_129 = arith.cmpi slt, %select_n3A, %lt3A_128 : i32
      %ne3A_130 = arith.xori %lt3A_127, %lt3A_129 : i1
      %and3A = arith.andi %ne3A_130, %ne3A_126 : i1
      %add3A_131 = arith.addi %rem3A, %select_n3A : i32
      %select_n3A_132 = arith.select %and3A, %add3A_131, %rem3A : i32
      %mul3A_133 = arith.constant 512 : i32
      %mul3A_134 = arith.muli %select_n3A_132, %mul3A_133 : i32
      %scan3A_135 = arith.constant 0 : i32
      %scan3A_136 = arith.constant 0 : i32
      %scan3A_137 = arith.constant 16 : i32
      %scan3A_138 = arith.addi %scan3A_136, %scan3A_137 : i32
      %scan3A_139 = arith.constant 2 : i32
      scf.for %scan3A_150 = %scan3A_136 to %scan3A_138 step %scan3A_139  : i32 {
        %mul3A_151 = arith.constant 96 : i32
        %mul3A_152 = arith.muli %scan3A_150, %mul3A_151 : i32
        %add3A_153 = arith.constant 80 : i32
        %add3A_154 = arith.addi %mul3A_152, %add3A_153 : i32
        %get3A_155 = arith.index_cast %add3A_154 : i32 to index
        %get3A_156 = tpu.vector_load %arg14[%get3A_155] {strides = array<i32>} : memref<1536xi32, #tpu.memory_space<vmem>>, vector<16xi32>,
        %mul3A_157 = arith.constant 128 : i32
        %mul3A_158 = arith.muli %scan3A_150, %mul3A_157 : i32
        %add3A_159 = arith.constant 0 : i32
        %add3A_160 = arith.addi %add3A_159, %mul3A_158 : i32
        %broadcast_in_dim3A = arith.constant 0.000000e+00 : f32
        %broadcast_in_dim3A_161 = vector.broadcast %broadcast_in_dim3A : f32 to vector<16xf32>
        %broadcast_in_dim3A_162 = arith.constant 0.000000e+00 : f32
        %broadcast_in_dim3A_163 = vector.broadcast %broadcast_in_dim3A_162 : f32 to vector<16xf32>
        %add3A_164 = arith.constant 0 : i32
        %add3A_165 = arith.addi %add3A_160, %add3A_164 : i32
        %get3A_166 = arith.index_cast %add3A_165 : i32 to index
        %get3A_167 = tpu.vector_load %arg16[%get3A_166] {strides = array<i32>} : memref<4096xf32, #tpu.memory_space<vmem>>, vector<16xf32>,
        %get3A_168 = arith.index_cast %add3A_165 : i32 to index
        %get3A_169 = tpu.vector_load %arg17[%get3A_168] {strides = array<i32>} : memref<4096xf32, #tpu.memory_space<vmem>>, vector<16xf32>,
        %mul3A_170 = arith.mulf %get3A_167, %get3A_169 : vector<16xf32>
        %add3A_171 = arith.addf %broadcast_in_dim3A_161, %mul3A_170 : vector<16xf32>
        %get3A_172 = arith.index_cast %add3A_165 : i32 to index
        %get3A_173 = tpu.vector_load %arg18[%get3A_172] {strides = array<i32>} : memref<4096xf32, #tpu.memory_space<vmem>>, vector<16xf32>,
        %mul3A_174 = arith.mulf %get3A_167, %get3A_173 : vector<16xf32>
        %add3A_175 = arith.addf %broadcast_in_dim3A_163, %mul3A_174 : vector<16xf32>
        %add3A_176 = arith.constant 16 : i32
        %add3A_177 = arith.addi %add3A_160, %add3A_176 : i32
        %get3A_178 = arith.index_cast %add3A_177 : i32 to index
        %get3A_179 = tpu.vector_load %arg16[%get3A_178] {strides = array<i32>} : memref<4096xf32, #tpu.memory_space<vmem>>, vector<16xf32>,
        %get3A_180 = arith.index_cast %add3A_177 : i32 to index
        %get3A_181 = tpu.vector_load %arg17[%get3A_180] {strides = array<i32>} : memref<4096xf32, #tpu.memory_space<vmem>>, vector<16xf32>,
        %mul3A_182 = arith.mulf %get3A_179, %get3A_181 : vector<16xf32>
        %add3A_183 = arith.addf %add3A_171, %mul3A_182 : vector<16xf32>
        %get3A_184 = arith.index_cast %add3A_177 : i32 to index
        %get3A_185 = tpu.vector_load %arg18[%get3A_184] {strides = array<i32>} : memref<4096xf32, #tpu.memory_space<vmem>>, vector<16xf32>,
        %mul3A_186 = arith.mulf %get3A_179, %get3A_185 : vector<16xf32>
        %add3A_187 = arith.addf %add3A_175, %mul3A_186 : vector<16xf32>
        %add3A_188 = arith.constant 32 : i32
        %add3A_189 = arith.addi %add3A_160, %add3A_188 : i32
        %get3A_190 = arith.index_cast %add3A_189 : i32 to index
        %get3A_191 = tpu.vector_load %arg16[%get3A_190] {strides = array<i32>} : memref<4096xf32, #tpu.memory_space<vmem>>, vector<16xf32>,
        %get3A_192 = arith.index_cast %add3A_189 : i32 to index
        %get3A_193 = tpu.vector_load %arg17[%get3A_192] {strides = array<i32>} : memref<4096xf32, #tpu.memory_space<vmem>>, vector<16xf32>,
        %mul3A_194 = arith.mulf %get3A_191, %get3A_193 : vector<16xf32>
        %add3A_195 = arith.addf %add3A_183, %mul3A_194 : vector<16xf32>
        %get3A_196 = arith.index_cast %add3A_189 : i32 to index
        %get3A_197 = tpu.vector_load %arg18[%get3A_196] {strides = array<i32>} : memref<4096xf32, #tpu.memory_space<vmem>>, vector<16xf32>,
        %mul3A_198 = arith.mulf %get3A_191, %get3A_197 : vector<16xf32>
        %add3A_199 = arith.addf %add3A_187, %mul3A_198 : vector<16xf32>
        %add3A_200 = arith.constant 48 : i32
        %add3A_201 = arith.addi %add3A_160, %add3A_200 : i32
        %get3A_202 = arith.index_cast %add3A_201 : i32 to index
        %get3A_203 = tpu.vector_load %arg16[%get3A_202] {strides = array<i32>} : memref<4096xf32, #tpu.memory_space<vmem>>, vector<16xf32>,
        %get3A_204 = arith.index_cast %add3A_201 : i32 to index
        %get3A_205 = tpu.vector_load %arg17[%get3A_204] {strides = array<i32>} : memref<4096xf32, #tpu.memory_space<vmem>>, vector<16xf32>,
        %mul3A_206 = arith.mulf %get3A_203, %get3A_205 : vector<16xf32>
        %add3A_207 = arith.addf %add3A_195, %mul3A_206 : vector<16xf32>
        %get3A_208 = arith.index_cast %add3A_201 : i32 to index
        %get3A_209 = tpu.vector_load %arg18[%get3A_208] {strides = array<i32>} : memref<4096xf32, #tpu.memory_space<vmem>>, vector<16xf32>,
        %mul3A_210 = arith.mulf %get3A_203, %get3A_209 : vector<16xf32>
        %add3A_211 = arith.addf %add3A_199, %mul3A_210 : vector<16xf32>
        %add3A_212 = arith.constant 64 : i32
        %add3A_213 = arith.addi %add3A_160, %add3A_212 : i32
        %get3A_214 = arith.index_cast %add3A_213 : i32 to index
        %get3A_215 = tpu.vector_load %arg16[%get3A_214] {strides = array<i32>} : memref<4096xf32, #tpu.memory_space<vmem>>, vector<16xf32>,
        %get3A_216 = arith.index_cast %add3A_213 : i32 to index
        %get3A_217 = tpu.vector_load %arg17[%get3A_216] {strides = array<i32>} : memref<4096xf32, #tpu.memory_space<vmem>>, vector<16xf32>,
        %mul3A_218 = arith.mulf %get3A_215, %get3A_217 : vector<16xf32>
        %add3A_219 = arith.addf %add3A_207, %mul3A_218 : vector<16xf32>
        %get3A_220 = arith.index_cast %add3A_213 : i32 to index
        %get3A_221 = tpu.vector_load %arg18[%get3A_220] {strides = array<i32>} : memref<4096xf32, #tpu.memory_space<vmem>>, vector<16xf32>,
        %mul3A_222 = arith.mulf %get3A_215, %get3A_221 : vector<16xf32>
        %add3A_223 = arith.addf %add3A_211, %mul3A_222 : vector<16xf32>
        %add3A_224 = arith.constant 80 : i32
        %add3A_225 = arith.addi %add3A_160, %add3A_224 : i32
        %get3A_226 = arith.index_cast %add3A_225 : i32 to index
        %get3A_227 = tpu.vector_load %arg16[%get3A_226] {strides = array<i32>} : memref<4096xf32, #tpu.memory_space<vmem>>, vector<16xf32>,
        %get3A_228 = arith.index_cast %add3A_225 : i32 to index
        %get3A_229 = tpu.vector_load %arg17[%get3A_228] {strides = array<i32>} : memref<4096xf32, #tpu.memory_space<vmem>>, vector<16xf32>,
        %mul3A_230 = arith.mulf %get3A_227, %get3A_229 : vector<16xf32>
        %add3A_231 = arith.addf %add3A_219, %mul3A_230 : vector<16xf32>
        %get3A_232 = arith.index_cast %add3A_225 : i32 to index
        %get3A_233 = tpu.vector_load %arg18[%get3A_232] {strides = array<i32>} : memref<4096xf32, #tpu.memory_space<vmem>>, vector<16xf32>,
        %mul3A_234 = arith.mulf %get3A_227, %get3A_233 : vector<16xf32>
        %add3A_235 = arith.addf %add3A_223, %mul3A_234 : vector<16xf32>
        %add3A_236 = arith.constant 96 : i32
        %add3A_237 = arith.addi %add3A_160, %add3A_236 : i32
        %get3A_238 = arith.index_cast %add3A_237 : i32 to index
        %get3A_239 = tpu.vector_load %arg16[%get3A_238] {strides = array<i32>} : memref<4096xf32, #tpu.memory_space<vmem>>, vector<16xf32>,
        %get3A_240 = arith.index_cast %add3A_237 : i32 to index
        %get3A_241 = tpu.vector_load %arg17[%get3A_240] {strides = array<i32>} : memref<4096xf32, #tpu.memory_space<vmem>>, vector<16xf32>,
        %mul3A_242 = arith.mulf %get3A_239, %get3A_241 : vector<16xf32>
        %add3A_243 = arith.addf %add3A_231, %mul3A_242 : vector<16xf32>
        %get3A_244 = arith.index_cast %add3A_237 : i32 to index
        %get3A_245 = tpu.vector_load %arg18[%get3A_244] {strides = array<i32>} : memref<4096xf32, #tpu.memory_space<vmem>>, vector<16xf32>,
        %mul3A_246 = arith.mulf %get3A_239, %get3A_245 : vector<16xf32>
        %add3A_247 = arith.addf %add3A_235, %mul3A_246 : vector<16xf32>
        %add3A_248 = arith.constant 112 : i32
        %add3A_249 = arith.addi %add3A_160, %add3A_248 : i32
        %get3A_250 = arith.index_cast %add3A_249 : i32 to index
        %get3A_251 = tpu.vector_load %arg16[%get3A_250] {strides = array<i32>} : memref<4096xf32, #tpu.memory_space<vmem>>, vector<16xf32>,
        %get3A_252 = arith.index_cast %add3A_249 : i32 to index
        %get3A_253 = tpu.vector_load %arg17[%get3A_252] {strides = array<i32>} : memref<4096xf32, #tpu.memory_space<vmem>>, vector<16xf32>,
        %mul3A_254 = arith.mulf %get3A_251, %get3A_253 : vector<16xf32>
        %add3A_255 = arith.addf %add3A_243, %mul3A_254 : vector<16xf32>
        %get3A_256 = arith.index_cast %add3A_249 : i32 to index
        %get3A_257 = tpu.vector_load %arg18[%get3A_256] {strides = array<i32>} : memref<4096xf32, #tpu.memory_space<vmem>>, vector<16xf32>,
        %mul3A_258 = arith.mulf %get3A_251, %get3A_257 : vector<16xf32>
        %add3A_259 = arith.addf %add3A_247, %mul3A_258 : vector<16xf32>
        %add3A_260 = arith.addi %mul3A_10, %get3A_156 : vector<16xi32>
        %add3A_261 = vector.broadcast %mul3A_134 : i32 to vector<16xi32>
        %add3A_262 = arith.addi %add3A_261, %add3A_260 : vector<16xi32>
        tpu.vector_store_idx %arg19[%add3A_262], %add3A_255 : memref<1024xf32, #tpu.memory_space<vmem>>[vector<16xi32>], vector<16xf32>,
        %add3A_263 = arith.constant 1 : i32
        %add3A_264 = vector.broadcast %add3A_263 : i32 to vector<16xi32>
        %add3A_265 = arith.addi %get3A_156, %add3A_264 : vector<16xi32>
        %add3A_266 = arith.addi %mul3A_10, %add3A_265 : vector<16xi32>
        %add3A_267 = vector.broadcast %mul3A_134 : i32 to vector<16xi32>
        %add3A_268 = arith.addi %add3A_267, %add3A_266 : vector<16xi32>
        tpu.vector_store_idx %arg19[%add3A_268], %add3A_259 : memref<1024xf32, #tpu.memory_space<vmem>>[vector<16xi32>], vector<16xf32>,
        %scan3A_269 = arith.constant 1 : i32
        %scan3A_270 = arith.addi %scan3A_150, %scan3A_269 : i32
        %mul3A_271 = arith.constant 96 : i32
        %mul3A_272 = arith.muli %scan3A_270, %mul3A_271 : i32
        %add3A_273 = arith.constant 80 : i32
        %add3A_274 = arith.addi %mul3A_272, %add3A_273 : i32
        %get3A_275 = arith.index_cast %add3A_274 : i32 to index
        %get3A_276 = tpu.vector_load %arg14[%get3A_275] {strides = array<i32>} : memref<1536xi32, #tpu.memory_space<vmem>>, vector<16xi32>,
        %mul3A_277 = arith.constant 128 : i32
        %mul3A_278 = arith.muli %scan3A_270, %mul3A_277 : i32
        %add3A_279 = arith.constant 0 : i32
        %add3A_280 = arith.addi %add3A_279, %mul3A_278 : i32
        %broadcast_in_dim3A_281 = arith.constant 0.000000e+00 : f32
        %broadcast_in_dim3A_282 = vector.broadcast %broadcast_in_dim3A_281 : f32 to vector<16xf32>
        %broadcast_in_dim3A_283 = arith.constant 0.000000e+00 : f32
        %broadcast_in_dim3A_284 = vector.broadcast %broadcast_in_dim3A_283 : f32 to vector<16xf32>
        %add3A_285 = arith.constant 0 : i32
        %add3A_286 = arith.addi %add3A_280, %add3A_285 : i32
        %get3A_287 = arith.index_cast %add3A_286 : i32 to index
        %get3A_288 = tpu.vector_load %arg16[%get3A_287] {strides = array<i32>} : memref<4096xf32, #tpu.memory_space<vmem>>, vector<16xf32>,
        %get3A_289 = arith.index_cast %add3A_286 : i32 to index
        %get3A_290 = tpu.vector_load %arg17[%get3A_289] {strides = array<i32>} : memref<4096xf32, #tpu.memory_space<vmem>>, vector<16xf32>,
        %mul3A_291 = arith.mulf %get3A_288, %get3A_290 : vector<16xf32>
        %add3A_292 = arith.addf %broadcast_in_dim3A_282, %mul3A_291 : vector<16xf32>
        %get3A_293 = arith.index_cast %add3A_286 : i32 to index
        %get3A_294 = tpu.vector_load %arg18[%get3A_293] {strides = array<i32>} : memref<4096xf32, #tpu.memory_space<vmem>>, vector<16xf32>,
        %mul3A_295 = arith.mulf %get3A_288, %get3A_294 : vector<16xf32>
        %add3A_296 = arith.addf %broadcast_in_dim3A_284, %mul3A_295 : vector<16xf32>
        %add3A_297 = arith.constant 16 : i32
        %add3A_298 = arith.addi %add3A_280, %add3A_297 : i32
        %get3A_299 = arith.index_cast %add3A_298 : i32 to index
        %get3A_300 = tpu.vector_load %arg16[%get3A_299] {strides = array<i32>} : memref<4096xf32, #tpu.memory_space<vmem>>, vector<16xf32>,
        %get3A_301 = arith.index_cast %add3A_298 : i32 to index
        %get3A_302 = tpu.vector_load %arg17[%get3A_301] {strides = array<i32>} : memref<4096xf32, #tpu.memory_space<vmem>>, vector<16xf32>,
        %mul3A_303 = arith.mulf %get3A_300, %get3A_302 : vector<16xf32>
        %add3A_304 = arith.addf %add3A_292, %mul3A_303 : vector<16xf32>
        %get3A_305 = arith.index_cast %add3A_298 : i32 to index
        %get3A_306 = tpu.vector_load %arg18[%get3A_305] {strides = array<i32>} : memref<4096xf32, #tpu.memory_space<vmem>>, vector<16xf32>,
        %mul3A_307 = arith.mulf %get3A_300, %get3A_306 : vector<16xf32>
        %add3A_308 = arith.addf %add3A_296, %mul3A_307 : vector<16xf32>
        %add3A_309 = arith.constant 32 : i32
        %add3A_310 = arith.addi %add3A_280, %add3A_309 : i32
        %get3A_311 = arith.index_cast %add3A_310 : i32 to index
        %get3A_312 = tpu.vector_load %arg16[%get3A_311] {strides = array<i32>} : memref<4096xf32, #tpu.memory_space<vmem>>, vector<16xf32>,
        %get3A_313 = arith.index_cast %add3A_310 : i32 to index
        %get3A_314 = tpu.vector_load %arg17[%get3A_313] {strides = array<i32>} : memref<4096xf32, #tpu.memory_space<vmem>>, vector<16xf32>,
        %mul3A_315 = arith.mulf %get3A_312, %get3A_314 : vector<16xf32>
        %add3A_316 = arith.addf %add3A_304, %mul3A_315 : vector<16xf32>
        %get3A_317 = arith.index_cast %add3A_310 : i32 to index
        %get3A_318 = tpu.vector_load %arg18[%get3A_317] {strides = array<i32>} : memref<4096xf32, #tpu.memory_space<vmem>>, vector<16xf32>,
        %mul3A_319 = arith.mulf %get3A_312, %get3A_318 : vector<16xf32>
        %add3A_320 = arith.addf %add3A_308, %mul3A_319 : vector<16xf32>
        %add3A_321 = arith.constant 48 : i32
        %add3A_322 = arith.addi %add3A_280, %add3A_321 : i32
        %get3A_323 = arith.index_cast %add3A_322 : i32 to index
        %get3A_324 = tpu.vector_load %arg16[%get3A_323] {strides = array<i32>} : memref<4096xf32, #tpu.memory_space<vmem>>, vector<16xf32>,
        %get3A_325 = arith.index_cast %add3A_322 : i32 to index
        %get3A_326 = tpu.vector_load %arg17[%get3A_325] {strides = array<i32>} : memref<4096xf32, #tpu.memory_space<vmem>>, vector<16xf32>,
        %mul3A_327 = arith.mulf %get3A_324, %get3A_326 : vector<16xf32>
        %add3A_328 = arith.addf %add3A_316, %mul3A_327 : vector<16xf32>
        %get3A_329 = arith.index_cast %add3A_322 : i32 to index
        %get3A_330 = tpu.vector_load %arg18[%get3A_329] {strides = array<i32>} : memref<4096xf32, #tpu.memory_space<vmem>>, vector<16xf32>,
        %mul3A_331 = arith.mulf %get3A_324, %get3A_330 : vector<16xf32>
        %add3A_332 = arith.addf %add3A_320, %mul3A_331 : vector<16xf32>
        %add3A_333 = arith.constant 64 : i32
        %add3A_334 = arith.addi %add3A_280, %add3A_333 : i32
        %get3A_335 = arith.index_cast %add3A_334 : i32 to index
        %get3A_336 = tpu.vector_load %arg16[%get3A_335] {strides = array<i32>} : memref<4096xf32, #tpu.memory_space<vmem>>, vector<16xf32>,
        %get3A_337 = arith.index_cast %add3A_334 : i32 to index
        %get3A_338 = tpu.vector_load %arg17[%get3A_337] {strides = array<i32>} : memref<4096xf32, #tpu.memory_space<vmem>>, vector<16xf32>,
        %mul3A_339 = arith.mulf %get3A_336, %get3A_338 : vector<16xf32>
        %add3A_340 = arith.addf %add3A_328, %mul3A_339 : vector<16xf32>
        %get3A_341 = arith.index_cast %add3A_334 : i32 to index
        %get3A_342 = tpu.vector_load %arg18[%get3A_341] {strides = array<i32>} : memref<4096xf32, #tpu.memory_space<vmem>>, vector<16xf32>,
        %mul3A_343 = arith.mulf %get3A_336, %get3A_342 : vector<16xf32>
        %add3A_344 = arith.addf %add3A_332, %mul3A_343 : vector<16xf32>
        %add3A_345 = arith.constant 80 : i32
        %add3A_346 = arith.addi %add3A_280, %add3A_345 : i32
        %get3A_347 = arith.index_cast %add3A_346 : i32 to index
        %get3A_348 = tpu.vector_load %arg16[%get3A_347] {strides = array<i32>} : memref<4096xf32, #tpu.memory_space<vmem>>, vector<16xf32>,
        %get3A_349 = arith.index_cast %add3A_346 : i32 to index
        %get3A_350 = tpu.vector_load %arg17[%get3A_349] {strides = array<i32>} : memref<4096xf32, #tpu.memory_space<vmem>>, vector<16xf32>,
        %mul3A_351 = arith.mulf %get3A_348, %get3A_350 : vector<16xf32>
        %add3A_352 = arith.addf %add3A_340, %mul3A_351 : vector<16xf32>
        %get3A_353 = arith.index_cast %add3A_346 : i32 to index
        %get3A_354 = tpu.vector_load %arg18[%get3A_353] {strides = array<i32>} : memref<4096xf32, #tpu.memory_space<vmem>>, vector<16xf32>,
        %mul3A_355 = arith.mulf %get3A_348, %get3A_354 : vector<16xf32>
        %add3A_356 = arith.addf %add3A_344, %mul3A_355 : vector<16xf32>
        %add3A_357 = arith.constant 96 : i32
        %add3A_358 = arith.addi %add3A_280, %add3A_357 : i32
        %get3A_359 = arith.index_cast %add3A_358 : i32 to index
        %get3A_360 = tpu.vector_load %arg16[%get3A_359] {strides = array<i32>} : memref<4096xf32, #tpu.memory_space<vmem>>, vector<16xf32>,
        %get3A_361 = arith.index_cast %add3A_358 : i32 to index
        %get3A_362 = tpu.vector_load %arg17[%get3A_361] {strides = array<i32>} : memref<4096xf32, #tpu.memory_space<vmem>>, vector<16xf32>,
        %mul3A_363 = arith.mulf %get3A_360, %get3A_362 : vector<16xf32>
        %add3A_364 = arith.addf %add3A_352, %mul3A_363 : vector<16xf32>
        %get3A_365 = arith.index_cast %add3A_358 : i32 to index
        %get3A_366 = tpu.vector_load %arg18[%get3A_365] {strides = array<i32>} : memref<4096xf32, #tpu.memory_space<vmem>>, vector<16xf32>,
        %mul3A_367 = arith.mulf %get3A_360, %get3A_366 : vector<16xf32>
        %add3A_368 = arith.addf %add3A_356, %mul3A_367 : vector<16xf32>
        %add3A_369 = arith.constant 112 : i32
        %add3A_370 = arith.addi %add3A_280, %add3A_369 : i32
        %get3A_371 = arith.index_cast %add3A_370 : i32 to index
        %get3A_372 = tpu.vector_load %arg16[%get3A_371] {strides = array<i32>} : memref<4096xf32, #tpu.memory_space<vmem>>, vector<16xf32>,
        %get3A_373 = arith.index_cast %add3A_370 : i32 to index
        %get3A_374 = tpu.vector_load %arg17[%get3A_373] {strides = array<i32>} : memref<4096xf32, #tpu.memory_space<vmem>>, vector<16xf32>,
        %mul3A_375 = arith.mulf %get3A_372, %get3A_374 : vector<16xf32>
        %add3A_376 = arith.addf %add3A_364, %mul3A_375 : vector<16xf32>
        %get3A_377 = arith.index_cast %add3A_370 : i32 to index
        %get3A_378 = tpu.vector_load %arg18[%get3A_377] {strides = array<i32>} : memref<4096xf32, #tpu.memory_space<vmem>>, vector<16xf32>,
        %mul3A_379 = arith.mulf %get3A_372, %get3A_378 : vector<16xf32>
        %add3A_380 = arith.addf %add3A_368, %mul3A_379 : vector<16xf32>
        %add3A_381 = arith.addi %mul3A_10, %get3A_276 : vector<16xi32>
        %add3A_382 = vector.broadcast %mul3A_134 : i32 to vector<16xi32>
        %add3A_383 = arith.addi %add3A_382, %add3A_381 : vector<16xi32>
        tpu.vector_store_idx %arg19[%add3A_383], %add3A_376 : memref<1024xf32, #tpu.memory_space<vmem>>[vector<16xi32>], vector<16xf32>,
        %add3A_384 = arith.constant 1 : i32
        %add3A_385 = vector.broadcast %add3A_384 : i32 to vector<16xi32>
        %add3A_386 = arith.addi %get3A_276, %add3A_385 : vector<16xi32>
        %add3A_387 = arith.addi %mul3A_10, %add3A_386 : vector<16xi32>
        %add3A_388 = vector.broadcast %mul3A_134 : i32 to vector<16xi32>
        %add3A_389 = arith.addi %add3A_388, %add3A_387 : vector<16xi32>
        tpu.vector_store_idx %arg19[%add3A_389], %add3A_380 : memref<1024xf32, #tpu.memory_space<vmem>>[vector<16xi32>], vector<16xf32>,
      }
      %scan3A_140 = arith.constant 16 : i32
      %mul3A_141 = arith.constant 16 : i32
      %mul3A_142 = arith.muli %mul3A_58, %mul3A_141 : i32
      %add3A_143 = arith.addi %mul3A_2, %mul3A_142 : i32
      %mul3A_144 = arith.constant 32 : i32
      %mul3A_145 = arith.muli %add3A_143, %mul3A_144 : i32
      %dma_start3A_146 = tpu.memref_slice %arg19[%mul3A_134] : memref<1024xf32, #tpu.memory_space<vmem>> -> memref<512xf32, #tpu.memory_space<vmem>>
      %dma_start3A_147 = tpu.memref_slice %arg9[%mul3A_145] : memref<4194304xf32, #tpu.memory_space<hbm>> -> memref<512xf32, #tpu.memory_space<hbm>>
      %dma_start3A_148 = tpu.memref_slice %arg9[%mul3A_145] : memref<4194304xf32, #tpu.memory_space<hbm>> -> memref<512xf32, #tpu.memory_space<hbm>>
      %dma_start3A_149 = tpu.memref_slice %arg19[%mul3A_134] : memref<1024xf32, #tpu.memory_space<vmem>> -> memref<512xf32, #tpu.memory_space<vmem>>
      tpu.enqueue_dma source(%dma_start3A_149 : memref<512xf32, #tpu.memory_space<vmem>>) target(%dma_start3A_148 : memref<512xf32, #tpu.memory_space<hbm>>) target_semaphore(%arg22 : memref<!tpu.dma_semaphore, #tpu.memory_space<semaphore_mem>>)
    }
    %scan3A_15 = arith.constant 128 : i32
    %scan3A_16 = arith.constant 0 : i32
    %scan3A_17 = arith.constant 0 : i32
    %scan3A_18 = arith.constant 16 : i32
    %scan3A_19 = arith.addi %scan3A_17, %scan3A_18 : i32
    %scan3A_20 = arith.constant 1 : i32
    scf.for %scan3A_56 = %scan3A_17 to %scan3A_19 step %scan3A_20  : i32 {
      %mul3A_57 = arith.constant 128 : i32
      %mul3A_58 = arith.muli %scan3A_56, %mul3A_57 : i32
      %add3A_59 = arith.constant 2048 : i32
      %add3A_60 = arith.addi %add3A_59, %mul3A_58 : i32
      %dma_wait3A_61 = tpu.memref_slice %arg17[%add3A_60] : memref<4096xf32, #tpu.memory_space<vmem>> -> memref<128xf32, #tpu.memory_space<vmem>>
      %dma_wait3A_62 = tpu.memref_slice %arg15[%add3A_60] : memref<4096xi32, #tpu.memory_space<vmem>> -> memref<128xi32, #tpu.memory_space<vmem>>
      %dma_wait3A_63 = arith.constant 0 : i32
      %dma_wait3A_64 = tpu.memref_slice %arg4[%dma_wait3A_63] : memref<8388608xf32, #tpu.memory_space<hbm>> -> memref<8388608xf32, #tpu.memory_space<hbm>>
      tpu.wait_indirect_dma semaphore(%arg21 : memref<!tpu.dma_semaphore, #tpu.memory_space<semaphore_mem>>) src(%dma_wait3A_64 : memref<8388608xf32, #tpu.memory_space<hbm>>) dst(%dma_wait3A_61 : memref<128xf32, #tpu.memory_space<vmem>>)
      %dma_wait3A_65 = tpu.memref_slice %arg18[%add3A_60] : memref<4096xf32, #tpu.memory_space<vmem>> -> memref<128xf32, #tpu.memory_space<vmem>>
      %dma_wait3A_66 = tpu.memref_slice %arg15[%add3A_60] : memref<4096xi32, #tpu.memory_space<vmem>> -> memref<128xi32, #tpu.memory_space<vmem>>
      %dma_wait3A_67 = arith.constant 0 : i32
      %dma_wait3A_68 = tpu.memref_slice %arg5[%dma_wait3A_67] : memref<8388608xf32, #tpu.memory_space<hbm>> -> memref<8388608xf32, #tpu.memory_space<hbm>>
      tpu.wait_indirect_dma semaphore(%arg21 : memref<!tpu.dma_semaphore, #tpu.memory_space<semaphore_mem>>) src(%dma_wait3A_68 : memref<8388608xf32, #tpu.memory_space<hbm>>) dst(%dma_wait3A_65 : memref<128xf32, #tpu.memory_space<vmem>>)
    }
    %scan3A_21 = arith.constant 16 : i32
    %add3A_22 = arith.constant 4064 : i32
    %add3A_23 = arith.addi %mul3A_2, %add3A_22 : i32
    %mul3A_24 = arith.constant 32 : i32
    %mul3A_25 = arith.muli %add3A_23, %mul3A_24 : i32
    %dma_wait3A = arith.constant 0 : i32
    %dma_wait3A_26 = tpu.memref_slice %arg19[%dma_wait3A] : memref<1024xf32, #tpu.memory_space<vmem>> -> memref<512xf32, #tpu.memory_space<vmem>>
    %dma_wait3A_27 = tpu.memref_slice %arg9[%mul3A_25] : memref<4194304xf32, #tpu.memory_space<hbm>> -> memref<512xf32, #tpu.memory_space<hbm>>
    %dma_wait3A_28 = tpu.memref_slice %arg9[%mul3A_25] : memref<4194304xf32, #tpu.memory_space<hbm>> -> memref<512xf32, #tpu.memory_space<hbm>>
    %dma_wait3A_29 = arith.constant 0 : i32
    %dma_wait3A_30 = tpu.memref_slice %arg19[%dma_wait3A_29] : memref<1024xf32, #tpu.memory_space<vmem>> -> memref<512xf32, #tpu.memory_space<vmem>>
    tpu.wait_dma2 semaphore(%arg22 : memref<!tpu.dma_semaphore, #tpu.memory_space<semaphore_mem>>) src(%dma_wait3A_30 : memref<512xf32, #tpu.memory_space<vmem>>) dst(%dma_wait3A_28 : memref<512xf32, #tpu.memory_space<hbm>>)
    %scan3A_31 = arith.constant 0 : i32
    %scan3A_32 = arith.constant 0 : i32
    %scan3A_33 = arith.constant 16 : i32
    %scan3A_34 = arith.addi %scan3A_32, %scan3A_33 : i32
    %scan3A_35 = arith.constant 2 : i32
    scf.for %scan3A_56 = %scan3A_32 to %scan3A_34 step %scan3A_35  : i32 {
      %mul3A_57 = arith.constant 96 : i32
      %mul3A_58 = arith.muli %scan3A_56, %mul3A_57 : i32
      %add3A_59 = arith.constant 80 : i32
      %add3A_60 = arith.addi %mul3A_58, %add3A_59 : i32
      %get3A = arith.index_cast %add3A_60 : i32 to index
      %get3A_61 = tpu.vector_load %arg14[%get3A] {strides = array<i32>} : memref<1536xi32, #tpu.memory_space<vmem>>, vector<16xi32>,
      %mul3A_62 = arith.constant 128 : i32
      %mul3A_63 = arith.muli %scan3A_56, %mul3A_62 : i32
      %add3A_64 = arith.constant 2048 : i32
      %add3A_65 = arith.addi %add3A_64, %mul3A_63 : i32
      %broadcast_in_dim3A = arith.constant 0.000000e+00 : f32
      %broadcast_in_dim3A_66 = vector.broadcast %broadcast_in_dim3A : f32 to vector<16xf32>
      %broadcast_in_dim3A_67 = arith.constant 0.000000e+00 : f32
      %broadcast_in_dim3A_68 = vector.broadcast %broadcast_in_dim3A_67 : f32 to vector<16xf32>
      %add3A_69 = arith.constant 0 : i32
      %add3A_70 = arith.addi %add3A_65, %add3A_69 : i32
      %get3A_71 = arith.index_cast %add3A_70 : i32 to index
      %get3A_72 = tpu.vector_load %arg16[%get3A_71] {strides = array<i32>} : memref<4096xf32, #tpu.memory_space<vmem>>, vector<16xf32>,
      %get3A_73 = arith.index_cast %add3A_70 : i32 to index
      %get3A_74 = tpu.vector_load %arg17[%get3A_73] {strides = array<i32>} : memref<4096xf32, #tpu.memory_space<vmem>>, vector<16xf32>,
      %mul3A_75 = arith.mulf %get3A_72, %get3A_74 : vector<16xf32>
      %add3A_76 = arith.addf %broadcast_in_dim3A_66, %mul3A_75 : vector<16xf32>
      %get3A_77 = arith.index_cast %add3A_70 : i32 to index
      %get3A_78 = tpu.vector_load %arg18[%get3A_77] {strides = array<i32>} : memref<4096xf32, #tpu.memory_space<vmem>>, vector<16xf32>,
      %mul3A_79 = arith.mulf %get3A_72, %get3A_78 : vector<16xf32>
      %add3A_80 = arith.addf %broadcast_in_dim3A_68, %mul3A_79 : vector<16xf32>
      %add3A_81 = arith.constant 16 : i32
      %add3A_82 = arith.addi %add3A_65, %add3A_81 : i32
      %get3A_83 = arith.index_cast %add3A_82 : i32 to index
      %get3A_84 = tpu.vector_load %arg16[%get3A_83] {strides = array<i32>} : memref<4096xf32, #tpu.memory_space<vmem>>, vector<16xf32>,
      %get3A_85 = arith.index_cast %add3A_82 : i32 to index
      %get3A_86 = tpu.vector_load %arg17[%get3A_85] {strides = array<i32>} : memref<4096xf32, #tpu.memory_space<vmem>>, vector<16xf32>,
      %mul3A_87 = arith.mulf %get3A_84, %get3A_86 : vector<16xf32>
      %add3A_88 = arith.addf %add3A_76, %mul3A_87 : vector<16xf32>
      %get3A_89 = arith.index_cast %add3A_82 : i32 to index
      %get3A_90 = tpu.vector_load %arg18[%get3A_89] {strides = array<i32>} : memref<4096xf32, #tpu.memory_space<vmem>>, vector<16xf32>,
      %mul3A_91 = arith.mulf %get3A_84, %get3A_90 : vector<16xf32>
      %add3A_92 = arith.addf %add3A_80, %mul3A_91 : vector<16xf32>
      %add3A_93 = arith.constant 32 : i32
      %add3A_94 = arith.addi %add3A_65, %add3A_93 : i32
      %get3A_95 = arith.index_cast %add3A_94 : i32 to index
      %get3A_96 = tpu.vector_load %arg16[%get3A_95] {strides = array<i32>} : memref<4096xf32, #tpu.memory_space<vmem>>, vector<16xf32>,
      %get3A_97 = arith.index_cast %add3A_94 : i32 to index
      %get3A_98 = tpu.vector_load %arg17[%get3A_97] {strides = array<i32>} : memref<4096xf32, #tpu.memory_space<vmem>>, vector<16xf32>,
      %mul3A_99 = arith.mulf %get3A_96, %get3A_98 : vector<16xf32>
      %add3A_100 = arith.addf %add3A_88, %mul3A_99 : vector<16xf32>
      %get3A_101 = arith.index_cast %add3A_94 : i32 to index
      %get3A_102 = tpu.vector_load %arg18[%get3A_101] {strides = array<i32>} : memref<4096xf32, #tpu.memory_space<vmem>>, vector<16xf32>,
      %mul3A_103 = arith.mulf %get3A_96, %get3A_102 : vector<16xf32>
      %add3A_104 = arith.addf %add3A_92, %mul3A_103 : vector<16xf32>
      %add3A_105 = arith.constant 48 : i32
      %add3A_106 = arith.addi %add3A_65, %add3A_105 : i32
      %get3A_107 = arith.index_cast %add3A_106 : i32 to index
      %get3A_108 = tpu.vector_load %arg16[%get3A_107] {strides = array<i32>} : memref<4096xf32, #tpu.memory_space<vmem>>, vector<16xf32>,
      %get3A_109 = arith.index_cast %add3A_106 : i32 to index
      %get3A_110 = tpu.vector_load %arg17[%get3A_109] {strides = array<i32>} : memref<4096xf32, #tpu.memory_space<vmem>>, vector<16xf32>,
      %mul3A_111 = arith.mulf %get3A_108, %get3A_110 : vector<16xf32>
      %add3A_112 = arith.addf %add3A_100, %mul3A_111 : vector<16xf32>
      %get3A_113 = arith.index_cast %add3A_106 : i32 to index
      %get3A_114 = tpu.vector_load %arg18[%get3A_113] {strides = array<i32>} : memref<4096xf32, #tpu.memory_space<vmem>>, vector<16xf32>,
      %mul3A_115 = arith.mulf %get3A_108, %get3A_114 : vector<16xf32>
      %add3A_116 = arith.addf %add3A_104, %mul3A_115 : vector<16xf32>
      %add3A_117 = arith.constant 64 : i32
      %add3A_118 = arith.addi %add3A_65, %add3A_117 : i32
      %get3A_119 = arith.index_cast %add3A_118 : i32 to index
      %get3A_120 = tpu.vector_load %arg16[%get3A_119] {strides = array<i32>} : memref<4096xf32, #tpu.memory_space<vmem>>, vector<16xf32>,
      %get3A_121 = arith.index_cast %add3A_118 : i32 to index
      %get3A_122 = tpu.vector_load %arg17[%get3A_121] {strides = array<i32>} : memref<4096xf32, #tpu.memory_space<vmem>>, vector<16xf32>,
      %mul3A_123 = arith.mulf %get3A_120, %get3A_122 : vector<16xf32>
      %add3A_124 = arith.addf %add3A_112, %mul3A_123 : vector<16xf32>
      %get3A_125 = arith.index_cast %add3A_118 : i32 to index
      %get3A_126 = tpu.vector_load %arg18[%get3A_125] {strides = array<i32>} : memref<4096xf32, #tpu.memory_space<vmem>>, vector<16xf32>,
      %mul3A_127 = arith.mulf %get3A_120, %get3A_126 : vector<16xf32>
      %add3A_128 = arith.addf %add3A_116, %mul3A_127 : vector<16xf32>
      %add3A_129 = arith.constant 80 : i32
      %add3A_130 = arith.addi %add3A_65, %add3A_129 : i32
      %get3A_131 = arith.index_cast %add3A_130 : i32 to index
      %get3A_132 = tpu.vector_load %arg16[%get3A_131] {strides = array<i32>} : memref<4096xf32, #tpu.memory_space<vmem>>, vector<16xf32>,
      %get3A_133 = arith.index_cast %add3A_130 : i32 to index
      %get3A_134 = tpu.vector_load %arg17[%get3A_133] {strides = array<i32>} : memref<4096xf32, #tpu.memory_space<vmem>>, vector<16xf32>,
      %mul3A_135 = arith.mulf %get3A_132, %get3A_134 : vector<16xf32>
      %add3A_136 = arith.addf %add3A_124, %mul3A_135 : vector<16xf32>
      %get3A_137 = arith.index_cast %add3A_130 : i32 to index
      %get3A_138 = tpu.vector_load %arg18[%get3A_137] {strides = array<i32>} : memref<4096xf32, #tpu.memory_space<vmem>>, vector<16xf32>,
      %mul3A_139 = arith.mulf %get3A_132, %get3A_138 : vector<16xf32>
      %add3A_140 = arith.addf %add3A_128, %mul3A_139 : vector<16xf32>
      %add3A_141 = arith.constant 96 : i32
      %add3A_142 = arith.addi %add3A_65, %add3A_141 : i32
      %get3A_143 = arith.index_cast %add3A_142 : i32 to index
      %get3A_144 = tpu.vector_load %arg16[%get3A_143] {strides = array<i32>} : memref<4096xf32, #tpu.memory_space<vmem>>, vector<16xf32>,
      %get3A_145 = arith.index_cast %add3A_142 : i32 to index
      %get3A_146 = tpu.vector_load %arg17[%get3A_145] {strides = array<i32>} : memref<4096xf32, #tpu.memory_space<vmem>>, vector<16xf32>,
      %mul3A_147 = arith.mulf %get3A_144, %get3A_146 : vector<16xf32>
      %add3A_148 = arith.addf %add3A_136, %mul3A_147 : vector<16xf32>
      %get3A_149 = arith.index_cast %add3A_142 : i32 to index
      %get3A_150 = tpu.vector_load %arg18[%get3A_149] {strides = array<i32>} : memref<4096xf32, #tpu.memory_space<vmem>>, vector<16xf32>,
      %mul3A_151 = arith.mulf %get3A_144, %get3A_150 : vector<16xf32>
      %add3A_152 = arith.addf %add3A_140, %mul3A_151 : vector<16xf32>
      %add3A_153 = arith.constant 112 : i32
      %add3A_154 = arith.addi %add3A_65, %add3A_153 : i32
      %get3A_155 = arith.index_cast %add3A_154 : i32 to index
      %get3A_156 = tpu.vector_load %arg16[%get3A_155] {strides = array<i32>} : memref<4096xf32, #tpu.memory_space<vmem>>, vector<16xf32>,
      %get3A_157 = arith.index_cast %add3A_154 : i32 to index
      %get3A_158 = tpu.vector_load %arg17[%get3A_157] {strides = array<i32>} : memref<4096xf32, #tpu.memory_space<vmem>>, vector<16xf32>,
      %mul3A_159 = arith.mulf %get3A_156, %get3A_158 : vector<16xf32>
      %add3A_160 = arith.addf %add3A_148, %mul3A_159 : vector<16xf32>
      %get3A_161 = arith.index_cast %add3A_154 : i32 to index
      %get3A_162 = tpu.vector_load %arg18[%get3A_161] {strides = array<i32>} : memref<4096xf32, #tpu.memory_space<vmem>>, vector<16xf32>,
      %mul3A_163 = arith.mulf %get3A_156, %get3A_162 : vector<16xf32>
      %add3A_164 = arith.addf %add3A_152, %mul3A_163 : vector<16xf32>
      %add3A_165 = arith.addi %mul3A_10, %get3A_61 : vector<16xi32>
      %add3A_166 = arith.constant 512 : i32
      %add3A_167 = vector.broadcast %add3A_166 : i32 to vector<16xi32>
      %add3A_168 = arith.addi %add3A_167, %add3A_165 : vector<16xi32>
      tpu.vector_store_idx %arg19[%add3A_168], %add3A_160 : memref<1024xf32, #tpu.memory_space<vmem>>[vector<16xi32>], vector<16xf32>,
      %add3A_169 = arith.constant 1 : i32
      %add3A_170 = vector.broadcast %add3A_169 : i32 to vector<16xi32>
      %add3A_171 = arith.addi %get3A_61, %add3A_170 : vector<16xi32>
      %add3A_172 = arith.addi %mul3A_10, %add3A_171 : vector<16xi32>
      %add3A_173 = arith.constant 512 : i32
      %add3A_174 = vector.broadcast %add3A_173 : i32 to vector<16xi32>
      %add3A_175 = arith.addi %add3A_174, %add3A_172 : vector<16xi32>
      tpu.vector_store_idx %arg19[%add3A_175], %add3A_164 : memref<1024xf32, #tpu.memory_space<vmem>>[vector<16xi32>], vector<16xf32>,
      %scan3A_176 = arith.constant 1 : i32
      %scan3A_177 = arith.addi %scan3A_56, %scan3A_176 : i32
      %mul3A_178 = arith.constant 96 : i32
      %mul3A_179 = arith.muli %scan3A_177, %mul3A_178 : i32
      %add3A_180 = arith.constant 80 : i32
      %add3A_181 = arith.addi %mul3A_179, %add3A_180 : i32
      %get3A_182 = arith.index_cast %add3A_181 : i32 to index
      %get3A_183 = tpu.vector_load %arg14[%get3A_182] {strides = array<i32>} : memref<1536xi32, #tpu.memory_space<vmem>>, vector<16xi32>,
      %mul3A_184 = arith.constant 128 : i32
      %mul3A_185 = arith.muli %scan3A_177, %mul3A_184 : i32
      %add3A_186 = arith.constant 2048 : i32
      %add3A_187 = arith.addi %add3A_186, %mul3A_185 : i32
      %broadcast_in_dim3A_188 = arith.constant 0.000000e+00 : f32
      %broadcast_in_dim3A_189 = vector.broadcast %broadcast_in_dim3A_188 : f32 to vector<16xf32>
      %broadcast_in_dim3A_190 = arith.constant 0.000000e+00 : f32
      %broadcast_in_dim3A_191 = vector.broadcast %broadcast_in_dim3A_190 : f32 to vector<16xf32>
      %add3A_192 = arith.constant 0 : i32
      %add3A_193 = arith.addi %add3A_187, %add3A_192 : i32
      %get3A_194 = arith.index_cast %add3A_193 : i32 to index
      %get3A_195 = tpu.vector_load %arg16[%get3A_194] {strides = array<i32>} : memref<4096xf32, #tpu.memory_space<vmem>>, vector<16xf32>,
      %get3A_196 = arith.index_cast %add3A_193 : i32 to index
      %get3A_197 = tpu.vector_load %arg17[%get3A_196] {strides = array<i32>} : memref<4096xf32, #tpu.memory_space<vmem>>, vector<16xf32>,
      %mul3A_198 = arith.mulf %get3A_195, %get3A_197 : vector<16xf32>
      %add3A_199 = arith.addf %broadcast_in_dim3A_189, %mul3A_198 : vector<16xf32>
      %get3A_200 = arith.index_cast %add3A_193 : i32 to index
      %get3A_201 = tpu.vector_load %arg18[%get3A_200] {strides = array<i32>} : memref<4096xf32, #tpu.memory_space<vmem>>, vector<16xf32>,
      %mul3A_202 = arith.mulf %get3A_195, %get3A_201 : vector<16xf32>
      %add3A_203 = arith.addf %broadcast_in_dim3A_191, %mul3A_202 : vector<16xf32>
      %add3A_204 = arith.constant 16 : i32
      %add3A_205 = arith.addi %add3A_187, %add3A_204 : i32
      %get3A_206 = arith.index_cast %add3A_205 : i32 to index
      %get3A_207 = tpu.vector_load %arg16[%get3A_206] {strides = array<i32>} : memref<4096xf32, #tpu.memory_space<vmem>>, vector<16xf32>,
      %get3A_208 = arith.index_cast %add3A_205 : i32 to index
      %get3A_209 = tpu.vector_load %arg17[%get3A_208] {strides = array<i32>} : memref<4096xf32, #tpu.memory_space<vmem>>, vector<16xf32>,
      %mul3A_210 = arith.mulf %get3A_207, %get3A_209 : vector<16xf32>
      %add3A_211 = arith.addf %add3A_199, %mul3A_210 : vector<16xf32>
      %get3A_212 = arith.index_cast %add3A_205 : i32 to index
      %get3A_213 = tpu.vector_load %arg18[%get3A_212] {strides = array<i32>} : memref<4096xf32, #tpu.memory_space<vmem>>, vector<16xf32>,
      %mul3A_214 = arith.mulf %get3A_207, %get3A_213 : vector<16xf32>
      %add3A_215 = arith.addf %add3A_203, %mul3A_214 : vector<16xf32>
      %add3A_216 = arith.constant 32 : i32
      %add3A_217 = arith.addi %add3A_187, %add3A_216 : i32
      %get3A_218 = arith.index_cast %add3A_217 : i32 to index
      %get3A_219 = tpu.vector_load %arg16[%get3A_218] {strides = array<i32>} : memref<4096xf32, #tpu.memory_space<vmem>>, vector<16xf32>,
      %get3A_220 = arith.index_cast %add3A_217 : i32 to index
      %get3A_221 = tpu.vector_load %arg17[%get3A_220] {strides = array<i32>} : memref<4096xf32, #tpu.memory_space<vmem>>, vector<16xf32>,
      %mul3A_222 = arith.mulf %get3A_219, %get3A_221 : vector<16xf32>
      %add3A_223 = arith.addf %add3A_211, %mul3A_222 : vector<16xf32>
      %get3A_224 = arith.index_cast %add3A_217 : i32 to index
      %get3A_225 = tpu.vector_load %arg18[%get3A_224] {strides = array<i32>} : memref<4096xf32, #tpu.memory_space<vmem>>, vector<16xf32>,
      %mul3A_226 = arith.mulf %get3A_219, %get3A_225 : vector<16xf32>
      %add3A_227 = arith.addf %add3A_215, %mul3A_226 : vector<16xf32>
      %add3A_228 = arith.constant 48 : i32
      %add3A_229 = arith.addi %add3A_187, %add3A_228 : i32
      %get3A_230 = arith.index_cast %add3A_229 : i32 to index
      %get3A_231 = tpu.vector_load %arg16[%get3A_230] {strides = array<i32>} : memref<4096xf32, #tpu.memory_space<vmem>>, vector<16xf32>,
      %get3A_232 = arith.index_cast %add3A_229 : i32 to index
      %get3A_233 = tpu.vector_load %arg17[%get3A_232] {strides = array<i32>} : memref<4096xf32, #tpu.memory_space<vmem>>, vector<16xf32>,
      %mul3A_234 = arith.mulf %get3A_231, %get3A_233 : vector<16xf32>
      %add3A_235 = arith.addf %add3A_223, %mul3A_234 : vector<16xf32>
      %get3A_236 = arith.index_cast %add3A_229 : i32 to index
      %get3A_237 = tpu.vector_load %arg18[%get3A_236] {strides = array<i32>} : memref<4096xf32, #tpu.memory_space<vmem>>, vector<16xf32>,
      %mul3A_238 = arith.mulf %get3A_231, %get3A_237 : vector<16xf32>
      %add3A_239 = arith.addf %add3A_227, %mul3A_238 : vector<16xf32>
      %add3A_240 = arith.constant 64 : i32
      %add3A_241 = arith.addi %add3A_187, %add3A_240 : i32
      %get3A_242 = arith.index_cast %add3A_241 : i32 to index
      %get3A_243 = tpu.vector_load %arg16[%get3A_242] {strides = array<i32>} : memref<4096xf32, #tpu.memory_space<vmem>>, vector<16xf32>,
      %get3A_244 = arith.index_cast %add3A_241 : i32 to index
      %get3A_245 = tpu.vector_load %arg17[%get3A_244] {strides = array<i32>} : memref<4096xf32, #tpu.memory_space<vmem>>, vector<16xf32>,
      %mul3A_246 = arith.mulf %get3A_243, %get3A_245 : vector<16xf32>
      %add3A_247 = arith.addf %add3A_235, %mul3A_246 : vector<16xf32>
      %get3A_248 = arith.index_cast %add3A_241 : i32 to index
      %get3A_249 = tpu.vector_load %arg18[%get3A_248] {strides = array<i32>} : memref<4096xf32, #tpu.memory_space<vmem>>, vector<16xf32>,
      %mul3A_250 = arith.mulf %get3A_243, %get3A_249 : vector<16xf32>
      %add3A_251 = arith.addf %add3A_239, %mul3A_250 : vector<16xf32>
      %add3A_252 = arith.constant 80 : i32
      %add3A_253 = arith.addi %add3A_187, %add3A_252 : i32
      %get3A_254 = arith.index_cast %add3A_253 : i32 to index
      %get3A_255 = tpu.vector_load %arg16[%get3A_254] {strides = array<i32>} : memref<4096xf32, #tpu.memory_space<vmem>>, vector<16xf32>,
      %get3A_256 = arith.index_cast %add3A_253 : i32 to index
      %get3A_257 = tpu.vector_load %arg17[%get3A_256] {strides = array<i32>} : memref<4096xf32, #tpu.memory_space<vmem>>, vector<16xf32>,
      %mul3A_258 = arith.mulf %get3A_255, %get3A_257 : vector<16xf32>
      %add3A_259 = arith.addf %add3A_247, %mul3A_258 : vector<16xf32>
      %get3A_260 = arith.index_cast %add3A_253 : i32 to index
      %get3A_261 = tpu.vector_load %arg18[%get3A_260] {strides = array<i32>} : memref<4096xf32, #tpu.memory_space<vmem>>, vector<16xf32>,
      %mul3A_262 = arith.mulf %get3A_255, %get3A_261 : vector<16xf32>
      %add3A_263 = arith.addf %add3A_251, %mul3A_262 : vector<16xf32>
      %add3A_264 = arith.constant 96 : i32
      %add3A_265 = arith.addi %add3A_187, %add3A_264 : i32
      %get3A_266 = arith.index_cast %add3A_265 : i32 to index
      %get3A_267 = tpu.vector_load %arg16[%get3A_266] {strides = array<i32>} : memref<4096xf32, #tpu.memory_space<vmem>>, vector<16xf32>,
      %get3A_268 = arith.index_cast %add3A_265 : i32 to index
      %get3A_269 = tpu.vector_load %arg17[%get3A_268] {strides = array<i32>} : memref<4096xf32, #tpu.memory_space<vmem>>, vector<16xf32>,
      %mul3A_270 = arith.mulf %get3A_267, %get3A_269 : vector<16xf32>
      %add3A_271 = arith.addf %add3A_259, %mul3A_270 : vector<16xf32>
      %get3A_272 = arith.index_cast %add3A_265 : i32 to index
      %get3A_273 = tpu.vector_load %arg18[%get3A_272] {strides = array<i32>} : memref<4096xf32, #tpu.memory_space<vmem>>, vector<16xf32>,
      %mul3A_274 = arith.mulf %get3A_267, %get3A_273 : vector<16xf32>
      %add3A_275 = arith.addf %add3A_263, %mul3A_274 : vector<16xf32>
      %add3A_276 = arith.constant 112 : i32
      %add3A_277 = arith.addi %add3A_187, %add3A_276 : i32
      %get3A_278 = arith.index_cast %add3A_277 : i32 to index
      %get3A_279 = tpu.vector_load %arg16[%get3A_278] {strides = array<i32>} : memref<4096xf32, #tpu.memory_space<vmem>>, vector<16xf32>,
      %get3A_280 = arith.index_cast %add3A_277 : i32 to index
      %get3A_281 = tpu.vector_load %arg17[%get3A_280] {strides = array<i32>} : memref<4096xf32, #tpu.memory_space<vmem>>, vector<16xf32>,
      %mul3A_282 = arith.mulf %get3A_279, %get3A_281 : vector<16xf32>
      %add3A_283 = arith.addf %add3A_271, %mul3A_282 : vector<16xf32>
      %get3A_284 = arith.index_cast %add3A_277 : i32 to index
      %get3A_285 = tpu.vector_load %arg18[%get3A_284] {strides = array<i32>} : memref<4096xf32, #tpu.memory_space<vmem>>, vector<16xf32>,
      %mul3A_286 = arith.mulf %get3A_279, %get3A_285 : vector<16xf32>
      %add3A_287 = arith.addf %add3A_275, %mul3A_286 : vector<16xf32>
      %add3A_288 = arith.addi %mul3A_10, %get3A_183 : vector<16xi32>
      %add3A_289 = arith.constant 512 : i32
      %add3A_290 = vector.broadcast %add3A_289 : i32 to vector<16xi32>
      %add3A_291 = arith.addi %add3A_290, %add3A_288 : vector<16xi32>
      tpu.vector_store_idx %arg19[%add3A_291], %add3A_283 : memref<1024xf32, #tpu.memory_space<vmem>>[vector<16xi32>], vector<16xf32>,
      %add3A_292 = arith.constant 1 : i32
      %add3A_293 = vector.broadcast %add3A_292 : i32 to vector<16xi32>
      %add3A_294 = arith.addi %get3A_183, %add3A_293 : vector<16xi32>
      %add3A_295 = arith.addi %mul3A_10, %add3A_294 : vector<16xi32>
      %add3A_296 = arith.constant 512 : i32
      %add3A_297 = vector.broadcast %add3A_296 : i32 to vector<16xi32>
      %add3A_298 = arith.addi %add3A_297, %add3A_295 : vector<16xi32>
      tpu.vector_store_idx %arg19[%add3A_298], %add3A_287 : memref<1024xf32, #tpu.memory_space<vmem>>[vector<16xi32>], vector<16xf32>,
    }
    %scan3A_36 = arith.constant 16 : i32
    %add3A_37 = arith.constant 4080 : i32
    %add3A_38 = arith.addi %mul3A_2, %add3A_37 : i32
    %mul3A_39 = arith.constant 32 : i32
    %mul3A_40 = arith.muli %add3A_38, %mul3A_39 : i32
    %dma_start3A = arith.constant 512 : i32
    %dma_start3A_41 = tpu.memref_slice %arg19[%dma_start3A] : memref<1024xf32, #tpu.memory_space<vmem>> -> memref<512xf32, #tpu.memory_space<vmem>>
    %dma_start3A_42 = tpu.memref_slice %arg9[%mul3A_40] : memref<4194304xf32, #tpu.memory_space<hbm>> -> memref<512xf32, #tpu.memory_space<hbm>>
    %dma_start3A_43 = tpu.memref_slice %arg9[%mul3A_40] : memref<4194304xf32, #tpu.memory_space<hbm>> -> memref<512xf32, #tpu.memory_space<hbm>>
    %dma_start3A_44 = arith.constant 512 : i32
    %dma_start3A_45 = tpu.memref_slice %arg19[%dma_start3A_44] : memref<1024xf32, #tpu.memory_space<vmem>> -> memref<512xf32, #tpu.memory_space<vmem>>
    tpu.enqueue_dma source(%dma_start3A_45 : memref<512xf32, #tpu.memory_space<vmem>>) target(%dma_start3A_43 : memref<512xf32, #tpu.memory_space<hbm>>) target_semaphore(%arg22 : memref<!tpu.dma_semaphore, #tpu.memory_space<semaphore_mem>>)
    %add3A_46 = arith.constant 4080 : i32
    %add3A_47 = arith.addi %mul3A_2, %add3A_46 : i32
    %mul3A_48 = arith.constant 32 : i32
    %mul3A_49 = arith.muli %add3A_47, %mul3A_48 : i32
    %dma_wait3A_50 = arith.constant 512 : i32
    %dma_wait3A_51 = tpu.memref_slice %arg19[%dma_wait3A_50] : memref<1024xf32, #tpu.memory_space<vmem>> -> memref<512xf32, #tpu.memory_space<vmem>>
    %dma_wait3A_52 = tpu.memref_slice %arg9[%mul3A_49] : memref<4194304xf32, #tpu.memory_space<hbm>> -> memref<512xf32, #tpu.memory_space<hbm>>
    %dma_wait3A_53 = tpu.memref_slice %arg9[%mul3A_49] : memref<4194304xf32, #tpu.memory_space<hbm>> -> memref<512xf32, #tpu.memory_space<hbm>>
    %dma_wait3A_54 = arith.constant 512 : i32
    %dma_wait3A_55 = tpu.memref_slice %arg19[%dma_wait3A_54] : memref<1024xf32, #tpu.memory_space<vmem>> -> memref<512xf32, #tpu.memory_space<vmem>>
    tpu.wait_dma2 semaphore(%arg22 : memref<!tpu.dma_semaphore, #tpu.memory_space<semaphore_mem>>) src(%dma_wait3A_55 : memref<512xf32, #tpu.memory_space<vmem>>) dst(%dma_wait3A_53 : memref<512xf32, #tpu.memory_space<hbm>>)
    return
  }
}

</mosaic_0001>

<sc_bundles>
// kernel: _run.3.cloned.1.call-start
scs
__scs_entry_jumppad:
0x0: {  	(pc) =	sbr.rel $0x88, $3  }
0x1: {  	(tag) =	ssettag $0x0;
	lr =	simm.s32 $0x1  }
0x2: {  	[smem:$0x3F9A] =	sst lr;
	_ =	strace $0xD0000000  }
0x3: {  	_ = 	snop  }
0x4: {  	_ = 	snop  }
0x5: {  	_ = 	snop  }
0x6: {  	_ = 	snop  }
0x7: {  	_ = 	snop  }
__scs_overlays_trampoline_lowered:
0x8: {  	[smem:$0x3FA9] =	sst s0  }
0x9: {  	[smem:$0x3FAA] =	sst s1  }
0xa: {  	[smem:$0x3FAB] =	sst s2  }
0xb: {  	[smem:$0x3FAC] =	sst s3  }
0xc: {  	[smem:$0x3FAD] =	sst s4  }
0xd: {  	[smem:$0x3FAE] =	sst s5  }
0xe: {  	[smem:$0x3FAF] =	sst s6  }
0xf: {  	[smem:$0x3FB0] =	sst s7  }
0x10: {  	[smem:$0x3FB1] =	sst s8  }
0x11: {  	[smem:$0x3FB2] =	sst s9;
	s0 =	simm.s32 @!p0 $0x0  }
0x12: {  	s1 =	sld [smem:$0x3F98];
	s0 =	simm.s32 @p0 $0x1  }
0x13: {  	[smem:$0x3FB3] =	sst s0;
	s0 =	simm.s32 @!p1 $0x0  }
0x14: {  	s2 =	sld [smem:$0x3F97];
	s0 =	simm.s32 @p1 $0x1  }
0x15: {  	[smem:$0x3FB4] =	sst s0;
	s0 =	simm.s32 @!p2 $0x0  }
0x16: {  	s3 =	sld [smem:$0x3FDB];
	s0 =	simm.s32 @p2 $0x1  }
0x17: {  	s4 =	simm.s32 $0x1BF5;
	[smem:$0x3FB6] =	sst s0  }
0x18: {  	s0 =	sld [smem:$0x3F99];
	_ =	swait.ge [sflag:s4], $0x0  }
0x19: {  	s7 =	sld [smem:$0x3F9A]  }
0x1a: {  	s8 =	sadd.s32 $0xFFFFE003, lr  }
0x1b: {  	s9 =	sadd.s32 $0xFFFFFEF7, lr;
	s5 =	simm.s32 $0xFFFFFFFF;
	p2 =	slt.u32 s8, $0xFFFFF086  }
0x1c: {  	p1 =	slt.u32 s9, $0xF7A;
	s5 =	simm.s32 @!p2 $0x0  }
0x1d: {  	s5 =	simm.s32 @p1 $0x1;
	p0 =	seq.s32 s7, s2  }
0x1e: {  	s7 =	smul.u32 @!p0 $0xF7A, s2;
	p2 =	seq.s32 @!p0 s5, $0x0  }
0x1f: {  	s9 =	smul.u32 $0xF7A, s1;
	s8 =	simm.s32 @!p0 $0x1BF5;
	p2 =	por !p2, p0  }
0x20: {  	[sflag:s8] =	ssyncset.s32 @!p0 $0xFFFFF086;
	s6 =	sadd.s32 @!p0 s3, s7;
	s7 =	simm.s32 @!p0 $0x108  }
0x21: {  	s3 =	sadd.s32 s3, s9;
	s6 =	sadd.s32 @!p0 $0x88, s6;
	s7 =	simm.s32 @p2 $0x1082  }
0x22: {  	[simem:s7], [sflag:s8] =	dma.local @!p0 [hbm:s6], $0xF7A  }
0x23: {  	s9 =	sor.u32 $0xD0000000, s2;
	s6 =	simm.s32 $0x108;
	_ =	swait.ge @!p0 [sflag:s8], $0x0  }
0x24: {  	s3 =	sadd.s32 $0x88, s3;
	s6 =	simm.s32 @!p1 $0x1082;
	[sflag:s4] =	ssyncset.s32 $0xFFFFF086  }
0x25: {  	[simem:s6], [sflag:s4] =	dma.local [hbm:s3], $0xF7A  }
0x26: {  	[smem:$0x3F9A] =	sst s1;
	(tag) =	ssettag s2;
	_ =	strace s9  }
0x27: {  	s1 =	sld [smem:$0x3FAA]  }
0x28: {  	s2 =	sld [smem:$0x3FAB]  }
0x29: {  	s4 =	sld [smem:$0x3FAD]  }
0x2a: {  	p0 =	seq.s32 s5, $0x0;
	s5 =	sld [smem:$0x3FAE]  }
0x2b: {  	s6 =	sld [smem:$0x3FAF]  }
0x2c: {  	s7 =	sld [smem:$0x3FB0]  }
0x2d: {  	s3 =	simm.s32 $0x108;
	s8 =	sld [smem:$0x3FB1]  }
0x2e: {  	s3 =	simm.s32 @!p0 $0x1082;
	s9 =	sld [smem:$0x3FB2]  }
0x2f: {  	lr =	sadd.s32 s0, s3;
	s0 =	sld [smem:$0x3FA9]  }
0x30: {  	s3 =	sld [smem:$0x3FAC]  }
0x31: {  	[smem:$0x3FB5] =	sst s10  }
0x32: {  	s10 =	sld [smem:$0x3FB3];
	_ =	sdelay $0x3  }
0x33: {  	p0 =	seq.s32 s10, $0x1;
	s10 =	sld [smem:$0x3FB5];
	_ =	sdelay $0x3  }
0x34: {  	[smem:$0x3FB5] =	sst s10  }
0x35: {  	s10 =	sld [smem:$0x3FB4];
	_ =	sdelay $0x3  }
0x36: {  	p1 =	seq.s32 s10, $0x1;
	s10 =	sld [smem:$0x3FB5];
	_ =	sdelay $0x3  }
0x37: {  	[smem:$0x3FB5] =	sst s10  }
0x38: {  	s10 =	sld [smem:$0x3FB6]  }
0x39: {  	_ = 	snop;
	(pc) =	sbr.ind lr, $3  }
0x3a: {  	_ = 	snop  }
0x3b: {  	_ = 	snop  }
0x3c: {  	p2 =	seq.s32 s10, $0x1;
	s10 =	sld [smem:$0x3FB5]  }
0x3d: {  	_ =	shalt  }
0x3e: {  	_ =	shalt  }
0x3f: {  	_ =	shalt  }
0x40: {  	_ =	shalt  }
0x41: {  	_ =	shalt  }
0x42: {  	_ =	shalt  }
0x43: {  	_ =	shalt  }
0x44: {  	_ =	shalt  }
0x45: {  	_ =	shalt  }
0x46: {  	_ =	shalt  }
0x47: {  	_ =	shalt  }
0x48: {  	_ =	shalt  }
0x49: {  	_ =	shalt  }
0x4a: {  	_ =	shalt  }
0x4b: {  	_ =	shalt  }
0x4c: {  	_ =	shalt  }
0x4d: {  	_ =	shalt  }
0x4e: {  	_ =	shalt  }
0x4f: {  	_ =	shalt  }
0x50: {  	_ =	shalt  }
0x51: {  	_ =	shalt  }
0x52: {  	_ =	shalt  }
0x53: {  	_ =	shalt  }
0x54: {  	_ =	shalt  }
0x55: {  	_ =	shalt  }
0x56: {  	_ =	shalt  }
0x57: {  	_ =	shalt  }
0x58: {  	_ =	shalt  }
0x59: {  	_ =	shalt  }
0x5a: {  	_ =	shalt  }
0x5b: {  	_ =	shalt  }
0x5c: {  	_ =	shalt  }
0x5d: {  	_ =	shalt  }
0x5e: {  	_ =	shalt  }
0x5f: {  	_ =	shalt  }
0x60: {  	_ =	shalt  }
0x61: {  	_ =	shalt  }
0x62: {  	_ =	shalt  }
0x63: {  	_ =	shalt  }
0x64: {  	_ =	shalt  }
0x65: {  	_ =	shalt  }
0x66: {  	_ =	shalt  }
0x67: {  	_ =	shalt  }
0x68: {  	_ =	shalt  }
0x69: {  	_ =	shalt  }
0x6a: {  	_ =	shalt  }
0x6b: {  	_ =	shalt  }
0x6c: {  	_ =	shalt  }
0x6d: {  	_ =	shalt  }
0x6e: {  	_ =	shalt  }
0x6f: {  	_ =	shalt  }
0x70: {  	_ =	shalt  }
0x71: {  	_ =	shalt  }
0x72: {  	_ =	shalt  }
0x73: {  	_ =	shalt  }
0x74: {  	_ =	shalt  }
0x75: {  	_ =	shalt  }
0x76: {  	_ =	shalt  }
0x77: {  	_ =	shalt  }
0x78: {  	_ =	shalt  }
0x79: {  	_ =	shalt  }
0x7a: {  	_ =	shalt  }
0x7b: {  	_ =	shalt  }
0x7c: {  	_ =	shalt  }
0x7d: {  	_ =	shalt  }
0x7e: {  	_ =	shalt  }
0x7f: {  	_ =	shalt  }
0x80: {  	_ =	shalt  }
0x81: {  	_ =	shalt  }
0x82: {  	_ =	shalt  }
0x83: {  	_ =	shalt  }
0x84: {  	_ =	shalt  }
0x85: {  	_ =	shalt  }
0x86: {  	_ =	shalt  }
0x87: {  	_ =	shalt  }
.Lfunc_end0:
.L_simem_size_0:
called_computation_lowered:
.L_overlay_start_0:
0x88: {  	s2 =	sld [smem:$0x3FD9]  }
0x89: {  	s3 =	sld [smem:$0x3FFE];
	_ =	sdelay $0x1  }
0x8a: {  	s1 =	srdreg.scid  }
0x8b: {  	s0 =	sand.u32 $0x1, s1  }
0x8c: {  	s18 =	sshll.u32 s0, $0xA;
	s2 =	sadd.s32 s3, s2  }
0x8d: {  	s2 =	sadd.s32 s2, s18  }
0x8e: {  	[smem:$0x3FC1] =	sst s2  }
0x8f: {  	_ = 	snop  }
0x90: {  	s2 =	sld [smem:$0x3FC9]  }
0x91: {  	s19 =	sld [smem:$0x3FC8]  }
0x92: {  	s4 =	sld [smem:$0x3FC7]  }
0x93: {  	s5 =	sld [smem:$0x3FC6]  }
0x94: {  	s6 =	sld [smem:$0x3FC5]  }
0x95: {  	s7 =	sld [smem:$0x3FC4]  }
0x96: {  	s8 =	sld [smem:$0x3FC3]  }
0x97: {  	s9 =	sld [smem:$0x3FD0];
	(tm) =	ssettm $0x1  }
0x98: {  	s10 =	sld [smem:$0x3FFB];
	_ =	sdelay $0x3  }
0x99: {  	_ =	strace s10  }
0x9a: {  	s10 =	sld [smem:$0x3FFC];
	_ =	sdelay $0x3  }
0x9b: {  	_ =	strace s10  }
0x9c: {  	s10 =	sld [smem:$0x3FFD];
	_ =	sdelay $0x3  }
0x9d: {  	_ =	strace s10  }
0x9e: {  	_ =	strace $0x8FFFFFFF  }
0x9f: {  	s20 =	sld [smem:$0x3FDB];
	_ =	sdelay $0x1  }
0xa0: {  	s11 =	simm.s32 $_scs_section_size  }
0xa1: {  	s12 =	simm.s32 $_size__tile_overlayer_lowered;
	s13 =	simm.s32 $_tile_overlayer_lowered  }
0xa2: {  	s23 =	simm.s32 $0x1BFF;
	s22 =	sshll.u32 s13, $0x1;
	s10 =	sadd.s32 s11, s20  }
0xa3: {  	s14 =	simm.s32 $0x0;
	s21 =	sshll.u32 s12, $0x1;
	s12 =	sadd.s32 s22, s10  }
0xa4: {  	[timem:s14], [sflag:s23] =	dma.local [hbm:s12], s21  }
0xa5: {  	_ =	swait.ge [sflag:s23], s21  }
0xa6: {  	s11 =	ssub.s32 $0x0, s21;
	[sflag:s23] =	ssyncset.done $0x0  }
0xa7: {  	[sflag:s23] =	ssyncadd.s32 s11;
	_ =	sdelay $0x1  }
0xa8: {  	s24 =	simm.s32 $0x1B8B  }
0xa9: {  	_ =	swait.ge [sflag:s24], $0x1  }
0xaa: {  	[sflag:s24] =	ssyncset.done $0x0  }
0xab: {  	s25 =	simm.s32 $0x1B8E;
	[sflag:s24] =	ssyncadd.s32 $0xFFFFFFFF  }
0xac: {  	s26 =	simm.s32 $execute0_lowered;
	[smem:$0x3FD2] =	sst s25  }
0xad: {  	s11 =	sshll.u32 s26, $0x1;
	_ =	strace $0x80000046;
	[dreg:$0x1] =	wrdreg $0xFFFFFFFF  }
0xae: {  	s28 =	simm.s32 $_size_execute0_lowered;
	s10 =	sadd.s32 s10, s11;
	[dreg:$0x0] =	wrdreg $0x0  }
0xaf: {  	s11 =	sshll.u32 s28, $0x1;
	[dreg:$0x2] =	wrdreg s10  }
0xb0: {  	[dreg:$0x3] =	wrdreg s11  }
0xb1: {  	[dreg:$0x4] =	wrdreg $0xC0  }
0xb2: {  	_ =	task [dreg:s14], $0x5FFFF  }
0xb3: {  	[dreg:$0x1] =	wrdreg $0xFFFFFFFF  }
0xb4: {  	[dreg:$0x0] =	wrdreg $0x60  }
0xb5: {  	[dreg:$0x2] =	wrdreg s2  }
0xb6: {  	[dreg:$0x3] =	wrdreg s19  }
0xb7: {  	[dreg:$0x4] =	wrdreg s4  }
0xb8: {  	[dreg:$0x5] =	wrdreg s5  }
0xb9: {  	[dreg:$0x6] =	wrdreg s6  }
0xba: {  	[dreg:$0x7] =	wrdreg s7  }
0xbb: {  	[dreg:$0x8] =	wrdreg s8  }
0xbc: {  	[dreg:$0x9] =	wrdreg s9  }
0xbd: {  	[dreg:$0xa] =	wrdreg $0x9  }
0xbe: {  	_ =	task.clear_ibuf [dreg:s14], $0xBFFFF;
	_ =	strace $0x90000046  }
0xbf: {  	s29 =	simm.s32 $0x9;
	_ =	strace $0x80000048  }
0xc0: {  	_ =	swait.ge [sflag:s29], $0x1  }
0xc1: {  	[sflag:s29] =	ssyncadd.s32 $0xFFFFFFFF  }
0xc2: {  	_ =	strace $0x90000048  }
0xc3: {  	_ =	sfence  }
0xc4: {  	s30 =	sld [smem:$0x0];
	_ =	sdelay $0x2  }
0xc5: {  	s31 =	sshll.u32 s1, $0xD;
	s1 =	sshrl.u32 s1, $0x2  }
0xc6: {  	s3 =	sand.u32 $0x4000, s31;
	s1 =	sadd.s32 s1, s30  }
0xc7: {  	s0 =	sor.u32 s3, s0;
	s1 =	sshll.u32 s1, $0x11  }
0xc8: {  	s0 =	sor.u32 s1, s0  }
0xc9: {  	s0 =	sadd.s32 $0x8F2B, s0  }
0xca: {  	[sflag:s0] =	ssyncadd.remote.s32 $0x1  }
0xcb: {  	_ =	sfence.sel $0xFFFF  }
0xcc: {  	[dreg:$0x0] =	wrdreg $0xFFFFFFFF;
	(pc) =	sbr.abs _section_cstart, $3  }
0xcd: {  	[dreg:$0x1] =	wrdreg $0xFFFFFFFF  }
0xce: {  	_ =	task.clear_ibuf [dreg:s14], $0x2FFFF;
	_ =	strace $0x9FFFFFFF  }
0xcf: {  	(tm) =	ssettm $0x7FFFFFFF  }
tec
execute0_lowered:
.L_overlay_start_1:
0x0: {  	(tag) =	ssettag $0x1  }
0x1: {  	s2 =	rddreg [dreg:$0x0]  }
0x2: {  	s3 =	rddreg [dreg:$0x1]  }
0x3: {  	s0 =	rddreg [dreg:$0x2]  }
0x4: {  	s1 =	rddreg [dreg:$0x3]  }
0x5: {  	s7 =	rddreg [dreg:$0x7]  }
0x6: {  	s4 =	srdreg.scid;
	s5 =	stileid.u32;
	s8 =	simm.s32 $0x0  }
0x7: {  	s15 =	simm.s32 $0x4;
	s16 =	simm.s32 $0x3000;
	s17 =	simm.s32 $0x4000  }
0x8: {  	s18 =	simm.s32 $0x4C00;
	s19 =	simm.s32 $0x4D00;
	s20 =	simm.s32 $0x80  }
0x9: {  	s21 =	simm.s32 $0x1;
	s22 =	simm.s32 $0x9300;
	s23 =	simm.s32 $0x2  }
0xa: {  	s24 =	simm.s32 $0x3;
	s25 =	simm.s32 $0x9500;
	s26 =	simm.s32 $0x0  }
0xb: {  	s4 =	sand.u32 $0x1, s4;
	s5 =	sshll.u32 s5, $0x1;
	[smem:$0x7FF] =	sst s8  }
0xc: {  	s9 =	ssub.s32 $0x2, s4;
	s4 =	sor.u32 s4, s5;
	_ =	strace $0x80000047  }
0xd: {  	v0 =	vlaneseq.u32;
	s29 =	sshrl.u32 s9, $0x1;
	s10 =	smul.u32 $0x600, s4;
	s30 =	sshll.u32 s4, $0x9  }
0xe: {  	v1 =	vmul.u32 $0x3, v0;
	s11 =	sshll.u32 s4, $0xE;
	s31 =	sshll.u32 s4, $0x11;
	s5 =	ssub.s32 s9, s29  }
0xf: {  	s11 =	sadd.s32 s7, s11;
	s12 =	sadd.s32 $0xFFFFFE00, s31;
	s9 =	sadd.s32 s2, s10  }
0x10: {  	v2 =	vadd.s32 $0x1, v1;
	v3 =	vadd.s32 $0x2, v1;
	s10 =	sadd.s32 s3, s30;
	s13 =	sadd.s32 $0x3FC0, s11;
	s14 =	smax.u32 s5, $0x1  }
.LBB2_1:
0x11: {  	[tilespmem:s8], [sflag:$0x4] =	stream.linear.gather [hbm4b:s9+s8], $0x3000, $0x38;
	[tilespmem:$0x9700] =	vst v63  }
0x12: {  	_ =	swait.ge [sflag:s15], $0x3000  }
0x13: {  	[sflag:s15] =	ssyncset.done $0x0  }
0x14: {  	[sflag:s15] =	ssyncadd.s32 $0xFFFFD000  }
0x15: {  	[tilespmem:s16], [sflag:$0x4] =	stream.linear.gather [hbm4b:s10+s8], $0x1000, $0x38;
	[tilespmem:$0x9700] =	vst v63  }
0x16: {  	_ =	swait.ge [sflag:s15], $0x1000  }
0x17: {  	[sflag:s15] =	ssyncset.done $0x0  }
0x18: {  	[sflag:s15] =	ssyncadd.s32 $0xFFFFF000  }
0x19: {  	s2 =	rddreg [dreg:$0x4]  }
0x1a: {  	[tilespmem:s17], [sflag:$0x4] =	stream.linear.gather [hbm4b:s2+s8], $0xC00, $0x38;
	[tilespmem:$0x9700] =	vst v63  }
0x1b: {  	_ =	swait.ge [sflag:s15], $0xC00  }
0x1c: {  	[sflag:s15] =	ssyncset.done $0x0  }
0x1d: {  	[sflag:s15] =	ssyncadd.s32 $0xFFFFF400  }
0x1e: {  	s30 =	rddreg [dreg:$0x5]  }
0x1f: {  	[tilespmem:s18], [sflag:$0x4] =	stream.linear.gather [hbm4b:s30+s8], $0x100, $0x38;
	[tilespmem:$0x9700] =	vst v63  }
0x20: {  	_ =	swait.ge [sflag:s15], $0x100  }
0x21: {  	[sflag:s15] =	ssyncset.done $0x0  }
0x22: {  	[sflag:s15] =	ssyncadd.s32 $0xFFFFFF00  }
0x23: {  	s31 =	rddreg [dreg:$0x6]  }
0x24: {  	[tilespmem:s19], [sflag:$0x4] =	stream.linear.gather [hbm4b:s31+s8], $0x600, $0x38;
	[tilespmem:$0x9700] =	vst v63  }
0x25: {  	_ =	swait.ge [sflag:s15], $0x600  }
0x26: {  	[sflag:s15] =	ssyncset.done $0x0  }
0x27: {  	s28 =	simm.s32 $0x0;
	[sflag:s15] =	ssyncadd.s32 $0xFFFFFA00  }
.LBB2_2:
0x28: {  	s2 =	smul.u32 $0x60, s28;
	s29 =	sshll.u32 s28, $0x7  }
0x29: {  	s3 =	sshrl.u32 s29, $0x2  }
0x2a: {  	v4 =	vadd.s32 s2, v1;
	v5 =	vld [tilespmem:s3+$0x3000]  }
0x2b: {  	v6 =	vadd.s32 s2, v2  }
0x2c: {  	v7 =	vadd.s32 s2, v3;
	_ =	sdelay $0x1  }
0x2d: {  	s2 =	simm.s32 $0x0  }
0x2e: {  	v4 =	vld.idx.msk [tilespmem:v4+s2+$0x0], $0xffff;
	v5 =	vmul.u32 $0x30, v5  }
0x2f: {  	v6 =	vld.idx.msk [tilespmem:v6+s2+$0x0], $0xffff  }
0x30: {  	s30 =	simm.s32 $0xFFFFFFFE;
	s31 =	simm.s32 $0x4C10;
	s4 =	simm.s32 $0x4D60;
	v7 =	vld.idx.msk [tilespmem:v7+s2+$0x0], $0xffff;
	v8 =	vor.u32 $0x1, v5;
	v9 =	vor.u32 $0x2, v5  }
.LBB2_3:
0x31: {  	v10 =	vld [tilespmem:s4+$0xFFFFFFE0];
	_ =	sdelay $0x4  }
0x32: {  	v11 =	vadd.s32 v5, v10  }
0x33: {  	v12 =	vadd.s32 v10, v8  }
0x34: {  	v10 =	vadd.s32 v10, v9;
	_ =	sdelay $0x1  }
0x35: {  	v13 =	vld [tilespmem:s31+$0xFFFFFFF0]  }
0x36: {  	v11 =	vld.idx.msk [tilespmem:v11+s17+$0x0], $0xffff  }
0x37: {  	v12 =	vld.idx.msk [tilespmem:v12+s17+$0x0], $0xffff  }
0x38: {  	v10 =	vld.idx.msk [tilespmem:v10+s17+$0x0], $0xffff;
	_ =	sdelay $0x1  }
0x39: {  	v14 =	vmul.f32 v13, v4  }
0x3a: {  	v49 =	vmul.f32 v13, v6;
	v13 =	vmul.f32 v13, v7  }
0x3b: {  	v11 =	vadd.f32 v11, v14  }
0x3c: {  	v51 =	vld [tilespmem:s4+$0xFFFFFFA0];
	v12 =	vadd.f32 v12, v49;
	v10 =	vadd.f32 v10, v13  }
0x3d: {  	v15 =	vld [tilespmem:s4+$0xFFFFFFB0];
	v50 =	vtrunc.f32 v11  }
0x3e: {  	v18 =	vld [tilespmem:s4+$0xFFFFFFC0];
	v16 =	vtrunc.f32 v12;
	v17 =	vtrunc.f32 v10  }
0x3f: {  	v13 =	vcvt.f32.s32 v50;
	v16 =	vcvt.f32.s32 v16  }
0x40: {  	v17 =	vcvt.f32.s32 v17  }
0x41: {  	v19 =	vcvt.s32.f32 v13;
	v20 =	vcvt.s32.f32 v16  }
0x42: {  	v21 =	vcvt.s32.f32 v17;
	v13 =	vmul.u32 v13, v51;
	v16 =	vmul.u32 v16, v15  }
0x43: {  	v17 =	vmul.u32 v17, v18;
	v11 =	vsub.f32 v11, v19  }
0x44: {  	v52 =	vld [tilespmem:s4+$0xFFFFFFD0];
	v12 =	vsub.f32 v12, v20;
	v10 =	vsub.f32 v10, v21;
	v22 =	vxor.u32 v13, v16  }
0x45: {  	v18 =	vadd.s32 v18, v17;
	v15 =	vadd.s32 v15, v16;
	v24 =	vxor.u32 v17, v22  }
0x46: {  	v22 =	vxor.u32 v22, v18;
	v55 =	vxor.u32 v13, v15;
	v53 =	vsub.f32 $1.000000000e+00, v11  }
0x47: {  	v13 =	vadd.s32 v51, v13;
	v54 =	vsub.f32 $1.000000000e+00, v12;
	v23 =	vsub.f32 $1.000000000e+00, v10  }
0x48: {  	v24 =	vand.u32 $0x7FFFF, v24;
	v22 =	vand.u32 $0x7FFFF, v22;
	v56 =	vxor.u32 v17, v55  }
0x49: {  	s3 =	sshra.s32 s2, $0x2;
	v58 =	vxor.u32 v18, v55;
	v16 =	vxor.u32 v16, v13;
	v24 =	vadd.s32 v52, v24  }
0x4a: {  	v22 =	vadd.s32 v52, v22;
	v57 =	vand.u32 $0x7FFFF, v56;
	v61 =	vxor.u32 v17, v16;
	[tilespmem:s3+$0x5300] =	vst v24  }
0x4b: {  	v16 =	vxor.u32 v16, v18;
	[tilespmem:s3+$0x5310] =	vst v22;
	v14 =	vadd.s32 v52, v57;
	v22 =	vand.u32 $0x7FFFF, v58  }
0x4c: {  	v25 =	vmul.f32 v54, v53;
	v62 =	vand.u32 $0x7FFFF, v61;
	[tilespmem:s3+$0x5320] =	vst v14;
	v60 =	vadd.s32 v52, v22  }
0x4d: {  	v16 =	vand.u32 $0x7FFFF, v16;
	v14 =	vadd.s32 v52, v62;
	[tilespmem:s3+$0x5330] =	vst v60  }
0x4e: {  	v20 =	vmul.f32 v12, v53;
	v22 =	vadd.s32 v52, v16;
	v26 =	vmul.f32 v23, v25;
	[tilespmem:s3+$0x5340] =	vst v14  }
0x4f: {  	v25 =	vmul.f32 v25, v10;
	[tilespmem:s3+$0x5350] =	vst v22  }
0x50: {  	v21 =	vmul.f32 v54, v11;
	v59 =	vmul.f32 v23, v20;
	[tilespmem:s3+$0x6300] =	vst v26  }
0x51: {  	v20 =	vmul.f32 v10, v20;
	[tilespmem:s3+$0x6310] =	vst v25  }
0x52: {  	v11 =	vmul.f32 v12, v11;
	v63 =	vmul.f32 v23, v21;
	[tilespmem:s3+$0x6320] =	vst v59  }
0x53: {  	v24 =	vmul.f32 v21, v10;
	[tilespmem:s3+$0x6330] =	vst v20  }
0x54: {  	v13 =	vxor.u32 v13, v15;
	v27 =	vmul.f32 v23, v11;
	[tilespmem:s3+$0x6340] =	vst v63  }
0x55: {  	v10 =	vmul.f32 v10, v11;
	v25 =	vxor.u32 v17, v13;
	[tilespmem:s3+$0x6350] =	vst v24  }
0x56: {  	v13 =	vxor.u32 v18, v13;
	[tilespmem:s3+$0x6360] =	vst v27;
	v26 =	vand.u32 $0x7FFFF, v25  }
0x57: {  	[tilespmem:s3+$0x6370] =	vst v10;
	v28 =	vand.u32 $0x7FFFF, v13;
	v12 =	vadd.s32 v52, v26  }
0x58: {  	[tilespmem:s3+$0x5360] =	vst v12;
	v12 =	vadd.s32 v52, v28  }
0x59: {  	s5 =	sadd.s32 $0x5300, s3;
	s6 =	sadd.s32 $0x7300, s3;
	[tilespmem:s3+$0x5370] =	vst v12  }
0x5a: {  	[tilespmem:s6], [sflag:$0x1] =	stream.indirect.gather [hbm4b:s0+s20], $0x1, s5, s20, $0xb8;
	[tilespmem:$0x9700] =	vst v63  }
0x5b: {  	s6 =	sadd.s32 $0x8300, s3  }
0x5c: {  	[tilespmem:s6], [sflag:$0x1] =	stream.indirect.gather [hbm4b:s1+s20], $0x1, s5, s20, $0xb8;
	[tilespmem:$0x9700] =	vst v63  }
0x5d: {  	v10 =	vld [tilespmem:s4+$0x40];
	_ =	sdelay $0x4  }
0x5e: {  	v11 =	vadd.s32 v5, v10  }
0x5f: {  	v29 =	vadd.s32 v10, v8  }
0x60: {  	v10 =	vadd.s32 v10, v9;
	_ =	sdelay $0x1  }
0x61: {  	v30 =	vld [tilespmem:s31+$0x0]  }
0x62: {  	v11 =	vld.idx.msk [tilespmem:v11+s17+$0x0], $0xffff  }
0x63: {  	v12 =	vld.idx.msk [tilespmem:v29+s17+$0x0], $0xffff  }
0x64: {  	v10 =	vld.idx.msk [tilespmem:v10+s17+$0x0], $0xffff;
	_ =	sdelay $0x1  }
0x65: {  	v31 =	vmul.f32 v30, v4  }
0x66: {  	v32 =	vmul.f32 v30, v6;
	v13 =	vmul.f32 v30, v7  }
0x67: {  	v11 =	vadd.f32 v11, v31  }
0x68: {  	v34 =	vld [tilespmem:s4+$0x0];
	v12 =	vadd.f32 v12, v32;
	v10 =	vadd.f32 v10, v13  }
0x69: {  	v15 =	vld [tilespmem:s4+$0x10];
	v33 =	vtrunc.f32 v11  }
0x6a: {  	v37 =	vld [tilespmem:s4+$0x20];
	v35 =	vtrunc.f32 v12;
	v36 =	vtrunc.f32 v10  }
0x6b: {  	v13 =	vcvt.f32.s32 v33;
	v16 =	vcvt.f32.s32 v35  }
0x6c: {  	v17 =	vcvt.f32.s32 v36  }
0x6d: {  	v38 =	vcvt.s32.f32 v13;
	v39 =	vcvt.s32.f32 v16  }
0x6e: {  	v40 =	vcvt.s32.f32 v17;
	v13 =	vmul.u32 v13, v34;
	v16 =	vmul.u32 v16, v15  }
0x6f: {  	v17 =	vmul.u32 v17, v37;
	v11 =	vsub.f32 v11, v38  }
0x70: {  	v12 =	vsub.f32 v12, v39;
	v10 =	vsub.f32 v10, v40;
	v44 =	vxor.u32 v13, v16  }
0x71: {  	v41 =	vld [tilespmem:s4+$0x30];
	v18 =	vadd.s32 v37, v17;
	v15 =	vadd.s32 v15, v16;
	v46 =	vxor.u32 v17, v44  }
0x72: {  	v22 =	vxor.u32 v44, v18;
	v49 =	vxor.u32 v13, v15;
	v42 =	vsub.f32 $1.000000000e+00, v11  }
0x73: {  	v13 =	vadd.s32 v34, v13;
	v43 =	vsub.f32 $1.000000000e+00, v12;
	v45 =	vsub.f32 $1.000000000e+00, v10  }
0x74: {  	v24 =	vand.u32 $0x7FFFF, v46;
	v22 =	vand.u32 $0x7FFFF, v22;
	v50 =	vxor.u32 v17, v49  }
0x75: {  	v52 =	vxor.u32 v18, v49;
	v16 =	vxor.u32 v16, v13;
	v13 =	vxor.u32 v13, v15  }
0x76: {  	v24 =	vadd.s32 v41, v24;
	v22 =	vadd.s32 v41, v22;
	v51 =	vand.u32 $0x7FFFF, v50  }
0x77: {  	v55 =	vxor.u32 v17, v16;
	v16 =	vxor.u32 v16, v18;
	v60 =	vxor.u32 v17, v13;
	[tilespmem:s3+$0x5380] =	vst v24  }
0x78: {  	v13 =	vxor.u32 v18, v13;
	[tilespmem:s3+$0x5390] =	vst v22;
	v14 =	vadd.s32 v41, v51;
	v22 =	vand.u32 $0x7FFFF, v52  }
0x79: {  	v47 =	vmul.f32 v43, v42;
	v56 =	vand.u32 $0x7FFFF, v55;
	[tilespmem:s3+$0x53A0] =	vst v14;
	v54 =	vadd.s32 v41, v22  }
0x7a: {  	v20 =	vmul.f32 v12, v42;
	v16 =	vand.u32 $0x7FFFF, v16;
	v14 =	vadd.s32 v41, v56;
	[tilespmem:s3+$0x53B0] =	vst v54  }
0x7b: {  	v21 =	vmul.f32 v43, v11;
	v61 =	vand.u32 $0x7FFFF, v60;
	v58 =	vadd.s32 v41, v16;
	[tilespmem:s3+$0x53C0] =	vst v14  }
0x7c: {  	v11 =	vmul.f32 v12, v11;
	v63 =	vand.u32 $0x7FFFF, v13;
	v12 =	vadd.s32 v41, v61;
	[tilespmem:s3+$0x53D0] =	vst v58  }
0x7d: {  	v48 =	vmul.f32 v45, v47;
	[tilespmem:s3+$0x53E0] =	vst v12;
	v12 =	vadd.s32 v41, v63  }
0x7e: {  	v25 =	vmul.f32 v47, v10;
	[tilespmem:s3+$0x53F0] =	vst v12  }
0x7f: {  	v53 =	vmul.f32 v45, v20;
	[tilespmem:s3+$0x6380] =	vst v48  }
0x80: {  	v20 =	vmul.f32 v10, v20;
	[tilespmem:s3+$0x6390] =	vst v25  }
0x81: {  	v57 =	vmul.f32 v45, v21;
	[tilespmem:s3+$0x63A0] =	vst v53  }
0x82: {  	v59 =	vmul.f32 v21, v10;
	[tilespmem:s3+$0x63B0] =	vst v20  }
0x83: {  	s30 =	sadd.s32 $0x2, s30;
	v62 =	vmul.f32 v45, v11;
	[tilespmem:s3+$0x63C0] =	vst v57  }
0x84: {  	p0 =	slt.u32 s30, $0xE;
	v10 =	vmul.f32 v10, v11;
	[tilespmem:s3+$0x63D0] =	vst v59  }
.Ltmp0:
0x85: {  	[tilespmem:s3+$0x63E0] =	vst v62;
	(pc) =	sbr.rel @p0 .LBB2_3-.Ltmp0, $4  }
0x86: {  	s2 =	sadd.s32 $0x400, s2;
	s5 =	sadd.s32 $0x5380, s3;
	s6 =	sadd.s32 $0x7380, s3;
	[tilespmem:s3+$0x63F0] =	vst v10  }
0x87: {  	[tilespmem:s6], [sflag:$0x1] =	stream.indirect.gather [hbm4b:s0+s20], $0x1, s5, s20, $0xb8;
	[tilespmem:$0x9700] =	vst v63  }
0x88: {  	s31 =	sadd.s32 $0x20, s31;
	s4 =	sadd.s32 $0xC0, s4;
	s3 =	sadd.s32 $0x8380, s3  }
0x89: {  	[tilespmem:s3], [sflag:$0x1] =	stream.indirect.gather [hbm4b:s1+s20], $0x1, s5, s20, $0xb8;
	[tilespmem:$0x9700] =	vst v63  }
0x8a: {  	p0 =	seq.s32 s28, $0x0  }
.Ltmp1:
0x8b: {  	_ = 	snop;
	(pc) =	sbr.rel @p0 .LBB2_8-.Ltmp1, $1  }
0x8c: {  	_ =	sdelay $0x3  }
0x8d: {  	_ =	swait.ge [sflag:s23], $0x80  }
0x8e: {  	[sflag:s23] =	ssyncset.done $0x0  }
0x8f: {  	[sflag:s23] =	ssyncadd.s32 $0xFFFFFF80  }
0x90: {  	_ =	swait.ge [sflag:s23], $0x80  }
0x91: {  	[sflag:s23] =	ssyncset.done $0x0  }
0x92: {  	[sflag:s23] =	ssyncadd.s32 $0xFFFFFF80  }
0x93: {  	_ =	swait.ge [sflag:s23], $0x80  }
0x94: {  	[sflag:s23] =	ssyncset.done $0x0  }
0x95: {  	[sflag:s23] =	ssyncadd.s32 $0xFFFFFF80  }
0x96: {  	_ =	swait.ge [sflag:s23], $0x80  }
0x97: {  	[sflag:s23] =	ssyncset.done $0x0  }
0x98: {  	[sflag:s23] =	ssyncadd.s32 $0xFFFFFF80  }
0x99: {  	_ =	swait.ge [sflag:s23], $0x80  }
0x9a: {  	[sflag:s23] =	ssyncset.done $0x0  }
0x9b: {  	[sflag:s23] =	ssyncadd.s32 $0xFFFFFF80  }
0x9c: {  	_ =	swait.ge [sflag:s23], $0x80  }
0x9d: {  	[sflag:s23] =	ssyncset.done $0x0  }
0x9e: {  	[sflag:s23] =	ssyncadd.s32 $0xFFFFFF80  }
0x9f: {  	_ =	swait.ge [sflag:s23], $0x80  }
0xa0: {  	[sflag:s23] =	ssyncset.done $0x0  }
0xa1: {  	[sflag:s23] =	ssyncadd.s32 $0xFFFFFF80  }
0xa2: {  	_ =	swait.ge [sflag:s23], $0x80  }
0xa3: {  	[sflag:s23] =	ssyncset.done $0x0  }
0xa4: {  	[sflag:s23] =	ssyncadd.s32 $0xFFFFFF80  }
0xa5: {  	_ =	swait.ge [sflag:s23], $0x80  }
0xa6: {  	[sflag:s23] =	ssyncset.done $0x0  }
0xa7: {  	[sflag:s23] =	ssyncadd.s32 $0xFFFFFF80  }
0xa8: {  	_ =	swait.ge [sflag:s23], $0x80  }
0xa9: {  	[sflag:s23] =	ssyncset.done $0x0  }
0xaa: {  	[sflag:s23] =	ssyncadd.s32 $0xFFFFFF80  }
0xab: {  	_ =	swait.ge [sflag:s23], $0x80  }
0xac: {  	[sflag:s23] =	ssyncset.done $0x0  }
0xad: {  	[sflag:s23] =	ssyncadd.s32 $0xFFFFFF80  }
0xae: {  	_ =	swait.ge [sflag:s23], $0x80  }
0xaf: {  	[sflag:s23] =	ssyncset.done $0x0  }
0xb0: {  	[sflag:s23] =	ssyncadd.s32 $0xFFFFFF80  }
0xb1: {  	_ =	swait.ge [sflag:s23], $0x80  }
0xb2: {  	[sflag:s23] =	ssyncset.done $0x0  }
0xb3: {  	[sflag:s23] =	ssyncadd.s32 $0xFFFFFF80  }
0xb4: {  	_ =	swait.ge [sflag:s23], $0x80  }
0xb5: {  	[sflag:s23] =	ssyncset.done $0x0  }
0xb6: {  	[sflag:s23] =	ssyncadd.s32 $0xFFFFFF80  }
0xb7: {  	_ =	swait.ge [sflag:s23], $0x80  }
0xb8: {  	[sflag:s23] =	ssyncset.done $0x0  }
0xb9: {  	[sflag:s23] =	ssyncadd.s32 $0xFFFFFF80  }
0xba: {  	_ =	swait.ge [sflag:s23], $0x80  }
0xbb: {  	[sflag:s23] =	ssyncset.done $0x0  }
0xbc: {  	[sflag:s23] =	ssyncadd.s32 $0xFFFFFF80  }
0xbd: {  	_ =	swait.ge [sflag:s23], $0x80  }
0xbe: {  	[sflag:s23] =	ssyncset.done $0x0  }
0xbf: {  	[sflag:s23] =	ssyncadd.s32 $0xFFFFFF80  }
0xc0: {  	_ =	swait.ge [sflag:s23], $0x80  }
0xc1: {  	[sflag:s23] =	ssyncset.done $0x0  }
0xc2: {  	[sflag:s23] =	ssyncadd.s32 $0xFFFFFF80  }
0xc3: {  	_ =	swait.ge [sflag:s23], $0x80  }
0xc4: {  	[sflag:s23] =	ssyncset.done $0x0  }
0xc5: {  	[sflag:s23] =	ssyncadd.s32 $0xFFFFFF80  }
0xc6: {  	_ =	swait.ge [sflag:s23], $0x80  }
0xc7: {  	[sflag:s23] =	ssyncset.done $0x0  }
0xc8: {  	[sflag:s23] =	ssyncadd.s32 $0xFFFFFF80  }
0xc9: {  	_ =	swait.ge [sflag:s23], $0x80  }
0xca: {  	[sflag:s23] =	ssyncset.done $0x0  }
0xcb: {  	[sflag:s23] =	ssyncadd.s32 $0xFFFFFF80  }
0xcc: {  	_ =	swait.ge [sflag:s23], $0x80  }
0xcd: {  	[sflag:s23] =	ssyncset.done $0x0  }
0xce: {  	[sflag:s23] =	ssyncadd.s32 $0xFFFFFF80  }
0xcf: {  	_ =	swait.ge [sflag:s23], $0x80  }
0xd0: {  	[sflag:s23] =	ssyncset.done $0x0  }
0xd1: {  	[sflag:s23] =	ssyncadd.s32 $0xFFFFFF80  }
0xd2: {  	_ =	swait.ge [sflag:s23], $0x80  }
0xd3: {  	[sflag:s23] =	ssyncset.done $0x0  }
0xd4: {  	[sflag:s23] =	ssyncadd.s32 $0xFFFFFF80  }
0xd5: {  	_ =	swait.ge [sflag:s23], $0x80  }
0xd6: {  	[sflag:s23] =	ssyncset.done $0x0  }
0xd7: {  	[sflag:s23] =	ssyncadd.s32 $0xFFFFFF80  }
0xd8: {  	_ =	swait.ge [sflag:s23], $0x80  }
0xd9: {  	[sflag:s23] =	ssyncset.done $0x0  }
0xda: {  	[sflag:s23] =	ssyncadd.s32 $0xFFFFFF80  }
0xdb: {  	_ =	swait.ge [sflag:s23], $0x80  }
0xdc: {  	[sflag:s23] =	ssyncset.done $0x0  }
0xdd: {  	[sflag:s23] =	ssyncadd.s32 $0xFFFFFF80  }
0xde: {  	_ =	swait.ge [sflag:s23], $0x80  }
0xdf: {  	[sflag:s23] =	ssyncset.done $0x0  }
0xe0: {  	[sflag:s23] =	ssyncadd.s32 $0xFFFFFF80  }
0xe1: {  	_ =	swait.ge [sflag:s23], $0x80  }
0xe2: {  	[sflag:s23] =	ssyncset.done $0x0  }
0xe3: {  	[sflag:s23] =	ssyncadd.s32 $0xFFFFFF80  }
0xe4: {  	_ =	swait.ge [sflag:s23], $0x80  }
0xe5: {  	[sflag:s23] =	ssyncset.done $0x0  }
0xe6: {  	[sflag:s23] =	ssyncadd.s32 $0xFFFFFF80  }
0xe7: {  	_ =	swait.ge [sflag:s23], $0x80  }
0xe8: {  	[sflag:s23] =	ssyncset.done $0x0  }
0xe9: {  	[sflag:s23] =	ssyncadd.s32 $0xFFFFFF80  }
0xea: {  	_ =	swait.ge [sflag:s23], $0x80  }
0xeb: {  	[sflag:s23] =	ssyncset.done $0x0  }
0xec: {  	[sflag:s23] =	ssyncadd.s32 $0xFFFFFF80  }
0xed: {  	_ =	swait.ge [sflag:s24], $0x200  }
0xee: {  	[sflag:s24] =	ssyncset.done $0x0  }
0xef: {  	s31 =	simm.s32 $0x6BF0;
	[sflag:s24] =	ssyncadd.s32 $0xFFFFFE00  }
0xf0: {  	s30 =	simm.s32 $0x8BF0;
	v4 =	vld [tilespmem:s31+$0xFFFFFF40]  }
0xf1: {  	s2 =	simm.s32 $0x7BF0;
	v5 =	vld [tilespmem:s30+$0xFFFFFF10]  }
0xf2: {  	v6 =	vld [tilespmem:s2+$0xFFFFFF80]  }
0xf3: {  	v7 =	vld [tilespmem:s2+$0xFFFFFF30]  }
0xf4: {  	v8 =	vld [tilespmem:s31+$0xFFFFFF30]  }
0xf5: {  	v9 =	vld [tilespmem:s30+$0xFFFFFF30]  }
0xf6: {  	v10 =	vld [tilespmem:s31+$0xFFFFFF20]  }
0xf7: {  	v11 =	vld [tilespmem:s2+$0xFFFFFF20]  }
0xf8: {  	v12 =	vld [tilespmem:s31+$0xFFFFFF10]  }
0xf9: {  	v13 =	vld [tilespmem:s2+$0xFFFFFF10]  }
0xfa: {  	v14 =	vld [tilespmem:s30+$0xFFFFFF20]  }
0xfb: {  	v15 =	vld [tilespmem:s30+$0xFFFFFF40]  }
0xfc: {  	v16 =	vld [tilespmem:s30+$0xFFFFFF50]  }
0xfd: {  	v17 =	vld [tilespmem:s30+$0xFFFFFF60]  }
0xfe: {  	v18 =	vld [tilespmem:s30+$0xFFFFFF70];
	v13 =	vmul.f32 v13, v12  }
0xff: {  	v5 =	vmul.f32 v5, v12;
	v12 =	vld [tilespmem:s2+$0xFFFFFF40]  }
0x100: {  	v19 =	vld [tilespmem:s31+$0xFFFFFF50];
	v11 =	vmul.f32 v11, v10;
	v13 =	vadd.f32 $0.0e+00, v13  }
0x101: {  	v10 =	vmul.f32 v14, v10;
	v14 =	vld [tilespmem:s2+$0xFFFFFF50];
	v5 =	vadd.f32 $0.0e+00, v5  }
0x102: {  	v7 =	vmul.f32 v7, v8;
	v8 =	vmul.f32 v9, v8;
	v9 =	vld [tilespmem:s2+$0xFFFFFF60];
	v11 =	vadd.f32 v11, v13  }
0x103: {  	v13 =	vld [tilespmem:s31+$0xFFFFFF60];
	v5 =	vadd.f32 v10, v5  }
0x104: {  	v10 =	vmul.f32 v12, v4;
	v7 =	vadd.f32 v7, v11;
	v11 =	vld [tilespmem:s31+$0xFFFFFF70]  }
0x105: {  	s3 =	simm.s32 $0x4DB0;
	v4 =	vmul.f32 v15, v4;
	v5 =	vadd.f32 v8, v5;
	v8 =	vld [tilespmem:s2+$0xFFFFFF70]  }
0x106: {  	v12 =	vld [tilespmem:s3+$0xFFFFFFA0];
	v7 =	vadd.f32 v10, v7;
	v10 =	vmul.f32 v14, v19  }
0x107: {  	v15 =	vld [tilespmem:s31+$0xFFFFFF80];
	v14 =	vmul.f32 v16, v19;
	v4 =	vadd.f32 v4, v5;
	v5 =	vmul.u32 $0x20, v0  }
0x108: {  	v9 =	vmul.f32 v9, v13;
	v7 =	vadd.f32 v10, v7;
	v10 =	vld [tilespmem:s30+$0xFFFFFF80]  }
0x109: {  	v13 =	vmul.f32 v17, v13;
	v14 =	vadd.f32 v14, v4;
	v4 =	vor.u32 $0x200, v5  }
0x10a: {  	v5 =	vor.u32 $0x201, v5;
	v8 =	vmul.f32 v8, v11;
	v7 =	vadd.f32 v9, v7  }
0x10b: {  	v16 =	vmul.f32 v18, v11;
	v11 =	vadd.s32 v4, v12;
	v9 =	vadd.f32 v13, v14  }
0x10c: {  	v6 =	vmul.f32 v6, v15;
	v12 =	vadd.s32 v5, v12;
	v7 =	vadd.f32 v8, v7  }
0x10d: {  	v8 =	vadd.f32 v16, v9;
	v9 =	vmul.f32 v10, v15  }
0x10e: {  	v6 =	vadd.f32 v6, v7  }
0x10f: {  	v7 =	vadd.f32 v9, v8  }
0x110: {  	[tilespmem:v11+s22+$0x0] =	vst.idx.msk $0xffff, v6  }
0x111: {  	[tilespmem:v12+s22+$0x0] =	vst.idx.msk $0xffff, v7  }
0x112: {  	v8 =	vld [tilespmem:s31+$0xFFFFFF90]  }
0x113: {  	v7 =	vld [tilespmem:s2+$0xFFFFFF90]  }
0x114: {  	v9 =	vld [tilespmem:s30+$0xFFFFFF90]  }
0x115: {  	v10 =	vld [tilespmem:s31+$0xFFFFFFB0]  }
0x116: {  	v11 =	vld [tilespmem:s30+$0xFFFFFFA0]  }
0x117: {  	v12 =	vld [tilespmem:s2+$0xFFFFFFB0]  }
0x118: {  	v13 =	vld [tilespmem:s30+$0xFFFFFFB0]  }
0x119: {  	v16 =	vld [tilespmem:s31+$0xFFFFFFC0]  }
0x11a: {  	v14 =	vld [tilespmem:s30+$0xFFFFFFC0]  }
0x11b: {  	v15 =	vld [tilespmem:s2+$0xFFFFFFA0]  }
0x11c: {  	v18 =	vld [tilespmem:s31+$0xFFFFFFA0]  }
0x11d: {  	v17 =	vld [tilespmem:s2+$0xFFFFFFC0]  }
0x11e: {  	v6 =	vld [tilespmem:s31+$0x0]  }
0x11f: {  	v19 =	vmul.f32 v7, v8;
	v7 =	vld [tilespmem:s30+$0xFFFFFFF0]  }
0x120: {  	v20 =	vmul.f32 v9, v8;
	v8 =	vld [tilespmem:s30+$0xFFFFFFD0]  }
0x121: {  	v9 =	vld [tilespmem:s2+$0xFFFFFFE0];
	v21 =	vmul.f32 v15, v18  }
0x122: {  	v11 =	vmul.f32 v11, v18;
	v18 =	vld [tilespmem:s2+$0xFFFFFFD0];
	v19 =	vadd.f32 $0.0e+00, v19;
	v20 =	vadd.f32 $0.0e+00, v20  }
0x123: {  	v12 =	vmul.f32 v12, v10;
	v15 =	vld [tilespmem:s31+$0xFFFFFFD0]  }
0x124: {  	v10 =	vmul.f32 v13, v10;
	v13 =	vadd.f32 v21, v19;
	v19 =	vadd.f32 v11, v20;
	v11 =	vld [tilespmem:s31+$0xFFFFFFE0]  }
0x125: {  	v20 =	vmul.f32 v14, v16;
	v14 =	vld [tilespmem:s30+$0xFFFFFFE0]  }
0x126: {  	v16 =	vmul.f32 v17, v16;
	v17 =	vadd.f32 v12, v13;
	v19 =	vadd.f32 v10, v19;
	v12 =	vld [tilespmem:s2+$0xFFFFFFF0]  }
0x127: {  	v13 =	vld [tilespmem:s31+$0xFFFFFFF0]  }
0x128: {  	s4 =	simm.s32 $0x0;
	s5 =	simm.s32 $0x4E70;
	v18 =	vmul.f32 v18, v15;
	v10 =	vld [tilespmem:s3+$0x0];
	s3 =	simm.s32 $0x8CF0;
	v17 =	vadd.f32 v16, v17;
	v16 =	vadd.f32 v20, v19  }
.LBB2_6:
0x129: {  	s4 =	sadd.s32 $0x2, s4;
	v8 =	vmul.f32 v8, v15;
	v9 =	vmul.f32 v9, v11;
	v15 =	vld [tilespmem:s2+$0x0];
	s31 =	sadd.s32 $0x100, s31;
	s2 =	sadd.s32 $0x100, s2  }
0x12a: {  	p1 =	slt.u32 s4, $0xE;
	v17 =	vadd.f32 v18, v17;
	v11 =	vmul.f32 v14, v11;
	v14 =	vld [tilespmem:s30+$0x0];
	s30 =	smov.u32 s3  }
0x12b: {  	v8 =	vadd.f32 v8, v16  }
0x12c: {  	v9 =	vadd.f32 v9, v17;
	v12 =	vmul.f32 v12, v13;
	v7 =	vmul.f32 v7, v13  }
0x12d: {  	v8 =	vadd.f32 v11, v8;
	v11 =	vadd.s32 v4, v10  }
0x12e: {  	v10 =	vadd.s32 v5, v10;
	v9 =	vadd.f32 v12, v9;
	v12 =	vmul.f32 v15, v6  }
0x12f: {  	v7 =	vadd.f32 v7, v8;
	v6 =	vmul.f32 v14, v6  }
0x130: {  	v8 =	vadd.f32 v12, v9  }
0x131: {  	v6 =	vadd.f32 v6, v7  }
0x132: {  	[tilespmem:v11+s22+$0x0] =	vst.idx.msk $0xffff, v8  }
0x133: {  	[tilespmem:v10+s22+$0x0] =	vst.idx.msk $0xffff, v6;
	_ =	sdelay $0x2  }
0x134: {  	v6 =	vld [tilespmem:s31+$0xFFFFFF40]  }
0x135: {  	v7 =	vld [tilespmem:s3+$0xFFFFFF10]  }
0x136: {  	v8 =	vld [tilespmem:s2+$0xFFFFFF80]  }
0x137: {  	v9 =	vld [tilespmem:s2+$0xFFFFFF30]  }
0x138: {  	v10 =	vld [tilespmem:s31+$0xFFFFFF30]  }
0x139: {  	v11 =	vld [tilespmem:s3+$0xFFFFFF30]  }
0x13a: {  	v12 =	vld [tilespmem:s31+$0xFFFFFF20]  }
0x13b: {  	v13 =	vld [tilespmem:s2+$0xFFFFFF20]  }
0x13c: {  	v14 =	vld [tilespmem:s31+$0xFFFFFF10]  }
0x13d: {  	v15 =	vld [tilespmem:s2+$0xFFFFFF10]  }
0x13e: {  	v16 =	vld [tilespmem:s3+$0xFFFFFF20]  }
0x13f: {  	v17 =	vld [tilespmem:s3+$0xFFFFFF40]  }
0x140: {  	v18 =	vld [tilespmem:s3+$0xFFFFFF50]  }
0x141: {  	v19 =	vld [tilespmem:s3+$0xFFFFFF60]  }
0x142: {  	v7 =	vmul.f32 v7, v14;
	v15 =	vmul.f32 v15, v14;
	v14 =	vld [tilespmem:s3+$0xFFFFFF70]  }
0x143: {  	v16 =	vmul.f32 v16, v12;
	v20 =	vld [tilespmem:s2+$0xFFFFFF40]  }
0x144: {  	v7 =	vadd.f32 $0.0e+00, v7;
	v12 =	vmul.f32 v13, v12;
	v15 =	vadd.f32 $0.0e+00, v15;
	v13 =	vld [tilespmem:s31+$0xFFFFFF50]  }
0x145: {  	v11 =	vmul.f32 v11, v10;
	v21 =	vld [tilespmem:s2+$0xFFFFFF50]  }
0x146: {  	v9 =	vmul.f32 v9, v10;
	v7 =	vadd.f32 v16, v7;
	v12 =	vadd.f32 v12, v15;
	v10 =	vld [tilespmem:s31+$0xFFFFFF60]  }
0x147: {  	v15 =	vmul.f32 v17, v6;
	v16 =	vld [tilespmem:s2+$0xFFFFFF60]  }
0x148: {  	v7 =	vadd.f32 v11, v7;
	v9 =	vadd.f32 v9, v12;
	v6 =	vmul.f32 v20, v6;
	v11 =	vld [tilespmem:s31+$0xFFFFFF70]  }
0x149: {  	v12 =	vmul.f32 v18, v13;
	v17 =	vld [tilespmem:s2+$0xFFFFFF70]  }
0x14a: {  	v7 =	vadd.f32 v15, v7;
	v18 =	vld [tilespmem:s5+$0xFFFFFFA0];
	v6 =	vadd.f32 v6, v9;
	v9 =	vmul.f32 v21, v13  }
0x14b: {  	v13 =	vmul.f32 v19, v10;
	v15 =	vld [tilespmem:s31+$0xFFFFFF80]  }
0x14c: {  	v7 =	vadd.f32 v12, v7;
	v6 =	vadd.f32 v9, v6;
	v9 =	vmul.f32 v16, v10;
	v10 =	vld [tilespmem:s3+$0xFFFFFF80]  }
0x14d: {  	v12 =	vmul.f32 v14, v11  }
0x14e: {  	v7 =	vadd.f32 v13, v7;
	v6 =	vadd.f32 v9, v6;
	v9 =	vmul.f32 v17, v11  }
0x14f: {  	v11 =	vadd.s32 v4, v18;
	v13 =	vadd.s32 v5, v18  }
0x150: {  	v7 =	vadd.f32 v12, v7;
	v6 =	vadd.f32 v9, v6;
	v8 =	vmul.f32 v8, v15  }
0x151: {  	v9 =	vmul.f32 v10, v15  }
0x152: {  	v6 =	vadd.f32 v8, v6  }
0x153: {  	v7 =	vadd.f32 v9, v7  }
0x154: {  	[tilespmem:v11+s22+$0x0] =	vst.idx.msk $0xffff, v6  }
0x155: {  	[tilespmem:v13+s22+$0x0] =	vst.idx.msk $0xffff, v7  }
0x156: {  	v6 =	vld [tilespmem:s31+$0xFFFFFF90]  }
0x157: {  	v7 =	vld [tilespmem:s2+$0xFFFFFF90]  }
0x158: {  	v8 =	vld [tilespmem:s3+$0xFFFFFF90]  }
0x159: {  	v9 =	vld [tilespmem:s31+$0xFFFFFFB0]  }
0x15a: {  	v10 =	vld [tilespmem:s3+$0xFFFFFFA0]  }
0x15b: {  	v11 =	vld [tilespmem:s2+$0xFFFFFFB0]  }
0x15c: {  	v7 =	vmul.f32 v7, v6;
	v12 =	vld [tilespmem:s3+$0xFFFFFFB0]  }
0x15d: {  	v6 =	vmul.f32 v8, v6;
	v8 =	vld [tilespmem:s31+$0xFFFFFFC0]  }
0x15e: {  	v13 =	vadd.f32 $0.0e+00, v7;
	v7 =	vld [tilespmem:s3+$0xFFFFFFC0]  }
0x15f: {  	v14 =	vadd.f32 $0.0e+00, v6;
	v15 =	vld [tilespmem:s2+$0xFFFFFFC0]  }
0x160: {  	v16 =	vld [tilespmem:s2+$0xFFFFFFA0];
	v17 =	vmul.f32 v11, v9  }
0x161: {  	v11 =	vld [tilespmem:s31+$0xFFFFFFA0];
	v12 =	vmul.f32 v12, v9  }
0x162: {  	v6 =	vld [tilespmem:s31+$0x0]  }
0x163: {  	v18 =	vmul.f32 v7, v8;
	v7 =	vld [tilespmem:s3+$0xFFFFFFF0]  }
0x164: {  	v19 =	vmul.f32 v15, v8;
	v8 =	vld [tilespmem:s3+$0xFFFFFFD0]  }
0x165: {  	v9 =	vld [tilespmem:s2+$0xFFFFFFE0]  }
0x166: {  	v16 =	vmul.f32 v16, v11;
	v10 =	vmul.f32 v10, v11;
	v20 =	vld [tilespmem:s2+$0xFFFFFFD0]  }
0x167: {  	v15 =	vld [tilespmem:s31+$0xFFFFFFD0]  }
.Ltmp2:
0x168: {  	v13 =	vadd.f32 v16, v13;
	v10 =	vadd.f32 v10, v14;
	v11 =	vld [tilespmem:s31+$0xFFFFFFE0];
	(pc) =	sbr.rel @p1 .LBB2_6-.Ltmp2, $4  }
0x169: {  	v14 =	vld [tilespmem:s3+$0xFFFFFFE0]  }
0x16a: {  	v16 =	vadd.f32 v17, v13;
	v21 =	vadd.f32 v12, v10;
	v12 =	vld [tilespmem:s2+$0xFFFFFFF0]  }
0x16b: {  	v13 =	vld [tilespmem:s31+$0xFFFFFFF0]  }
0x16c: {  	s3 =	sadd.s32 $0x100, s3;
	v10 =	vld [tilespmem:s5+$0x0];
	v17 =	vadd.f32 v19, v16;
	v16 =	vadd.f32 v18, v21;
	v18 =	vmul.f32 v20, v15;
	s5 =	sadd.s32 $0xC0, s5  }
0x16d: {  	v8 =	vmul.f32 v8, v15;
	v58 =	vld [tilespmem:s2+$0x0]  }
0x16e: {  	v9 =	vmul.f32 v9, v11;
	v59 =	vld [tilespmem:s30+$0x0];
	v17 =	vadd.f32 v18, v17  }
0x16f: {  	v60 =	vmul.f32 v14, v11;
	v8 =	vadd.f32 v8, v16  }
0x170: {  	v9 =	vadd.f32 v9, v17;
	v12 =	vmul.f32 v12, v13  }
0x171: {  	v7 =	vmul.f32 v7, v13;
	v8 =	vadd.f32 v60, v8;
	v4 =	vadd.s32 v4, v10  }
0x172: {  	v5 =	vadd.s32 v5, v10;
	v9 =	vadd.f32 v12, v9;
	v61 =	vmul.f32 v58, v6  }
0x173: {  	v62 =	vmul.f32 v59, v6;
	v7 =	vadd.f32 v7, v8  }
0x174: {  	s31 =	sshll.u32 s28, $0xA;
	v63 =	vadd.f32 v61, v9  }
0x175: {  	s2 =	sadd.s32 s31, s12;
	v6 =	vadd.f32 v62, v7  }
0x176: {  	s2 =	sshrl.u32 s2, $0x3;
	[tilespmem:v4+s22+$0x0] =	vst.idx.msk $0xffff, v63  }
0x177: {  	s2 =	sadd.s32 s7, s2;
	[tilespmem:v5+s22+$0x0] =	vst.idx.msk $0xffff, v6  }
0x178: {  	[hbm4b:s2+s8] =	stream.linear.scatter [tilespmem:s25], [sflag:$0x3], $0x200, $0x38;
	[tilespmem:$0x9700] =	vst v63  }
.LBB2_8:
0x179: {  	s2 =	sshllo.u32 s28, $0x1  }
0x17a: {  	s3 =	smul.u32 $0x30, s2;
	s2 =	sshll.u32 s2, $0x4  }
0x17b: {  	s2 =	sand.u32 $0x3FFFFFF0, s2  }
0x17c: {  	v4 =	vadd.s32 s3, v1;
	v5 =	vld [tilespmem:s2+$0x3000]  }
0x17d: {  	v6 =	vadd.s32 s3, v2  }
0x17e: {  	v7 =	vadd.s32 s3, v3;
	_ =	sdelay $0x1  }
0x17f: {  	s2 =	simm.s32 $0x0  }
0x180: {  	v4 =	vld.idx.msk [tilespmem:v4+s2+$0x0], $0xffff;
	v5 =	vmul.u32 $0x30, v5  }
0x181: {  	v6 =	vld.idx.msk [tilespmem:v6+s2+$0x0], $0xffff  }
0x182: {  	s30 =	simm.s32 $0xFFFFFFFE;
	s31 =	simm.s32 $0x4C10;
	s4 =	simm.s32 $0x4D60;
	v7 =	vld.idx.msk [tilespmem:v7+s2+$0x0], $0xffff;
	v8 =	vor.u32 $0x1, v5;
	v9 =	vor.u32 $0x2, v5  }
.LBB2_9:
0x183: {  	v10 =	vld [tilespmem:s4+$0xFFFFFFE0];
	_ =	sdelay $0x4  }
0x184: {  	v11 =	vadd.s32 v5, v10  }
0x185: {  	v12 =	vadd.s32 v10, v8  }
0x186: {  	v10 =	vadd.s32 v10, v9;
	_ =	sdelay $0x1  }
0x187: {  	v13 =	vld [tilespmem:s31+$0xFFFFFFF0]  }
0x188: {  	v11 =	vld.idx.msk [tilespmem:v11+s17+$0x0], $0xffff  }
0x189: {  	v12 =	vld.idx.msk [tilespmem:v12+s17+$0x0], $0xffff  }
0x18a: {  	v10 =	vld.idx.msk [tilespmem:v10+s17+$0x0], $0xffff;
	_ =	sdelay $0x1  }
0x18b: {  	v14 =	vmul.f32 v13, v4  }
0x18c: {  	v49 =	vmul.f32 v13, v6;
	v13 =	vmul.f32 v13, v7  }
0x18d: {  	v11 =	vadd.f32 v11, v14  }
0x18e: {  	v51 =	vld [tilespmem:s4+$0xFFFFFFA0];
	v12 =	vadd.f32 v12, v49;
	v10 =	vadd.f32 v10, v13  }
0x18f: {  	v15 =	vld [tilespmem:s4+$0xFFFFFFB0];
	v50 =	vtrunc.f32 v11  }
0x190: {  	v18 =	vld [tilespmem:s4+$0xFFFFFFC0];
	v16 =	vtrunc.f32 v12;
	v17 =	vtrunc.f32 v10  }
0x191: {  	v13 =	vcvt.f32.s32 v50;
	v16 =	vcvt.f32.s32 v16  }
0x192: {  	v17 =	vcvt.f32.s32 v17  }
0x193: {  	v19 =	vcvt.s32.f32 v13;
	v20 =	vcvt.s32.f32 v16  }
0x194: {  	v21 =	vcvt.s32.f32 v17;
	v13 =	vmul.u32 v13, v51;
	v16 =	vmul.u32 v16, v15  }
0x195: {  	v17 =	vmul.u32 v17, v18;
	v11 =	vsub.f32 v11, v19  }
0x196: {  	v52 =	vld [tilespmem:s4+$0xFFFFFFD0];
	v12 =	vsub.f32 v12, v20;
	v10 =	vsub.f32 v10, v21;
	v22 =	vxor.u32 v13, v16  }
0x197: {  	v18 =	vadd.s32 v18, v17;
	v15 =	vadd.s32 v15, v16;
	v24 =	vxor.u32 v17, v22  }
0x198: {  	v22 =	vxor.u32 v22, v18;
	v55 =	vxor.u32 v13, v15;
	v53 =	vsub.f32 $1.000000000e+00, v11  }
0x199: {  	v13 =	vadd.s32 v51, v13;
	v54 =	vsub.f32 $1.000000000e+00, v12;
	v23 =	vsub.f32 $1.000000000e+00, v10  }
0x19a: {  	v24 =	vand.u32 $0x7FFFF, v24;
	v22 =	vand.u32 $0x7FFFF, v22;
	v56 =	vxor.u32 v17, v55  }
0x19b: {  	s3 =	sshra.s32 s2, $0x2;
	v58 =	vxor.u32 v18, v55;
	v16 =	vxor.u32 v16, v13;
	v24 =	vadd.s32 v52, v24  }
0x19c: {  	v22 =	vadd.s32 v52, v22;
	v57 =	vand.u32 $0x7FFFF, v56;
	v61 =	vxor.u32 v17, v16;
	[tilespmem:s3+$0x5B00] =	vst v24  }
0x19d: {  	v16 =	vxor.u32 v16, v18;
	[tilespmem:s3+$0x5B10] =	vst v22;
	v14 =	vadd.s32 v52, v57;
	v22 =	vand.u32 $0x7FFFF, v58  }
0x19e: {  	v25 =	vmul.f32 v54, v53;
	v62 =	vand.u32 $0x7FFFF, v61;
	[tilespmem:s3+$0x5B20] =	vst v14;
	v60 =	vadd.s32 v52, v22  }
0x19f: {  	v16 =	vand.u32 $0x7FFFF, v16;
	v14 =	vadd.s32 v52, v62;
	[tilespmem:s3+$0x5B30] =	vst v60  }
0x1a0: {  	v20 =	vmul.f32 v12, v53;
	v22 =	vadd.s32 v52, v16;
	v26 =	vmul.f32 v23, v25;
	[tilespmem:s3+$0x5B40] =	vst v14  }
0x1a1: {  	v25 =	vmul.f32 v25, v10;
	[tilespmem:s3+$0x5B50] =	vst v22  }
0x1a2: {  	v21 =	vmul.f32 v54, v11;
	v59 =	vmul.f32 v23, v20;
	[tilespmem:s3+$0x6B00] =	vst v26  }
0x1a3: {  	v20 =	vmul.f32 v10, v20;
	[tilespmem:s3+$0x6B10] =	vst v25  }
0x1a4: {  	v11 =	vmul.f32 v12, v11;
	v63 =	vmul.f32 v23, v21;
	[tilespmem:s3+$0x6B20] =	vst v59  }
0x1a5: {  	v24 =	vmul.f32 v21, v10;
	[tilespmem:s3+$0x6B30] =	vst v20  }
0x1a6: {  	v13 =	vxor.u32 v13, v15;
	v27 =	vmul.f32 v23, v11;
	[tilespmem:s3+$0x6B40] =	vst v63  }
0x1a7: {  	v10 =	vmul.f32 v10, v11;
	v25 =	vxor.u32 v17, v13;
	[tilespmem:s3+$0x6B50] =	vst v24  }
0x1a8: {  	v13 =	vxor.u32 v18, v13;
	[tilespmem:s3+$0x6B60] =	vst v27;
	v26 =	vand.u32 $0x7FFFF, v25  }
0x1a9: {  	[tilespmem:s3+$0x6B70] =	vst v10;
	v28 =	vand.u32 $0x7FFFF, v13;
	v12 =	vadd.s32 v52, v26  }
0x1aa: {  	[tilespmem:s3+$0x5B60] =	vst v12;
	v12 =	vadd.s32 v52, v28  }
0x1ab: {  	s5 =	sadd.s32 $0x5B00, s3;
	s6 =	sadd.s32 $0x7B00, s3;
	[tilespmem:s3+$0x5B70] =	vst v12  }
0x1ac: {  	[tilespmem:s6], [sflag:$0x2] =	stream.indirect.gather [hbm4b:s0+s20], $0x1, s5, s20, $0xb8;
	[tilespmem:$0x9700] =	vst v63  }
0x1ad: {  	s6 =	sadd.s32 $0x8B00, s3  }
0x1ae: {  	[tilespmem:s6], [sflag:$0x2] =	stream.indirect.gather [hbm4b:s1+s20], $0x1, s5, s20, $0xb8;
	[tilespmem:$0x9700] =	vst v63  }
0x1af: {  	v10 =	vld [tilespmem:s4+$0x40];
	_ =	sdelay $0x4  }
0x1b0: {  	v11 =	vadd.s32 v5, v10  }
0x1b1: {  	v29 =	vadd.s32 v10, v8  }
0x1b2: {  	v10 =	vadd.s32 v10, v9;
	_ =	sdelay $0x1  }
0x1b3: {  	v30 =	vld [tilespmem:s31+$0x0]  }
0x1b4: {  	v11 =	vld.idx.msk [tilespmem:v11+s17+$0x0], $0xffff  }
0x1b5: {  	v12 =	vld.idx.msk [tilespmem:v29+s17+$0x0], $0xffff  }
0x1b6: {  	v10 =	vld.idx.msk [tilespmem:v10+s17+$0x0], $0xffff;
	_ =	sdelay $0x1  }
0x1b7: {  	v31 =	vmul.f32 v30, v4  }
0x1b8: {  	v32 =	vmul.f32 v30, v6;
	v13 =	vmul.f32 v30, v7  }
0x1b9: {  	v11 =	vadd.f32 v11, v31  }
0x1ba: {  	v34 =	vld [tilespmem:s4+$0x0];
	v12 =	vadd.f32 v12, v32;
	v10 =	vadd.f32 v10, v13  }
0x1bb: {  	v15 =	vld [tilespmem:s4+$0x10];
	v33 =	vtrunc.f32 v11  }
0x1bc: {  	v37 =	vld [tilespmem:s4+$0x20];
	v35 =	vtrunc.f32 v12;
	v36 =	vtrunc.f32 v10  }
0x1bd: {  	v13 =	vcvt.f32.s32 v33;
	v16 =	vcvt.f32.s32 v35  }
0x1be: {  	v17 =	vcvt.f32.s32 v36  }
0x1bf: {  	v38 =	vcvt.s32.f32 v13;
	v39 =	vcvt.s32.f32 v16  }
0x1c0: {  	v40 =	vcvt.s32.f32 v17;
	v13 =	vmul.u32 v13, v34;
	v16 =	vmul.u32 v16, v15  }
0x1c1: {  	v17 =	vmul.u32 v17, v37;
	v11 =	vsub.f32 v11, v38  }
0x1c2: {  	v12 =	vsub.f32 v12, v39;
	v10 =	vsub.f32 v10, v40;
	v44 =	vxor.u32 v13, v16  }
0x1c3: {  	v41 =	vld [tilespmem:s4+$0x30];
	v18 =	vadd.s32 v37, v17;
	v15 =	vadd.s32 v15, v16;
	v46 =	vxor.u32 v17, v44  }
0x1c4: {  	v22 =	vxor.u32 v44, v18;
	v49 =	vxor.u32 v13, v15;
	v42 =	vsub.f32 $1.000000000e+00, v11  }
0x1c5: {  	v13 =	vadd.s32 v34, v13;
	v43 =	vsub.f32 $1.000000000e+00, v12;
	v45 =	vsub.f32 $1.000000000e+00, v10  }
0x1c6: {  	v24 =	vand.u32 $0x7FFFF, v46;
	v22 =	vand.u32 $0x7FFFF, v22;
	v50 =	vxor.u32 v17, v49  }
0x1c7: {  	v52 =	vxor.u32 v18, v49;
	v16 =	vxor.u32 v16, v13;
	v13 =	vxor.u32 v13, v15  }
0x1c8: {  	v24 =	vadd.s32 v41, v24;
	v22 =	vadd.s32 v41, v22;
	v51 =	vand.u32 $0x7FFFF, v50  }
0x1c9: {  	v55 =	vxor.u32 v17, v16;
	v16 =	vxor.u32 v16, v18;
	v60 =	vxor.u32 v17, v13;
	[tilespmem:s3+$0x5B80] =	vst v24  }
0x1ca: {  	v13 =	vxor.u32 v18, v13;
	[tilespmem:s3+$0x5B90] =	vst v22;
	v14 =	vadd.s32 v41, v51;
	v22 =	vand.u32 $0x7FFFF, v52  }
0x1cb: {  	v47 =	vmul.f32 v43, v42;
	v56 =	vand.u32 $0x7FFFF, v55;
	[tilespmem:s3+$0x5BA0] =	vst v14;
	v54 =	vadd.s32 v41, v22  }
0x1cc: {  	v20 =	vmul.f32 v12, v42;
	v16 =	vand.u32 $0x7FFFF, v16;
	v14 =	vadd.s32 v41, v56;
	[tilespmem:s3+$0x5BB0] =	vst v54  }
0x1cd: {  	v21 =	vmul.f32 v43, v11;
	v61 =	vand.u32 $0x7FFFF, v60;
	v58 =	vadd.s32 v41, v16;
	[tilespmem:s3+$0x5BC0] =	vst v14  }
0x1ce: {  	v11 =	vmul.f32 v12, v11;
	v63 =	vand.u32 $0x7FFFF, v13;
	v12 =	vadd.s32 v41, v61;
	[tilespmem:s3+$0x5BD0] =	vst v58  }
0x1cf: {  	v48 =	vmul.f32 v45, v47;
	[tilespmem:s3+$0x5BE0] =	vst v12;
	v12 =	vadd.s32 v41, v63  }
0x1d0: {  	v25 =	vmul.f32 v47, v10;
	[tilespmem:s3+$0x5BF0] =	vst v12  }
0x1d1: {  	v53 =	vmul.f32 v45, v20;
	[tilespmem:s3+$0x6B80] =	vst v48  }
0x1d2: {  	v20 =	vmul.f32 v10, v20;
	[tilespmem:s3+$0x6B90] =	vst v25  }
0x1d3: {  	v57 =	vmul.f32 v45, v21;
	[tilespmem:s3+$0x6BA0] =	vst v53  }
0x1d4: {  	v59 =	vmul.f32 v21, v10;
	[tilespmem:s3+$0x6BB0] =	vst v20  }
0x1d5: {  	s30 =	sadd.s32 $0x2, s30;
	v62 =	vmul.f32 v45, v11;
	[tilespmem:s3+$0x6BC0] =	vst v57  }
0x1d6: {  	p1 =	slt.u32 s30, $0xE;
	v10 =	vmul.f32 v10, v11;
	[tilespmem:s3+$0x6BD0] =	vst v59  }
.Ltmp3:
0x1d7: {  	[tilespmem:s3+$0x6BE0] =	vst v62;
	(pc) =	sbr.rel @p1 .LBB2_9-.Ltmp3, $4  }
0x1d8: {  	s2 =	sadd.s32 $0x400, s2;
	s5 =	sadd.s32 $0x5B80, s3;
	s6 =	sadd.s32 $0x7B80, s3;
	[tilespmem:s3+$0x6BF0] =	vst v10  }
0x1d9: {  	[tilespmem:s6], [sflag:$0x2] =	stream.indirect.gather [hbm4b:s0+s20], $0x1, s5, s20, $0xb8;
	[tilespmem:$0x9700] =	vst v63  }
0x1da: {  	s31 =	sadd.s32 $0x20, s31;
	s4 =	sadd.s32 $0xC0, s4;
	s3 =	sadd.s32 $0x8B80, s3  }
0x1db: {  	[tilespmem:s3], [sflag:$0x2] =	stream.indirect.gather [hbm4b:s1+s20], $0x1, s5, s20, $0xb8;
	[tilespmem:$0x9700] =	vst v63  }
0x1dc: {  	_ =	swait.ge [sflag:s21], $0x80  }
0x1dd: {  	[sflag:s21] =	ssyncset.done $0x0  }
0x1de: {  	[sflag:s21] =	ssyncadd.s32 $0xFFFFFF80  }
0x1df: {  	_ =	swait.ge [sflag:s21], $0x80  }
0x1e0: {  	[sflag:s21] =	ssyncset.done $0x0  }
0x1e1: {  	[sflag:s21] =	ssyncadd.s32 $0xFFFFFF80  }
0x1e2: {  	_ =	swait.ge [sflag:s21], $0x80  }
0x1e3: {  	[sflag:s21] =	ssyncset.done $0x0  }
0x1e4: {  	[sflag:s21] =	ssyncadd.s32 $0xFFFFFF80  }
0x1e5: {  	_ =	swait.ge [sflag:s21], $0x80  }
0x1e6: {  	[sflag:s21] =	ssyncset.done $0x0  }
0x1e7: {  	[sflag:s21] =	ssyncadd.s32 $0xFFFFFF80  }
0x1e8: {  	_ =	swait.ge [sflag:s21], $0x80  }
0x1e9: {  	[sflag:s21] =	ssyncset.done $0x0  }
0x1ea: {  	[sflag:s21] =	ssyncadd.s32 $0xFFFFFF80  }
0x1eb: {  	_ =	swait.ge [sflag:s21], $0x80  }
0x1ec: {  	[sflag:s21] =	ssyncset.done $0x0  }
0x1ed: {  	[sflag:s21] =	ssyncadd.s32 $0xFFFFFF80  }
0x1ee: {  	_ =	swait.ge [sflag:s21], $0x80  }
0x1ef: {  	[sflag:s21] =	ssyncset.done $0x0  }
0x1f0: {  	[sflag:s21] =	ssyncadd.s32 $0xFFFFFF80  }
0x1f1: {  	_ =	swait.ge [sflag:s21], $0x80  }
0x1f2: {  	[sflag:s21] =	ssyncset.done $0x0  }
0x1f3: {  	[sflag:s21] =	ssyncadd.s32 $0xFFFFFF80  }
0x1f4: {  	_ =	swait.ge [sflag:s21], $0x80  }
0x1f5: {  	[sflag:s21] =	ssyncset.done $0x0  }
0x1f6: {  	[sflag:s21] =	ssyncadd.s32 $0xFFFFFF80  }
0x1f7: {  	_ =	swait.ge [sflag:s21], $0x80  }
0x1f8: {  	[sflag:s21] =	ssyncset.done $0x0  }
0x1f9: {  	[sflag:s21] =	ssyncadd.s32 $0xFFFFFF80  }
0x1fa: {  	_ =	swait.ge [sflag:s21], $0x80  }
0x1fb: {  	[sflag:s21] =	ssyncset.done $0x0  }
0x1fc: {  	[sflag:s21] =	ssyncadd.s32 $0xFFFFFF80  }
0x1fd: {  	_ =	swait.ge [sflag:s21], $0x80  }
0x1fe: {  	[sflag:s21] =	ssyncset.done $0x0  }
0x1ff: {  	[sflag:s21] =	ssyncadd.s32 $0xFFFFFF80  }
0x200: {  	_ =	swait.ge [sflag:s21], $0x80  }
0x201: {  	[sflag:s21] =	ssyncset.done $0x0  }
0x202: {  	[sflag:s21] =	ssyncadd.s32 $0xFFFFFF80  }
0x203: {  	_ =	swait.ge [sflag:s21], $0x80  }
0x204: {  	[sflag:s21] =	ssyncset.done $0x0  }
0x205: {  	[sflag:s21] =	ssyncadd.s32 $0xFFFFFF80  }
0x206: {  	_ =	swait.ge [sflag:s21], $0x80  }
0x207: {  	[sflag:s21] =	ssyncset.done $0x0  }
0x208: {  	[sflag:s21] =	ssyncadd.s32 $0xFFFFFF80  }
0x209: {  	_ =	swait.ge [sflag:s21], $0x80  }
0x20a: {  	[sflag:s21] =	ssyncset.done $0x0  }
0x20b: {  	[sflag:s21] =	ssyncadd.s32 $0xFFFFFF80  }
0x20c: {  	_ =	swait.ge [sflag:s21], $0x80  }
0x20d: {  	[sflag:s21] =	ssyncset.done $0x0  }
0x20e: {  	[sflag:s21] =	ssyncadd.s32 $0xFFFFFF80  }
0x20f: {  	_ =	swait.ge [sflag:s21], $0x80  }
0x210: {  	[sflag:s21] =	ssyncset.done $0x0  }
0x211: {  	[sflag:s21] =	ssyncadd.s32 $0xFFFFFF80  }
0x212: {  	_ =	swait.ge [sflag:s21], $0x80  }
0x213: {  	[sflag:s21] =	ssyncset.done $0x0  }
0x214: {  	[sflag:s21] =	ssyncadd.s32 $0xFFFFFF80  }
0x215: {  	_ =	swait.ge [sflag:s21], $0x80  }
0x216: {  	[sflag:s21] =	ssyncset.done $0x0  }
0x217: {  	[sflag:s21] =	ssyncadd.s32 $0xFFFFFF80  }
0x218: {  	_ =	swait.ge [sflag:s21], $0x80  }
0x219: {  	[sflag:s21] =	ssyncset.done $0x0  }
0x21a: {  	[sflag:s21] =	ssyncadd.s32 $0xFFFFFF80  }
0x21b: {  	_ =	swait.ge [sflag:s21], $0x80  }
0x21c: {  	[sflag:s21] =	ssyncset.done $0x0  }
0x21d: {  	[sflag:s21] =	ssyncadd.s32 $0xFFFFFF80  }
0x21e: {  	_ =	swait.ge [sflag:s21], $0x80  }
0x21f: {  	[sflag:s21] =	ssyncset.done $0x0  }
0x220: {  	[sflag:s21] =	ssyncadd.s32 $0xFFFFFF80  }
0x221: {  	_ =	swait.ge [sflag:s21], $0x80  }
0x222: {  	[sflag:s21] =	ssyncset.done $0x0  }
0x223: {  	[sflag:s21] =	ssyncadd.s32 $0xFFFFFF80  }
0x224: {  	_ =	swait.ge [sflag:s21], $0x80  }
0x225: {  	[sflag:s21] =	ssyncset.done $0x0  }
0x226: {  	[sflag:s21] =	ssyncadd.s32 $0xFFFFFF80  }
0x227: {  	_ =	swait.ge [sflag:s21], $0x80  }
0x228: {  	[sflag:s21] =	ssyncset.done $0x0  }
0x229: {  	[sflag:s21] =	ssyncadd.s32 $0xFFFFFF80  }
0x22a: {  	_ =	swait.ge [sflag:s21], $0x80  }
0x22b: {  	[sflag:s21] =	ssyncset.done $0x0  }
0x22c: {  	[sflag:s21] =	ssyncadd.s32 $0xFFFFFF80  }
0x22d: {  	_ =	swait.ge [sflag:s21], $0x80  }
0x22e: {  	[sflag:s21] =	ssyncset.done $0x0  }
0x22f: {  	[sflag:s21] =	ssyncadd.s32 $0xFFFFFF80  }
0x230: {  	_ =	swait.ge [sflag:s21], $0x80  }
0x231: {  	[sflag:s21] =	ssyncset.done $0x0  }
0x232: {  	[sflag:s21] =	ssyncadd.s32 $0xFFFFFF80  }
0x233: {  	_ =	swait.ge [sflag:s21], $0x80  }
0x234: {  	[sflag:s21] =	ssyncset.done $0x0  }
0x235: {  	[sflag:s21] =	ssyncadd.s32 $0xFFFFFF80  }
0x236: {  	_ =	swait.ge [sflag:s21], $0x80  }
0x237: {  	[sflag:s21] =	ssyncset.done $0x0  }
0x238: {  	[sflag:s21] =	ssyncadd.s32 $0xFFFFFF80  }
0x239: {  	_ =	swait.ge [sflag:s21], $0x80  }
0x23a: {  	[sflag:s21] =	ssyncset.done $0x0  }
0x23b: {  	s2 =	simm.s32 @!p0 $0x3;
	[sflag:s21] =	ssyncadd.s32 $0xFFFFFF80  }
0x23c: {  	_ =	swait.ge @!p0 [sflag:s2], $0x200  }
0x23d: {  	[sflag:s2] =	ssyncset.done @!p0 $0x0  }
0x23e: {  	s31 =	simm.s32 $0x7380;
	[sflag:s2] =	ssyncadd.s32 @!p0 $0xFFFFFE00  }
0x23f: {  	s30 =	simm.s32 $0x8380;
	v6 =	vld [tilespmem:s31+$0xFFFFFFF0]  }
0x240: {  	v4 =	vld [tilespmem:s30+$0xFFFFFFD0]  }
0x241: {  	v7 =	vld [tilespmem:s30+$0xFFFFFFC0]  }
0x242: {  	v8 =	vld [tilespmem:s30+$0xFFFFFFB0]  }
0x243: {  	v9 =	vld [tilespmem:s30+$0xFFFFFF90]  }
0x244: {  	v10 =	vld [tilespmem:s30+$0xFFFFFF80]  }
0x245: {  	s3 =	simm.s32 $0x6380;
	v11 =	vld [tilespmem:s31+$0xFFFFFF80]  }
0x246: {  	v12 =	vld [tilespmem:s3+$0xFFFFFF80]  }
0x247: {  	v13 =	vld [tilespmem:s31+$0xFFFFFF90]  }
0x248: {  	v14 =	vld [tilespmem:s3+$0xFFFFFF90]  }
0x249: {  	v15 =	vld [tilespmem:s30+$0xFFFFFFA0]  }
0x24a: {  	v16 =	vld [tilespmem:s3+$0xFFFFFFA0]  }
0x24b: {  	v17 =	vld [tilespmem:s31+$0xFFFFFFA0];
	v10 =	vmul.f32 v10, v12  }
0x24c: {  	v18 =	vld [tilespmem:s31+$0xFFFFFFB0];
	v11 =	vmul.f32 v11, v12  }
0x24d: {  	v12 =	vld [tilespmem:s3+$0xFFFFFFB0];
	v9 =	vmul.f32 v9, v14;
	v10 =	vadd.f32 $0.0e+00, v10  }
0x24e: {  	v13 =	vmul.f32 v13, v14;
	v14 =	vld [tilespmem:s3+$0xFFFFFFC0];
	v11 =	vadd.f32 $0.0e+00, v11  }
0x24f: {  	v9 =	vadd.f32 v9, v10;
	v10 =	vmul.f32 v15, v16;
	v15 =	vld [tilespmem:s31+$0xFFFFFFC0]  }
0x250: {  	s2 =	simm.s32 $0x4DB0;
	v11 =	vadd.f32 v13, v11;
	v13 =	vmul.f32 v17, v16;
	v16 =	vld [tilespmem:s3+$0xFFFFFFD0]  }
0x251: {  	v17 =	vld [tilespmem:s2+$0xFFFFFFA0]  }
0x252: {  	v8 =	vmul.f32 v8, v12;
	v9 =	vadd.f32 v10, v9;
	v10 =	vld [tilespmem:s31+$0xFFFFFFD0]  }
0x253: {  	v12 =	vmul.f32 v18, v12;
	v11 =	vadd.f32 v13, v11;
	v13 =	vld [tilespmem:s3+$0xFFFFFFE0]  }
0x254: {  	v7 =	vmul.f32 v7, v14;
	v8 =	vadd.f32 v8, v9;
	v9 =	vld [tilespmem:s31+$0xFFFFFFE0]  }
0x255: {  	v5 =	vld [tilespmem:s30+$0xFFFFFFE0];
	v11 =	vadd.f32 v12, v11;
	v12 =	vmul.f32 v15, v14  }
0x256: {  	v15 =	vmul.f32 v4, v16;
	v7 =	vadd.f32 v7, v8;
	v8 =	vld [tilespmem:s3+$0xFFFFFFF0]  }
0x257: {  	v14 =	vld [tilespmem:s30+$0xFFFFFFF0];
	v4 =	vmul.u32 $0x20, v0;
	v11 =	vadd.f32 v12, v11;
	v10 =	vmul.f32 v10, v16;
	_ =	sdelay $0x1  }
0x258: {  	v12 =	vadd.s32 v4, v17;
	v10 =	vadd.f32 v10, v11;
	v9 =	vmul.f32 v9, v13  }
0x259: {  	v7 =	vadd.f32 v15, v7;
	v11 =	vmul.f32 v5, v13;
	v5 =	vor.u32 $0x1, v4  }
0x25a: {  	v13 =	vadd.s32 v5, v17;
	v9 =	vadd.f32 v9, v10;
	v6 =	vmul.f32 v6, v8  }
0x25b: {  	v7 =	vadd.f32 v11, v7;
	v8 =	vmul.f32 v14, v8  }
0x25c: {  	v6 =	vadd.f32 v6, v9  }
0x25d: {  	v7 =	vadd.f32 v8, v7  }
0x25e: {  	[tilespmem:v12+s22+$0x0] =	vst.idx.msk $0xffff, v6  }
0x25f: {  	[tilespmem:v13+s22+$0x0] =	vst.idx.msk $0xffff, v7  }
0x260: {  	v7 =	vld [tilespmem:s3+$0x40]  }
0x261: {  	v10 =	vld [tilespmem:s31+$0x40]  }
0x262: {  	v12 =	vld [tilespmem:s3+$0x10]  }
0x263: {  	v11 =	vld [tilespmem:s31+$0x10]  }
0x264: {  	v13 =	vld [tilespmem:s3+$0x20]  }
0x265: {  	v14 =	vld [tilespmem:s31+$0x20]  }
0x266: {  	v16 =	vld [tilespmem:s3+$0x30]  }
0x267: {  	v18 =	vld [tilespmem:s31+$0x30]  }
0x268: {  	v9 =	vld [tilespmem:s30+$0x0]  }
0x269: {  	v15 =	vld [tilespmem:s3+$0x0]  }
0x26a: {  	v17 =	vld [tilespmem:s31+$0x0]  }
0x26b: {  	v6 =	vld [tilespmem:s3+$0x70]  }
0x26c: {  	v19 =	vld [tilespmem:s30+$0x10]  }
0x26d: {  	v20 =	vld [tilespmem:s30+$0x20]  }
0x26e: {  	v21 =	vld [tilespmem:s30+$0x30]  }
0x26f: {  	v8 =	vld [tilespmem:s30+$0x60];
	v17 =	vmul.f32 v17, v15;
	v15 =	vmul.f32 v9, v15  }
0x270: {  	v9 =	vld [tilespmem:s31+$0x60];
	v22 =	vmul.f32 v11, v12  }
0x271: {  	v11 =	vld [tilespmem:s31+$0x50];
	v19 =	vmul.f32 v19, v12;
	v23 =	vadd.f32 $0.0e+00, v17;
	v15 =	vadd.f32 $0.0e+00, v15  }
0x272: {  	v14 =	vmul.f32 v14, v13;
	v17 =	vld [tilespmem:s30+$0x40]  }
0x273: {  	v12 =	vld [tilespmem:s3+$0x50];
	v20 =	vmul.f32 v20, v13;
	v22 =	vadd.f32 v22, v23;
	v23 =	vadd.f32 v19, v15  }
0x274: {  	v13 =	vmul.f32 v18, v16;
	v15 =	vld [tilespmem:s30+$0x50]  }
0x275: {  	v18 =	vmul.f32 v21, v16;
	v16 =	vld [tilespmem:s3+$0x60];
	v19 =	vadd.f32 v14, v22;
	v20 =	vadd.f32 v20, v23  }
0x276: {  	s4 =	simm.s32 $0x0;
	s5 =	simm.s32 $0x6480;
	v10 =	vmul.f32 v10, v7;
	s3 =	simm.s32 $0x8480;
	v14 =	vld [tilespmem:s2+$0x0]  }
.LBB2_11:
0x277: {  	s4 =	sadd.s32 $0x2, s4;
	v13 =	vadd.f32 v13, v19;
	v18 =	vadd.f32 v18, v20;
	v7 =	vmul.f32 v17, v7;
	v17 =	vld [tilespmem:s31+$0x70];
	s2 =	sadd.s32 $0xC0, s2;
	s31 =	sadd.s32 $0x100, s31  }
0x278: {  	p0 =	slt.u32 s4, $0xE;
	v11 =	vmul.f32 v11, v12;
	v19 =	vld [tilespmem:s30+$0x70];
	s30 =	smov.u32 s3  }
0x279: {  	v10 =	vadd.f32 v10, v13;
	v7 =	vadd.f32 v7, v18;
	v12 =	vmul.f32 v15, v12  }
0x27a: {  	v9 =	vmul.f32 v9, v16;
	v8 =	vmul.f32 v8, v16  }
0x27b: {  	v10 =	vadd.f32 v11, v10;
	v7 =	vadd.f32 v12, v7;
	v11 =	vadd.s32 v4, v14  }
0x27c: {  	v13 =	vadd.s32 v5, v14;
	v12 =	vmul.f32 v17, v6  }
0x27d: {  	v9 =	vadd.f32 v9, v10;
	v7 =	vadd.f32 v8, v7;
	v6 =	vmul.f32 v19, v6;
	_ =	sdelay $0x1  }
0x27e: {  	v8 =	vadd.f32 v12, v9;
	v6 =	vadd.f32 v6, v7;
	_ =	sdelay $0x1  }
0x27f: {  	[tilespmem:v11+s22+$0x0] =	vst.idx.msk $0xffff, v8  }
0x280: {  	[tilespmem:v13+s22+$0x0] =	vst.idx.msk $0xffff, v6  }
0x281: {  	v6 =	vld [tilespmem:s3+$0xFFFFFFF0]  }
0x282: {  	v7 =	vld [tilespmem:s31+$0xFFFFFFF0]  }
0x283: {  	v8 =	vld [tilespmem:s3+$0xFFFFFFE0]  }
0x284: {  	v9 =	vld [tilespmem:s3+$0xFFFFFFD0]  }
0x285: {  	v10 =	vld [tilespmem:s3+$0xFFFFFFC0]  }
0x286: {  	v11 =	vld [tilespmem:s3+$0xFFFFFFB0]  }
0x287: {  	v12 =	vld [tilespmem:s3+$0xFFFFFF90]  }
0x288: {  	v13 =	vld [tilespmem:s3+$0xFFFFFF80]  }
0x289: {  	v14 =	vld [tilespmem:s31+$0xFFFFFF80]  }
0x28a: {  	v15 =	vld [tilespmem:s5+$0xFFFFFF80]  }
0x28b: {  	v16 =	vld [tilespmem:s31+$0xFFFFFF90]  }
0x28c: {  	v17 =	vld [tilespmem:s5+$0xFFFFFF90]  }
0x28d: {  	v18 =	vld [tilespmem:s3+$0xFFFFFFA0]  }
0x28e: {  	v19 =	vld [tilespmem:s5+$0xFFFFFFA0]  }
0x28f: {  	v14 =	vmul.f32 v14, v15;
	v13 =	vmul.f32 v13, v15;
	v15 =	vld [tilespmem:s31+$0xFFFFFFA0]  }
0x290: {  	v20 =	vld [tilespmem:s5+$0xFFFFFFB0]  }
0x291: {  	v14 =	vadd.f32 $0.0e+00, v14;
	v13 =	vadd.f32 $0.0e+00, v13;
	v12 =	vmul.f32 v12, v17;
	v21 =	vld [tilespmem:s31+$0xFFFFFFB0]  }
0x292: {  	v16 =	vmul.f32 v16, v17;
	v17 =	vld [tilespmem:s5+$0xFFFFFFC0]  }
0x293: {  	v12 =	vadd.f32 v12, v13;
	v13 =	vmul.f32 v18, v19;
	v18 =	vld [tilespmem:s31+$0xFFFFFFC0]  }
0x294: {  	v14 =	vadd.f32 v16, v14;
	v15 =	vmul.f32 v15, v19;
	v16 =	vld [tilespmem:s5+$0xFFFFFFD0]  }
0x295: {  	v12 =	vadd.f32 v13, v12;
	v11 =	vmul.f32 v11, v20;
	v13 =	vld [tilespmem:s31+$0xFFFFFFD0]  }
0x296: {  	v14 =	vadd.f32 v15, v14;
	v15 =	vmul.f32 v21, v20;
	v19 =	vld [tilespmem:s5+$0xFFFFFFE0]  }
0x297: {  	v11 =	vadd.f32 v11, v12;
	v10 =	vmul.f32 v10, v17;
	v12 =	vld [tilespmem:s31+$0xFFFFFFE0]  }
0x298: {  	v20 =	vld [tilespmem:s2+$0xFFFFFFA0];
	v14 =	vadd.f32 v15, v14;
	v15 =	vmul.f32 v18, v17  }
0x299: {  	v10 =	vadd.f32 v10, v11;
	v9 =	vmul.f32 v9, v16;
	v11 =	vld [tilespmem:s5+$0xFFFFFFF0]  }
0x29a: {  	v14 =	vadd.f32 v15, v14;
	v13 =	vmul.f32 v13, v16  }
0x29b: {  	v9 =	vadd.f32 v9, v10;
	v8 =	vmul.f32 v8, v19  }
0x29c: {  	v10 =	vadd.f32 v13, v14;
	v12 =	vmul.f32 v12, v19  }
0x29d: {  	v8 =	vadd.f32 v8, v9;
	v9 =	vadd.s32 v4, v20;
	v13 =	vadd.s32 v5, v20  }
0x29e: {  	v10 =	vadd.f32 v12, v10;
	v7 =	vmul.f32 v7, v11;
	v6 =	vmul.f32 v6, v11;
	_ =	sdelay $0x1  }
0x29f: {  	v7 =	vadd.f32 v7, v10;
	v6 =	vadd.f32 v6, v8;
	_ =	sdelay $0x1  }
0x2a0: {  	[tilespmem:v9+s22+$0x0] =	vst.idx.msk $0xffff, v7  }
0x2a1: {  	[tilespmem:v13+s22+$0x0] =	vst.idx.msk $0xffff, v6  }
0x2a2: {  	v7 =	vld [tilespmem:s5+$0x40]  }
0x2a3: {  	v8 =	vld [tilespmem:s31+$0x40]  }
0x2a4: {  	v11 =	vld [tilespmem:s5+$0x10]  }
0x2a5: {  	v6 =	vld [tilespmem:s31+$0x10]  }
0x2a6: {  	v12 =	vld [tilespmem:s5+$0x20]  }
0x2a7: {  	v9 =	vld [tilespmem:s31+$0x20]  }
0x2a8: {  	v14 =	vld [tilespmem:s5+$0x30]  }
0x2a9: {  	v10 =	vld [tilespmem:s31+$0x30]  }
0x2aa: {  	v15 =	vld [tilespmem:s3+$0x0];
	v16 =	vmul.f32 v6, v11  }
0x2ab: {  	v17 =	vld [tilespmem:s5+$0x0]  }
0x2ac: {  	v18 =	vld [tilespmem:s31+$0x0];
	v19 =	vmul.f32 v9, v12  }
0x2ad: {  	v6 =	vld [tilespmem:s5+$0x70]  }
0x2ae: {  	v20 =	vld [tilespmem:s3+$0x10];
	v13 =	vmul.f32 v10, v14  }
0x2af: {  	v21 =	vld [tilespmem:s3+$0x20]  }
0x2b0: {  	v10 =	vmul.f32 v8, v7;
	v22 =	vld [tilespmem:s3+$0x30]  }
0x2b1: {  	v15 =	vmul.f32 v15, v17;
	v18 =	vmul.f32 v18, v17;
	v8 =	vld [tilespmem:s3+$0x60]  }
0x2b2: {  	v9 =	vld [tilespmem:s31+$0x60]  }
0x2b3: {  	v15 =	vadd.f32 $0.0e+00, v15;
	v18 =	vadd.f32 $0.0e+00, v18;
	v20 =	vmul.f32 v20, v11;
	v11 =	vld [tilespmem:s31+$0x50]  }
.Ltmp4:
0x2b4: {  	v21 =	vmul.f32 v21, v12;
	v17 =	vld [tilespmem:s3+$0x40];
	(pc) =	sbr.rel @p0 .LBB2_11-.Ltmp4, $4  }
0x2b5: {  	v16 =	vadd.f32 v16, v18;
	v20 =	vadd.f32 v20, v15;
	v18 =	vmul.f32 v22, v14;
	v12 =	vld [tilespmem:s5+$0x50]  }
0x2b6: {  	v15 =	vld [tilespmem:s3+$0x50]  }
0x2b7: {  	v19 =	vadd.f32 v19, v16;
	v20 =	vadd.f32 v21, v20;
	v16 =	vld [tilespmem:s5+$0x60]  }
0x2b8: {  	s3 =	sadd.s32 $0x100, s3;
	s5 =	sadd.s32 $0x100, s5;
	v14 =	vld [tilespmem:s2+$0x0]  }
0x2b9: {  	v13 =	vadd.f32 v13, v19  }
0x2ba: {  	v18 =	vadd.f32 v18, v20;
	v7 =	vmul.f32 v17, v7;
	v58 =	vld [tilespmem:s31+$0x70]  }
0x2bb: {  	v59 =	vld [tilespmem:s30+$0x70];
	v11 =	vmul.f32 v11, v12;
	v10 =	vadd.f32 v10, v13  }
0x2bc: {  	v7 =	vadd.f32 v7, v18;
	v60 =	vmul.f32 v15, v12  }
0x2bd: {  	v9 =	vmul.f32 v9, v16;
	v10 =	vadd.f32 v11, v10  }
0x2be: {  	v8 =	vmul.f32 v8, v16;
	v7 =	vadd.f32 v60, v7;
	v61 =	vadd.s32 v4, v14  }
0x2bf: {  	s28 =	sadd.s32 $0x1, s28;
	v5 =	vadd.s32 v5, v14;
	v62 =	vmul.f32 v58, v6;
	v9 =	vadd.f32 v9, v10  }
0x2c0: {  	p0 =	sne.s32 s28, $0x80;
	v6 =	vmul.f32 v59, v6;
	v7 =	vadd.f32 v8, v7  }
.Ltmp5:
0x2c1: {  	v63 =	vadd.f32 v62, v9;
	(pc) =	sbr.rel @p0 .LBB2_2-.Ltmp5, $4  }
0x2c2: {  	v6 =	vadd.f32 v6, v7  }
0x2c3: {  	[tilespmem:v61+s22+$0x0] =	vst.idx.msk $0xffff, v63  }
0x2c4: {  	s2 =	sadd.s32 s29, s11;
	[tilespmem:v5+s22+$0x0] =	vst.idx.msk $0xffff, v6  }
0x2c5: {  	[hbm4b:s2+s8] =	stream.linear.scatter [tilespmem:s22], [sflag:$0x3], $0x200, $0x38;
	[tilespmem:$0x9700] =	vst v63  }
0x2c6: {  	_ =	swait.ge [sflag:s23], $0x80  }
0x2c7: {  	[sflag:s23] =	ssyncset.done $0x0  }
0x2c8: {  	[sflag:s23] =	ssyncadd.s32 $0xFFFFFF80  }
0x2c9: {  	_ =	swait.ge [sflag:s23], $0x80  }
0x2ca: {  	[sflag:s23] =	ssyncset.done $0x0  }
0x2cb: {  	[sflag:s23] =	ssyncadd.s32 $0xFFFFFF80  }
0x2cc: {  	_ =	swait.ge [sflag:s23], $0x80  }
0x2cd: {  	[sflag:s23] =	ssyncset.done $0x0  }
0x2ce: {  	[sflag:s23] =	ssyncadd.s32 $0xFFFFFF80  }
0x2cf: {  	_ =	swait.ge [sflag:s23], $0x80  }
0x2d0: {  	[sflag:s23] =	ssyncset.done $0x0  }
0x2d1: {  	[sflag:s23] =	ssyncadd.s32 $0xFFFFFF80  }
0x2d2: {  	_ =	swait.ge [sflag:s23], $0x80  }
0x2d3: {  	[sflag:s23] =	ssyncset.done $0x0  }
0x2d4: {  	[sflag:s23] =	ssyncadd.s32 $0xFFFFFF80  }
0x2d5: {  	_ =	swait.ge [sflag:s23], $0x80  }
0x2d6: {  	[sflag:s23] =	ssyncset.done $0x0  }
0x2d7: {  	[sflag:s23] =	ssyncadd.s32 $0xFFFFFF80  }
0x2d8: {  	_ =	swait.ge [sflag:s23], $0x80  }
0x2d9: {  	[sflag:s23] =	ssyncset.done $0x0  }
0x2da: {  	[sflag:s23] =	ssyncadd.s32 $0xFFFFFF80  }
0x2db: {  	_ =	swait.ge [sflag:s23], $0x80  }
0x2dc: {  	[sflag:s23] =	ssyncset.done $0x0  }
0x2dd: {  	[sflag:s23] =	ssyncadd.s32 $0xFFFFFF80  }
0x2de: {  	_ =	swait.ge [sflag:s23], $0x80  }
0x2df: {  	[sflag:s23] =	ssyncset.done $0x0  }
0x2e0: {  	[sflag:s23] =	ssyncadd.s32 $0xFFFFFF80  }
0x2e1: {  	_ =	swait.ge [sflag:s23], $0x80  }
0x2e2: {  	[sflag:s23] =	ssyncset.done $0x0  }
0x2e3: {  	[sflag:s23] =	ssyncadd.s32 $0xFFFFFF80  }
0x2e4: {  	_ =	swait.ge [sflag:s23], $0x80  }
0x2e5: {  	[sflag:s23] =	ssyncset.done $0x0  }
0x2e6: {  	[sflag:s23] =	ssyncadd.s32 $0xFFFFFF80  }
0x2e7: {  	_ =	swait.ge [sflag:s23], $0x80  }
0x2e8: {  	[sflag:s23] =	ssyncset.done $0x0  }
0x2e9: {  	[sflag:s23] =	ssyncadd.s32 $0xFFFFFF80  }
0x2ea: {  	_ =	swait.ge [sflag:s23], $0x80  }
0x2eb: {  	[sflag:s23] =	ssyncset.done $0x0  }
0x2ec: {  	[sflag:s23] =	ssyncadd.s32 $0xFFFFFF80  }
0x2ed: {  	_ =	swait.ge [sflag:s23], $0x80  }
0x2ee: {  	[sflag:s23] =	ssyncset.done $0x0  }
0x2ef: {  	[sflag:s23] =	ssyncadd.s32 $0xFFFFFF80  }
0x2f0: {  	_ =	swait.ge [sflag:s23], $0x80  }
0x2f1: {  	[sflag:s23] =	ssyncset.done $0x0  }
0x2f2: {  	[sflag:s23] =	ssyncadd.s32 $0xFFFFFF80  }
0x2f3: {  	_ =	swait.ge [sflag:s23], $0x80  }
0x2f4: {  	[sflag:s23] =	ssyncset.done $0x0  }
0x2f5: {  	[sflag:s23] =	ssyncadd.s32 $0xFFFFFF80  }
0x2f6: {  	_ =	swait.ge [sflag:s23], $0x80  }
0x2f7: {  	[sflag:s23] =	ssyncset.done $0x0  }
0x2f8: {  	[sflag:s23] =	ssyncadd.s32 $0xFFFFFF80  }
0x2f9: {  	_ =	swait.ge [sflag:s23], $0x80  }
0x2fa: {  	[sflag:s23] =	ssyncset.done $0x0  }
0x2fb: {  	[sflag:s23] =	ssyncadd.s32 $0xFFFFFF80  }
0x2fc: {  	_ =	swait.ge [sflag:s23], $0x80  }
0x2fd: {  	[sflag:s23] =	ssyncset.done $0x0  }
0x2fe: {  	[sflag:s23] =	ssyncadd.s32 $0xFFFFFF80  }
0x2ff: {  	_ =	swait.ge [sflag:s23], $0x80  }
0x300: {  	[sflag:s23] =	ssyncset.done $0x0  }
0x301: {  	[sflag:s23] =	ssyncadd.s32 $0xFFFFFF80  }
0x302: {  	_ =	swait.ge [sflag:s23], $0x80  }
0x303: {  	[sflag:s23] =	ssyncset.done $0x0  }
0x304: {  	[sflag:s23] =	ssyncadd.s32 $0xFFFFFF80  }
0x305: {  	_ =	swait.ge [sflag:s23], $0x80  }
0x306: {  	[sflag:s23] =	ssyncset.done $0x0  }
0x307: {  	[sflag:s23] =	ssyncadd.s32 $0xFFFFFF80  }
0x308: {  	_ =	swait.ge [sflag:s23], $0x80  }
0x309: {  	[sflag:s23] =	ssyncset.done $0x0  }
0x30a: {  	[sflag:s23] =	ssyncadd.s32 $0xFFFFFF80  }
0x30b: {  	_ =	swait.ge [sflag:s23], $0x80  }
0x30c: {  	[sflag:s23] =	ssyncset.done $0x0  }
0x30d: {  	[sflag:s23] =	ssyncadd.s32 $0xFFFFFF80  }
0x30e: {  	_ =	swait.ge [sflag:s23], $0x80  }
0x30f: {  	[sflag:s23] =	ssyncset.done $0x0  }
0x310: {  	[sflag:s23] =	ssyncadd.s32 $0xFFFFFF80  }
0x311: {  	_ =	swait.ge [sflag:s23], $0x80  }
0x312: {  	[sflag:s23] =	ssyncset.done $0x0  }
0x313: {  	[sflag:s23] =	ssyncadd.s32 $0xFFFFFF80  }
0x314: {  	_ =	swait.ge [sflag:s23], $0x80  }
0x315: {  	[sflag:s23] =	ssyncset.done $0x0  }
0x316: {  	[sflag:s23] =	ssyncadd.s32 $0xFFFFFF80  }
0x317: {  	_ =	swait.ge [sflag:s23], $0x80  }
0x318: {  	[sflag:s23] =	ssyncset.done $0x0  }
0x319: {  	[sflag:s23] =	ssyncadd.s32 $0xFFFFFF80  }
0x31a: {  	_ =	swait.ge [sflag:s23], $0x80  }
0x31b: {  	[sflag:s23] =	ssyncset.done $0x0  }
0x31c: {  	[sflag:s23] =	ssyncadd.s32 $0xFFFFFF80  }
0x31d: {  	_ =	swait.ge [sflag:s23], $0x80  }
0x31e: {  	[sflag:s23] =	ssyncset.done $0x0  }
0x31f: {  	[sflag:s23] =	ssyncadd.s32 $0xFFFFFF80  }
0x320: {  	_ =	swait.ge [sflag:s23], $0x80  }
0x321: {  	[sflag:s23] =	ssyncset.done $0x0  }
0x322: {  	[sflag:s23] =	ssyncadd.s32 $0xFFFFFF80  }
0x323: {  	_ =	swait.ge [sflag:s23], $0x80  }
0x324: {  	[sflag:s23] =	ssyncset.done $0x0  }
0x325: {  	[sflag:s23] =	ssyncadd.s32 $0xFFFFFF80  }
0x326: {  	_ =	swait.ge [sflag:s24], $0x200  }
0x327: {  	[sflag:s24] =	ssyncset.done $0x0  }
0x328: {  	s29 =	simm.s32 $0x7BF0;
	[sflag:s24] =	ssyncadd.s32 $0xFFFFFE00  }
0x329: {  	s28 =	simm.s32 $0x8BF0;
	v6 =	vld [tilespmem:s29+$0xFFFFFF80]  }
0x32a: {  	v7 =	vld [tilespmem:s28+$0xFFFFFF70]  }
0x32b: {  	v5 =	vld [tilespmem:s28+$0xFFFFFF60]  }
0x32c: {  	v8 =	vld [tilespmem:s28+$0xFFFFFF50]  }
0x32d: {  	v9 =	vld [tilespmem:s28+$0xFFFFFF40]  }
0x32e: {  	v10 =	vld [tilespmem:s28+$0xFFFFFF20]  }
0x32f: {  	v11 =	vld [tilespmem:s28+$0xFFFFFF10]  }
0x330: {  	s2 =	simm.s32 $0x6BF0;
	v12 =	vld [tilespmem:s29+$0xFFFFFF10]  }
0x331: {  	v13 =	vld [tilespmem:s2+$0xFFFFFF10]  }
0x332: {  	v14 =	vld [tilespmem:s29+$0xFFFFFF20]  }
0x333: {  	v15 =	vld [tilespmem:s2+$0xFFFFFF20]  }
0x334: {  	v16 =	vld [tilespmem:s28+$0xFFFFFF30]  }
0x335: {  	v17 =	vld [tilespmem:s2+$0xFFFFFF30]  }
0x336: {  	v18 =	vld [tilespmem:s29+$0xFFFFFF30];
	v11 =	vmul.f32 v11, v13  }
0x337: {  	v12 =	vmul.f32 v12, v13;
	v13 =	vld [tilespmem:s2+$0xFFFFFF40]  }
0x338: {  	v19 =	vld [tilespmem:s29+$0xFFFFFF40];
	v10 =	vmul.f32 v10, v15;
	v11 =	vadd.f32 $0.0e+00, v11  }
0x339: {  	v14 =	vmul.f32 v14, v15;
	v15 =	vld [tilespmem:s2+$0xFFFFFF50];
	v12 =	vadd.f32 $0.0e+00, v12  }
0x33a: {  	v10 =	vadd.f32 v10, v11;
	v11 =	vmul.f32 v16, v17;
	v16 =	vld [tilespmem:s29+$0xFFFFFF50]  }
0x33b: {  	v12 =	vadd.f32 v14, v12;
	v14 =	vmul.f32 v18, v17;
	v17 =	vld [tilespmem:s2+$0xFFFFFF60]  }
0x33c: {  	v9 =	vmul.f32 v9, v13;
	v10 =	vadd.f32 v11, v10;
	v11 =	vld [tilespmem:s29+$0xFFFFFF60]  }
0x33d: {  	v13 =	vmul.f32 v19, v13;
	v12 =	vadd.f32 v14, v12;
	v14 =	vld [tilespmem:s2+$0xFFFFFF70]  }
0x33e: {  	s3 =	simm.s32 $0x4DB0;
	v8 =	vmul.f32 v8, v15;
	v9 =	vadd.f32 v9, v10;
	v10 =	vld [tilespmem:s29+$0xFFFFFF70]  }
0x33f: {  	v18 =	vld [tilespmem:s3+$0xFFFFFFA0];
	v12 =	vadd.f32 v13, v12;
	v13 =	vmul.f32 v16, v15  }
0x340: {  	v5 =	vmul.f32 v5, v17;
	v8 =	vadd.f32 v8, v9;
	v9 =	vld [tilespmem:s2+$0xFFFFFF80]  }
0x341: {  	v15 =	vld [tilespmem:s28+$0xFFFFFF80];
	v12 =	vadd.f32 v13, v12;
	v11 =	vmul.f32 v11, v17  }
0x342: {  	v8 =	vadd.f32 v5, v8  }
0x343: {  	v5 =	vor.u32 $0x200, v4;
	v11 =	vadd.f32 v11, v12;
	v10 =	vmul.f32 v10, v14  }
0x344: {  	v7 =	vmul.f32 v7, v14;
	v4 =	vor.u32 $0x201, v4;
	v12 =	vadd.s32 v5, v18  }
0x345: {  	v13 =	vadd.s32 v4, v18;
	v10 =	vadd.f32 v10, v11;
	v6 =	vmul.f32 v6, v9  }
0x346: {  	v7 =	vadd.f32 v7, v8;
	v8 =	vmul.f32 v15, v9  }
0x347: {  	v6 =	vadd.f32 v6, v10  }
0x348: {  	v7 =	vadd.f32 v8, v7  }
0x349: {  	[tilespmem:v12+s22+$0x0] =	vst.idx.msk $0xffff, v6  }
0x34a: {  	[tilespmem:v13+s22+$0x0] =	vst.idx.msk $0xffff, v7  }
0x34b: {  	v7 =	vld [tilespmem:s2+$0xFFFFFFD0]  }
0x34c: {  	v10 =	vld [tilespmem:s29+$0xFFFFFFD0]  }
0x34d: {  	v12 =	vld [tilespmem:s2+$0xFFFFFFA0]  }
0x34e: {  	v11 =	vld [tilespmem:s29+$0xFFFFFFA0]  }
0x34f: {  	v13 =	vld [tilespmem:s2+$0xFFFFFFB0]  }
0x350: {  	v14 =	vld [tilespmem:s29+$0xFFFFFFB0]  }
0x351: {  	v16 =	vld [tilespmem:s2+$0xFFFFFFC0]  }
0x352: {  	v18 =	vld [tilespmem:s29+$0xFFFFFFC0]  }
0x353: {  	v9 =	vld [tilespmem:s28+$0xFFFFFF90]  }
0x354: {  	v15 =	vld [tilespmem:s2+$0xFFFFFF90]  }
0x355: {  	v17 =	vld [tilespmem:s29+$0xFFFFFF90]  }
0x356: {  	v6 =	vld [tilespmem:s2+$0x0]  }
0x357: {  	v19 =	vld [tilespmem:s28+$0xFFFFFFA0]  }
0x358: {  	v20 =	vld [tilespmem:s28+$0xFFFFFFB0]  }
0x359: {  	v21 =	vld [tilespmem:s28+$0xFFFFFFC0]  }
0x35a: {  	v8 =	vld [tilespmem:s28+$0xFFFFFFF0];
	v17 =	vmul.f32 v17, v15;
	v15 =	vmul.f32 v9, v15  }
0x35b: {  	v9 =	vld [tilespmem:s29+$0xFFFFFFF0];
	v22 =	vmul.f32 v11, v12  }
0x35c: {  	v11 =	vld [tilespmem:s29+$0xFFFFFFE0];
	v19 =	vmul.f32 v19, v12;
	v23 =	vadd.f32 $0.0e+00, v17;
	v15 =	vadd.f32 $0.0e+00, v15  }
0x35d: {  	v14 =	vmul.f32 v14, v13;
	v17 =	vld [tilespmem:s28+$0xFFFFFFD0]  }
0x35e: {  	v12 =	vld [tilespmem:s2+$0xFFFFFFE0];
	v20 =	vmul.f32 v20, v13;
	v22 =	vadd.f32 v22, v23;
	v23 =	vadd.f32 v19, v15  }
0x35f: {  	v13 =	vmul.f32 v18, v16;
	v15 =	vld [tilespmem:s28+$0xFFFFFFE0]  }
0x360: {  	v18 =	vmul.f32 v21, v16;
	v16 =	vld [tilespmem:s2+$0xFFFFFFF0];
	v19 =	vadd.f32 v14, v22;
	v20 =	vadd.f32 v20, v23  }
0x361: {  	s4 =	simm.s32 $0x0;
	s5 =	simm.s32 $0x4E70;
	v10 =	vmul.f32 v10, v7;
	v14 =	vld [tilespmem:s3+$0x0];
	s3 =	simm.s32 $0x8CF0  }
.LBB2_14:
0x362: {  	s4 =	sadd.s32 $0x2, s4;
	v13 =	vadd.f32 v13, v19;
	v18 =	vadd.f32 v18, v20;
	v7 =	vmul.f32 v17, v7;
	v17 =	vld [tilespmem:s29+$0x0];
	s2 =	sadd.s32 $0x100, s2;
	s29 =	sadd.s32 $0x100, s29  }
0x363: {  	p0 =	slt.u32 s4, $0xE;
	v11 =	vmul.f32 v11, v12;
	v19 =	vld [tilespmem:s28+$0x0];
	s28 =	smov.u32 s3  }
0x364: {  	v10 =	vadd.f32 v10, v13;
	v7 =	vadd.f32 v7, v18;
	v12 =	vmul.f32 v15, v12  }
0x365: {  	v9 =	vmul.f32 v9, v16;
	v8 =	vmul.f32 v8, v16  }
0x366: {  	v10 =	vadd.f32 v11, v10;
	v7 =	vadd.f32 v12, v7;
	v11 =	vadd.s32 v5, v14  }
0x367: {  	v13 =	vadd.s32 v4, v14;
	v12 =	vmul.f32 v17, v6  }
0x368: {  	v9 =	vadd.f32 v9, v10;
	v7 =	vadd.f32 v8, v7;
	v6 =	vmul.f32 v19, v6;
	_ =	sdelay $0x1  }
0x369: {  	v8 =	vadd.f32 v12, v9;
	v6 =	vadd.f32 v6, v7;
	_ =	sdelay $0x1  }
0x36a: {  	[tilespmem:v11+s22+$0x0] =	vst.idx.msk $0xffff, v8  }
0x36b: {  	[tilespmem:v13+s22+$0x0] =	vst.idx.msk $0xffff, v6  }
0x36c: {  	v6 =	vld [tilespmem:s3+$0xFFFFFF80]  }
0x36d: {  	v7 =	vld [tilespmem:s29+$0xFFFFFF80]  }
0x36e: {  	v8 =	vld [tilespmem:s3+$0xFFFFFF70]  }
0x36f: {  	v9 =	vld [tilespmem:s3+$0xFFFFFF60]  }
0x370: {  	v10 =	vld [tilespmem:s3+$0xFFFFFF50]  }
0x371: {  	v11 =	vld [tilespmem:s3+$0xFFFFFF40]  }
0x372: {  	v12 =	vld [tilespmem:s3+$0xFFFFFF20]  }
0x373: {  	v13 =	vld [tilespmem:s3+$0xFFFFFF10]  }
0x374: {  	v14 =	vld [tilespmem:s29+$0xFFFFFF10]  }
0x375: {  	v15 =	vld [tilespmem:s2+$0xFFFFFF10]  }
0x376: {  	v16 =	vld [tilespmem:s29+$0xFFFFFF20]  }
0x377: {  	v17 =	vld [tilespmem:s2+$0xFFFFFF20]  }
0x378: {  	v18 =	vld [tilespmem:s3+$0xFFFFFF30]  }
0x379: {  	v19 =	vld [tilespmem:s2+$0xFFFFFF30]  }
0x37a: {  	v14 =	vmul.f32 v14, v15;
	v13 =	vmul.f32 v13, v15;
	v15 =	vld [tilespmem:s29+$0xFFFFFF30]  }
0x37b: {  	v20 =	vld [tilespmem:s2+$0xFFFFFF40]  }
0x37c: {  	v14 =	vadd.f32 $0.0e+00, v14;
	v13 =	vadd.f32 $0.0e+00, v13;
	v12 =	vmul.f32 v12, v17;
	v21 =	vld [tilespmem:s29+$0xFFFFFF40]  }
0x37d: {  	v16 =	vmul.f32 v16, v17;
	v17 =	vld [tilespmem:s2+$0xFFFFFF50]  }
0x37e: {  	v12 =	vadd.f32 v12, v13;
	v13 =	vmul.f32 v18, v19;
	v18 =	vld [tilespmem:s29+$0xFFFFFF50]  }
0x37f: {  	v14 =	vadd.f32 v16, v14;
	v15 =	vmul.f32 v15, v19;
	v16 =	vld [tilespmem:s2+$0xFFFFFF60]  }
0x380: {  	v12 =	vadd.f32 v13, v12;
	v11 =	vmul.f32 v11, v20;
	v13 =	vld [tilespmem:s29+$0xFFFFFF60]  }
0x381: {  	v14 =	vadd.f32 v15, v14;
	v15 =	vmul.f32 v21, v20;
	v19 =	vld [tilespmem:s2+$0xFFFFFF70]  }
0x382: {  	v11 =	vadd.f32 v11, v12;
	v10 =	vmul.f32 v10, v17;
	v12 =	vld [tilespmem:s29+$0xFFFFFF70]  }
0x383: {  	v20 =	vld [tilespmem:s5+$0xFFFFFFA0];
	v14 =	vadd.f32 v15, v14;
	v15 =	vmul.f32 v18, v17  }
0x384: {  	v10 =	vadd.f32 v10, v11;
	v9 =	vmul.f32 v9, v16;
	v11 =	vld [tilespmem:s2+$0xFFFFFF80]  }
0x385: {  	v14 =	vadd.f32 v15, v14;
	v13 =	vmul.f32 v13, v16  }
0x386: {  	v9 =	vadd.f32 v9, v10;
	v8 =	vmul.f32 v8, v19  }
0x387: {  	v10 =	vadd.f32 v13, v14;
	v12 =	vmul.f32 v12, v19  }
0x388: {  	v8 =	vadd.f32 v8, v9;
	v9 =	vadd.s32 v5, v20;
	v13 =	vadd.s32 v4, v20  }
0x389: {  	v10 =	vadd.f32 v12, v10;
	v7 =	vmul.f32 v7, v11;
	v6 =	vmul.f32 v6, v11;
	_ =	sdelay $0x1  }
0x38a: {  	v7 =	vadd.f32 v7, v10;
	v6 =	vadd.f32 v6, v8;
	_ =	sdelay $0x1  }
0x38b: {  	[tilespmem:v9+s22+$0x0] =	vst.idx.msk $0xffff, v7  }
0x38c: {  	[tilespmem:v13+s22+$0x0] =	vst.idx.msk $0xffff, v6  }
0x38d: {  	v7 =	vld [tilespmem:s2+$0xFFFFFFD0]  }
0x38e: {  	v8 =	vld [tilespmem:s29+$0xFFFFFFD0]  }
0x38f: {  	v11 =	vld [tilespmem:s2+$0xFFFFFFA0]  }
0x390: {  	v6 =	vld [tilespmem:s29+$0xFFFFFFA0]  }
0x391: {  	v12 =	vld [tilespmem:s2+$0xFFFFFFB0]  }
0x392: {  	v9 =	vld [tilespmem:s29+$0xFFFFFFB0]  }
0x393: {  	v14 =	vld [tilespmem:s2+$0xFFFFFFC0]  }
0x394: {  	v10 =	vld [tilespmem:s29+$0xFFFFFFC0]  }
0x395: {  	v15 =	vld [tilespmem:s3+$0xFFFFFF90];
	v16 =	vmul.f32 v6, v11  }
0x396: {  	v17 =	vld [tilespmem:s2+$0xFFFFFF90]  }
0x397: {  	v18 =	vld [tilespmem:s29+$0xFFFFFF90];
	v19 =	vmul.f32 v9, v12  }
0x398: {  	v6 =	vld [tilespmem:s2+$0x0]  }
0x399: {  	v20 =	vld [tilespmem:s3+$0xFFFFFFA0];
	v13 =	vmul.f32 v10, v14  }
0x39a: {  	v21 =	vld [tilespmem:s3+$0xFFFFFFB0]  }
0x39b: {  	v10 =	vmul.f32 v8, v7;
	v22 =	vld [tilespmem:s3+$0xFFFFFFC0]  }
0x39c: {  	v15 =	vmul.f32 v15, v17;
	v18 =	vmul.f32 v18, v17;
	v8 =	vld [tilespmem:s3+$0xFFFFFFF0]  }
0x39d: {  	v9 =	vld [tilespmem:s29+$0xFFFFFFF0]  }
0x39e: {  	v15 =	vadd.f32 $0.0e+00, v15;
	v18 =	vadd.f32 $0.0e+00, v18;
	v20 =	vmul.f32 v20, v11;
	v11 =	vld [tilespmem:s29+$0xFFFFFFE0]  }
.Ltmp6:
0x39f: {  	v21 =	vmul.f32 v21, v12;
	v17 =	vld [tilespmem:s3+$0xFFFFFFD0];
	(pc) =	sbr.rel @p0 .LBB2_14-.Ltmp6, $4  }
0x3a0: {  	v16 =	vadd.f32 v16, v18;
	v20 =	vadd.f32 v20, v15;
	v18 =	vmul.f32 v22, v14;
	v12 =	vld [tilespmem:s2+$0xFFFFFFE0]  }
0x3a1: {  	v15 =	vld [tilespmem:s3+$0xFFFFFFE0]  }
0x3a2: {  	v19 =	vadd.f32 v19, v16;
	v20 =	vadd.f32 v21, v20;
	v16 =	vld [tilespmem:s2+$0xFFFFFFF0]  }
0x3a3: {  	s3 =	sadd.s32 $0x100, s3;
	v14 =	vld [tilespmem:s5+$0x0];
	s5 =	sadd.s32 $0xC0, s5  }
0x3a4: {  	v13 =	vadd.f32 v13, v19  }
0x3a5: {  	v18 =	vadd.f32 v18, v20;
	v7 =	vmul.f32 v17, v7;
	v58 =	vld [tilespmem:s29+$0x0]  }
0x3a6: {  	v59 =	vld [tilespmem:s28+$0x0];
	v11 =	vmul.f32 v11, v12;
	v10 =	vadd.f32 v10, v13  }
0x3a7: {  	v7 =	vadd.f32 v7, v18;
	v60 =	vmul.f32 v15, v12  }
0x3a8: {  	v9 =	vmul.f32 v9, v16;
	v10 =	vadd.f32 v11, v10  }
0x3a9: {  	v8 =	vmul.f32 v8, v16;
	v7 =	vadd.f32 v60, v7;
	v5 =	vadd.s32 v5, v14  }
0x3aa: {  	v4 =	vadd.s32 v4, v14;
	v61 =	vmul.f32 v58, v6;
	v9 =	vadd.f32 v9, v10  }
0x3ab: {  	v62 =	vmul.f32 v59, v6;
	v7 =	vadd.f32 v8, v7  }
0x3ac: {  	v63 =	vadd.f32 v61, v9  }
0x3ad: {  	s26 =	sadd.s32 $0x1, s26;
	v6 =	vadd.f32 v62, v7  }
0x3ae: {  	p0 =	sne.s32 s26, s14;
	[tilespmem:v5+s22+$0x0] =	vst.idx.msk $0xffff, v63  }
.Ltmp7:
0x3af: {  	[tilespmem:v4+s22+$0x0] =	vst.idx.msk $0xffff, v6;
	(pc) =	sbr.rel @p0 .LBB2_1-.Ltmp7, $4  }
0x3b0: {  	[hbm4b:s13+s8] =	stream.linear.scatter [tilespmem:s25], [sflag:$0x3], $0x200, $0x38;
	[tilespmem:$0x9700] =	vst v63  }
0x3b1: {  	_ =	swait.ge [sflag:s24], $0x200  }
0x3b2: {  	[sflag:s24] =	ssyncset.done $0x0  }
0x3b3: {  	[sflag:s24] =	ssyncadd.s32 $0xFFFFFE00  }
0x3b4: {  	_ =	sfence.sel $0x180000  }
0x3b5: {  	[bflag:$0x0] =	sbarrier.arrive $0xFFFF  }
0x3b6: {  	_ =	strace $0x90000047  }
0x3b7: {  	s0 =	stileid.u32;
	[bflag:$0x2] =	sbarrier.arrive $0xFFFF  }
0x3b8: {  	p0 =	sne.s32 s0, $0x0;
	s0 =	rddreg [dreg:$0x8]  }
0x3b9: {  	s0 =	sadd.s32 @!p0 $0x100000, s0  }
0x3ba: {  	[sflag:s0] =	ssyncadd.tile.s32 @!p0 $0x1;
	_ =	shalt  }
.Lfunc_end2:
_tile_overlayer_lowered:
.L_overlay_start_2:
0x3bb: {  	(tag) =	ssettag $0x2  }
0x3bc: {  	s0 =	rddreg [dreg:$0x0];
	s2 =	stileid.u32  }
0x3bd: {  	s1 =	rddreg [dreg:$0x1];
	p0 =	sne.s32 s2, $0x0  }
0x3be: {  	s3 =	rddreg [dreg:$0x2];
	[bflag:$0x3] =	sbarrier.arrive $0xFFFF;
	s2 =	simm.s32 @!p0 $0x1C04  }
0x3bf: {  	[timem:s3], [sflag:s2] =	dma.local @!p0 [hbm:s0], s1  }
0x3c0: {  	s0 =	simm.s32 @!p0 $0x4  }
0x3c1: {  	_ =	swait.ge @!p0 [sflag:s0], s1  }
0x3c2: {  	s1 =	ssub.s32 @!p0 $0x0, s1;
	[sflag:s0] =	ssyncset.done @!p0 $0x0  }
0x3c3: {  	[sflag:s0] =	ssyncadd.s32 @!p0 s1  }
0x3c4: {  	[bflag:$0x3] =	sbarrier.arrive $0xFFFF  }
0x3c5: {  	_ =	shalt  }

</sc_bundles>
